<compile_context>
chip_gen: v7x
topology: tpu7x:2x2x1
jax: 0.10.2.dev20260603
libtpu: 0.0.44.dev20260713+nightly
codegen_flags: <defaults>
</compile_context>

<pallas_src>
import functools

import jax
import jax.numpy as jnp
import numpy as np
from jax import lax
from jax.experimental import pallas as pl
from jax.experimental.pallas import tpu as pltpu
from jax.experimental.pallas import tpu_sc as plsc

T = 2048
D = 768
H = 12
DH = D // H
E = 8
FF = 4 * D

BM = 256
NB = 2 * T // BM + E
M = NB * BM
FB = 3072
FT = FF // FB

_NEG = float(np.finfo(np.float32).min)


def _qkv_body(x_ref, g_ref, b_ref, w_ref, q_ref, k_ref, v_ref):
    x = x_ref[...]
    m = jnp.mean(x, axis=-1, keepdims=True)
    v = jnp.mean((x - m) * (x - m), axis=-1, keepdims=True)
    h = (x - m) * jax.lax.rsqrt(v + 1e-5) * g_ref[...] + b_ref[...]
    qkv = jnp.dot(h, w_ref[...], preferred_element_type=jnp.float32)
    for hh in range(H):
        q_ref[hh] = qkv[:, hh * DH:(hh + 1) * DH]
        k_ref[hh] = qkv[:, D + hh * DH:D + (hh + 1) * DH]
        v_ref[hh] = qkv[:, 2 * D + hh * DH:2 * D + (hh + 1) * DH]


def _qkv(x, g, b, wq, wk, wv):
    blk = 256
    grid = (T // blk,)
    wqkv = jnp.concatenate([wq, wk, wv], axis=1)
    spec_x = pl.BlockSpec((blk, D), lambda i: (i, 0))
    spec_w = pl.BlockSpec((D, 3 * D), lambda i: (0, 0))
    spec_v = pl.BlockSpec((1, D), lambda i: (0, 0))
    spec_h = pl.BlockSpec((H, blk, DH), lambda i: (0, i, 0))
    return pl.pallas_call(
        _qkv_body,
        grid=grid,
        in_specs=[spec_x, spec_v, spec_v, spec_w],
        out_specs=[spec_h, spec_h, spec_h],
        out_shape=[jax.ShapeDtypeStruct((H, T, DH), jnp.float32)] * 3,
    )(x, g.reshape(1, D), b.reshape(1, D), wqkv)


def _attn_body(q_ref, k_ref, v_ref, o_ref, *, blk):
    i = pl.program_id(1)
    q = q_ref[0]
    k = k_ref[0]
    s = jax.lax.dot_general(q, k, (((1,), (1,)), ((), ())),
                            preferred_element_type=jnp.float32)
    s = s * (1.0 / np.sqrt(DH))
    rows = jax.lax.broadcasted_iota(jnp.int32, (blk, T), 0) + i * blk
    cols = jax.lax.broadcasted_iota(jnp.int32, (blk, T), 1)
    s = jnp.where(cols <= rows, s, _NEG)
    m = jnp.max(s, axis=-1, keepdims=True)
    p = jnp.exp(s - m)
    l = jnp.sum(p, axis=-1, keepdims=True)
    o = jnp.dot(p, v_ref[0], preferred_element_type=jnp.float32)
    o_ref[0] = o / l


def _attn(q, k, v):
    blk = 1024
    grid = (H, T // blk)
    return pl.pallas_call(
        functools.partial(_attn_body, blk=blk),
        grid=grid,
        in_specs=[
            pl.BlockSpec((1, blk, DH), lambda h, i: (h, i, 0)),
            pl.BlockSpec((1, T, DH), lambda h, i: (h, 0, 0)),
            pl.BlockSpec((1, T, DH), lambda h, i: (h, 0, 0)),
        ],
        out_specs=pl.BlockSpec((1, blk, DH), lambda h, i: (h, i, 0)),
        out_shape=jax.ShapeDtypeStruct((H, T, DH), jnp.float32),
    )(q, k, v)


def _proj_body(ctx_ref, hid_ref, wo_ref, g_ref, b_ref, wr_ref,
               x_ref, h2_ref, lg_ref):
    ctx = jnp.concatenate([ctx_ref[hh] for hh in range(H)], axis=-1)
    x = hid_ref[...] + jnp.dot(ctx, wo_ref[...],
                               preferred_element_type=jnp.float32)
    x_ref[...] = x
    m = jnp.mean(x, axis=-1, keepdims=True)
    v = jnp.mean((x - m) * (x - m), axis=-1, keepdims=True)
    h2 = (x - m) * jax.lax.rsqrt(v + 1e-5) * g_ref[...] + b_ref[...]
    h2_ref[...] = h2
    lg_ref[...] = jnp.dot(h2, wr_ref[...], preferred_element_type=jnp.float32)


def _proj(ctx, hid, wo, g, b, wr):
    blk = 256
    grid = (T // blk,)
    spec_x = pl.BlockSpec((blk, D), lambda i: (i, 0))
    return pl.pallas_call(
        _proj_body,
        grid=grid,
        in_specs=[pl.BlockSpec((H, blk, DH), lambda i: (0, i, 0)), spec_x,
                  pl.BlockSpec((D, D), lambda i: (0, 0)),
                  pl.BlockSpec((1, D), lambda i: (0, 0)),
                  pl.BlockSpec((1, D), lambda i: (0, 0)),
                  pl.BlockSpec((D, E), lambda i: (0, 0))],
        out_specs=[spec_x, spec_x, pl.BlockSpec((blk, E), lambda i: (i, 0))],
        out_shape=[jax.ShapeDtypeStruct((T, D), jnp.float32),
                   jax.ShapeDtypeStruct((T, D), jnp.float32),
                   jax.ShapeDtypeStruct((T, E), jnp.float32)],
    )(ctx, hid, wo, g.reshape(1, D), b.reshape(1, D), wr)


def _cumsum0(x):
    sh = 1
    while sh < T:
        x = x + jnp.concatenate(
            [jnp.zeros((sh, E), x.dtype), x[:-sh, :]], axis=0)
        sh *= 2
    return x


def _router_body(lg_ref, d0_ref, d1_ref, w0_ref, w1_ref,
                 gmap_ref, valid_ref, loss_ref):
    lg = lg_ref[...]
    eio = jax.lax.broadcasted_iota(jnp.int32, (T, E), 1)

    v0 = jnp.max(lg, axis=-1, keepdims=True)
    i0 = jnp.min(jnp.where(lg == v0, eio, E), axis=-1, keepdims=True)
    lg1 = jnp.where(eio == i0, _NEG, lg)
    v1 = jnp.max(lg1, axis=-1, keepdims=True)
    i1 = jnp.min(jnp.where(lg1 == v1, eio, E), axis=-1, keepdims=True)

    e1v = jnp.exp(v1 - v0)
    den = 1.0 + e1v
    w0 = 1.0 / den
    w1 = e1v / den
    w0_ref[...] = jnp.broadcast_to(w0, (T, 128))
    w1_ref[...] = jnp.broadcast_to(w1, (T, 128))

    p = jnp.exp(lg - v0)
    probs = p / jnp.sum(p, axis=-1, keepdims=True)
    usage = jnp.sum(probs, axis=0) * (1.0 / T)
    loss_ref[0, 0] = E * jnp.sum(usage * usage)

    oh0 = (eio == i0).astype(jnp.float32)
    oh1 = (eio == i1).astype(jnp.float32)
    c0in = _cumsum0(oh0)
    c1in = _cumsum0(oh1)
    rank0 = jnp.sum(oh0 * (c0in - oh0), axis=-1)
    rank1 = jnp.sum(oh1 * (c1in - oh1), axis=-1)
    cnt0 = c0in[T - 1, :]
    cnt1 = c1in[T - 1, :]

    off = jnp.float32(0.0)
    offs = []
    ends = []
    for e in range(E):
        ce = cnt0[e] + cnt1[e]
        nb_e = jnp.ceil(ce * (1.0 / BM))
        offs.append(off)
        end = off + nb_e * BM
        ends.append(end)
        off = end

    base0 = jnp.zeros((T,), jnp.float32)
    base1 = jnp.zeros((T,), jnp.float32)
    for e in range(E):
        base0 = base0 + oh0[:, e] * offs[e]
        base1 = base1 + oh1[:, e] * (offs[e] + cnt0[e])
    d0_ref[...] = (base0 + rank0).astype(jnp.int32)[None, :]
    d1_ref[...] = (base1 + rank1).astype(jnp.int32)[None, :]

    for b in range(NB):
        g = jnp.int32(0)
        for e in range(E - 1):
            g = g + (ends[e] <= b * BM).astype(jnp.int32)
        gmap_ref[b] = g
        valid_ref[b] = (b * BM < off).astype(jnp.int32)


def _router(lg):
    vm = pl.BlockSpec(memory_space=pltpu.VMEM)
    sm = pl.BlockSpec(memory_space=pltpu.SMEM)
    return pl.pallas_call(
        _router_body,
        in_specs=[vm],
        out_specs=[vm, vm, vm, vm, sm, sm, sm],
        out_shape=[jax.ShapeDtypeStruct((1, T), jnp.int32),
                   jax.ShapeDtypeStruct((1, T), jnp.int32),
                   jax.ShapeDtypeStruct((T, 128), jnp.float32),
                   jax.ShapeDtypeStruct((T, 128), jnp.float32),
                   jax.ShapeDtypeStruct((NB,), jnp.int32),
                   jax.ShapeDtypeStruct((NB,), jnp.int32),
                   jax.ShapeDtypeStruct((1, 1), jnp.float32)],
    )(lg)


_NW = 32
_PPW = 2 * T // _NW


def _dispatch_sc_body(src_hbm, dst_hbm, h2_hbm, out_hbm,
                      src_v, dst_v, rows_v, sem):
    wid = lax.axis_index("s") * 2 + lax.axis_index("c")
    base = wid * _PPW
    pltpu.sync_copy(src_hbm.at[pl.ds(base, _PPW)], src_v)
    pltpu.sync_copy(dst_hbm.at[pl.ds(base, _PPW)], dst_v)
    pltpu.async_copy(h2_hbm.at[src_v], rows_v, sem).wait()
    pltpu.async_copy(rows_v, out_hbm.at[dst_v], sem).wait()


def _dispatch(h2, src, dst):
    mesh = plsc.VectorSubcoreMesh(core_axis_name="c", subcore_axis_name="s")
    return pl.kernel(
        _dispatch_sc_body,
        mesh=mesh,
        out_type=jax.ShapeDtypeStruct((M, D), jnp.float32),
        scratch_types=[
            pltpu.VMEM((_PPW,), jnp.int32),
            pltpu.VMEM((_PPW,), jnp.int32),
            pltpu.VMEM((_PPW, D), jnp.float32),
            pltpu.SemaphoreType.DMA,
        ],
    )(src, dst, h2)


def _moe_body(gmap_ref, valid_ref, xs_ref, w1_ref, w3_ref, w2_ref, y_ref):
    b = pl.program_id(0)

    @pl.when(valid_ref[b] == 1)
    def _():
        x = xs_ref[...]
        h1 = jnp.dot(x, w1_ref[0], preferred_element_type=jnp.float32)
        h3 = jnp.dot(x, w3_ref[0], preferred_element_type=jnp.float32)
        act = h1 / (1.0 + jnp.exp(-h1)) * h3
        y_ref[...] = jnp.dot(act, w2_ref[0], preferred_element_type=jnp.float32)


def _moe(xs, w1, w3, w2, gmap, valid):
    grid = (NB,)
    return pl.pallas_call(
        _moe_body,
        grid_spec=pltpu.PrefetchScalarGridSpec(
            num_scalar_prefetch=2,
            grid=grid,
            in_specs=[
                pl.BlockSpec((BM, D), lambda b, g, v: (b, 0)),
                pl.BlockSpec((1, D, FB), lambda b, g, v: (g[b], 0, 0)),
                pl.BlockSpec((1, D, FB), lambda b, g, v: (g[b], 0, 0)),
                pl.BlockSpec((1, FB, D), lambda b, g, v: (g[b], 0, 0)),
            ],
            out_specs=pl.BlockSpec((BM, D), lambda b, g, v: (b, 0)),
        ),
        out_shape=jax.ShapeDtypeStruct((M, D), jnp.float32),
        compiler_params=pltpu.CompilerParams(
            dimension_semantics=("arbitrary",),
            vmem_limit_bytes=128 * 1024 * 1024),
    )(gmap, valid, xs, w1, w3, w2)


_TPW = T // _NW


def _gather2_sc_body(d0_hbm, d1_hbm, y_hbm, ya_hbm, yb_hbm,
                     idx_v, rows_v, sem):
    wid = lax.axis_index("s") * 2 + lax.axis_index("c")
    base = wid * _TPW
    pltpu.sync_copy(d0_hbm.at[pl.ds(base, _TPW)], idx_v)
    pltpu.async_copy(y_hbm.at[idx_v], rows_v, sem).wait()
    pltpu.sync_copy(rows_v, ya_hbm.at[pl.ds(base, _TPW)])
    pltpu.sync_copy(d1_hbm.at[pl.ds(base, _TPW)], idx_v)
    pltpu.async_copy(y_hbm.at[idx_v], rows_v, sem).wait()
    pltpu.sync_copy(rows_v, yb_hbm.at[pl.ds(base, _TPW)])


def _gather2(y, d0, d1):
    mesh = plsc.VectorSubcoreMesh(core_axis_name="c", subcore_axis_name="s")
    return pl.kernel(
        _gather2_sc_body,
        mesh=mesh,
        out_type=[jax.ShapeDtypeStruct((T, D), jnp.float32),
                  jax.ShapeDtypeStruct((T, D), jnp.float32)],
        scratch_types=[
            pltpu.VMEM((_TPW,), jnp.int32),
            pltpu.VMEM((_TPW, D), jnp.float32),
            pltpu.SemaphoreType.DMA,
        ],
    )(d0, d1, y)


def _combine_body(x_ref, ya_ref, yb_ref, w0_ref, w1_ref, out_ref):
    w0 = w0_ref[:, :1]
    w1 = w1_ref[:, :1]
    out_ref[...] = x_ref[...] + w0 * ya_ref[...] + w1 * yb_ref[...]


def _combine(x, ya, yb, w0, w1):
    blk = 256
    grid = (T // blk,)
    spec_x = pl.BlockSpec((blk, D), lambda i: (i, 0))
    spec_w = pl.BlockSpec((blk, 128), lambda i: (i, 0))
    return pl.pallas_call(
        _combine_body,
        grid=grid,
        in_specs=[spec_x, spec_x, spec_x, spec_w, spec_w],
        out_specs=spec_x,
        out_shape=jax.ShapeDtypeStruct((T, D), jnp.float32),
    )(x, ya, yb, w0, w1)


def kernel(hidden_states, ln1_g, ln1_b, Wq, Wk, Wv, Wo, ln2_g, ln2_b,
           Wr, W1, W3, W2):
    b, s, d = hidden_states.shape
    hid = hidden_states.reshape(T, D)

    qh, kh, vh = _qkv(hid, ln1_g, ln1_b, Wq, Wk, Wv)
    ctx = _attn(qh, kh, vh)
    x, h2, lg = _proj(ctx, hid, Wo, ln2_g, ln2_b, Wr)

    d0, d1, w0, w1, gmap, valid, loss = _router(lg)
    d0 = d0.reshape(T)
    d1 = d1.reshape(T)

    src = jnp.concatenate([jnp.arange(T, dtype=jnp.int32)] * 2)
    dst = jnp.concatenate([d0, d1])
    xs = _dispatch(h2, src, dst)

    y = _moe(xs, W1, W3, W2, gmap, valid)

    ya, yb = _gather2(y, d0, d1)
    out = _combine(x, ya, yb, w0, w1).reshape(b, s, d)
    return (out, loss[0, 0])

# --- scband reference (transcript-rebuilt; emitter-appended) ---
"""Pipeline reference for scband-transformer-block-mo-e-52338471469503 (READ-ONLY COPY).

The authoritative reference and input builder live on the scoring server;
editing this copy changes nothing except your own understanding.
"""

import jax, jax.numpy as jnp
import numpy as np

B, S, D = 1, 2048, 768
H = 12
E = 8
K = 2
FF = 4 * D


def _ln(x, g, b):
    m = jnp.mean(x, axis=-1, keepdims=True)
    v = jnp.var(x, axis=-1, keepdims=True)
    return (x - m) / jnp.sqrt(v + 1e-5) * g + b


def setup_inputs(seed: int = 0) -> dict:
    key = jax.random.key(seed)
    ks = jax.random.split(key, 12)
    s = 0.02
    return {
        "hidden_states": jax.random.normal(ks[0], (B, S, D), dtype=jnp.float32),
        "ln1_g": jnp.ones((D,), jnp.float32),
        "ln1_b": jnp.zeros((D,), jnp.float32),
        "Wq": jax.random.normal(ks[1], (D, D), dtype=jnp.float32) * s,
        "Wk": jax.random.normal(ks[2], (D, D), dtype=jnp.float32) * s,
        "Wv": jax.random.normal(ks[3], (D, D), dtype=jnp.float32) * s,
        "Wo": jax.random.normal(ks[4], (D, D), dtype=jnp.float32) * s,
        "ln2_g": jnp.ones((D,), jnp.float32),
        "ln2_b": jnp.zeros((D,), jnp.float32),
        "Wr": jax.random.normal(ks[5], (D, E), dtype=jnp.float32) * s,
        "W1": jax.random.normal(ks[6], (E, D, FF), dtype=jnp.float32) * s,
        "W3": jax.random.normal(ks[7], (E, D, FF), dtype=jnp.float32) * s,
        "W2": jax.random.normal(ks[8], (E, FF, D), dtype=jnp.float32) * s,
    }


def reference(hidden_states, ln1_g, ln1_b, Wq, Wk, Wv, Wo, ln2_g, ln2_b, Wr, W1, W3, W2):
    b, s, d = hidden_states.shape
    dh = d // H
    scale = 1.0 / np.sqrt(dh)
    # --- attention sublayer (pre-LN, causal SDPA; RoPE is identity in source) ---
    h = _ln(hidden_states, ln1_g, ln1_b)
    q = (h @ Wq).reshape(b, s, H, dh).transpose(0, 2, 1, 3)
    k = (h @ Wk).reshape(b, s, H, dh).transpose(0, 2, 1, 3)
    v = (h @ Wv).reshape(b, s, H, dh).transpose(0, 2, 1, 3)
    scores = jnp.einsum('bhqd,bhkd->bhqk', q, k) * scale
    causal = jnp.tril(jnp.ones((s, s), dtype=bool))
    scores = jnp.where(causal[None, None, :, :], scores, jnp.finfo(scores.dtype).min)
    probs = jax.nn.softmax(scores, axis=-1)
    ctx = jnp.einsum('bhqk,bhkd->bhqd', probs, v)
    ctx = ctx.transpose(0, 2, 1, 3).reshape(b, s, d)
    x = hidden_states + ctx @ Wo
    # --- MoE sublayer (pre-LN, top-k routing, SwiGLU experts) ---
    h2 = _ln(x, ln2_g, ln2_b)
    flat = h2.reshape(-1, d)
    router_logits = flat @ Wr
    vals, idx = jax.lax.top_k(router_logits, K)
    rw = jax.nn.softmax(vals, axis=-1)
    # per-token combine weights over experts: zero where not selected (math-equivalent to sparse dispatch)
    combine = jnp.sum(jax.nn.one_hot(idx, E, dtype=flat.dtype) * rw[..., None], axis=1)  # [T, E]
    out = jnp.zeros_like(flat)
    for e in range(E):
        h1 = flat @ W1[e]
        h3 = flat @ W3[e]
        eo = (jax.nn.silu(h1) * h3) @ W2[e]
        out = out + combine[:, e:e + 1] * eo
    x = x + out.reshape(b, s, d)
    router_probs = jax.nn.softmax(router_logits, axis=-1)
    expert_usage = router_probs.mean(axis=0)
    load_balancing_loss = E * jnp.sum(expert_usage ** 2)
    return (x, load_balancing_loss)

if __name__ == "__main__":
    import jax
    _d = setup_inputs()
    print(jax.jit(kernel)(*tuple(_d.values())))

</pallas_src>

<mosaic_0001>
#map = affine_map<(d0, d1) -> (0)>
#map1 = affine_map<(d0, d1) -> (0, 0)>
module attributes {stable_mosaic.version = 14 : i64} {
  func.func @_dispatch_sc_body(%arg0: i32, %arg1: i32, %arg2: memref<4096xi32, #tpu.memory_space<hbm>>, %arg3: memref<4096xi32, #tpu.memory_space<hbm>>, %arg4: memref<2048x768xf32, #tpu.memory_space<hbm>>, %arg5: memref<6144x768xf32, #tpu.memory_space<hbm>>, %arg6: memref<128xi32, #tpu.memory_space<vmem>>, %arg7: memref<128xi32, #tpu.memory_space<vmem>>, %arg8: memref<128x768xf32, #tpu.memory_space<vmem>>, %arg9: memref<!tpu.dma_semaphore, #tpu.memory_space<semaphore_mem>>) attributes {dimension_semantics = [#tpu.dimension_semantics<core_parallel>, #tpu.dimension_semantics<subcore_parallel>], iteration_bounds = array<i64: 2, 16>, scalar_prefetch = 0 : i64, scratch_operands = 4 : i64, tpu.core_type = #tpu.core_type<sc_vector_subcore>, window_params = [{transform_indices = #map}, {transform_indices = #map}, {transform_indices = #map1}, {transform_indices = #map1}]} {
    %mul3A = arith.constant 2 : i32
    %mul3A_0 = arith.muli %arg1, %mul3A : i32
    %add3A = arith.addi %mul3A_0, %arg0 : i32
    %mul3A_1 = arith.constant 128 : i32
    %mul3A_2 = arith.muli %add3A, %mul3A_1 : i32
    "tpu.region"() ({
      %run_scoped3A = tpu.sem_alloc : memref<!tpu.dma_semaphore, #tpu.memory_space<semaphore_mem>>
      %dma_start3A_13 = tpu.memref_slice %arg2[%mul3A_2] : memref<4096xi32, #tpu.memory_space<hbm>> -> memref<128xi32, #tpu.memory_space<hbm>>
      %dma_start3A_14 = tpu.memref_slice %arg2[%mul3A_2] : memref<4096xi32, #tpu.memory_space<hbm>> -> memref<128xi32, #tpu.memory_space<hbm>>
      tpu.enqueue_dma source(%dma_start3A_14 : memref<128xi32, #tpu.memory_space<hbm>>) target(%arg6 : memref<128xi32, #tpu.memory_space<vmem>>) target_semaphore(%run_scoped3A : memref<!tpu.dma_semaphore, #tpu.memory_space<semaphore_mem>>)
      %dma_wait3A_15 = tpu.memref_slice %arg2[%mul3A_2] : memref<4096xi32, #tpu.memory_space<hbm>> -> memref<128xi32, #tpu.memory_space<hbm>>
      %dma_wait3A_16 = tpu.memref_slice %arg2[%mul3A_2] : memref<4096xi32, #tpu.memory_space<hbm>> -> memref<128xi32, #tpu.memory_space<hbm>>
      tpu.wait_dma2 semaphore(%run_scoped3A : memref<!tpu.dma_semaphore, #tpu.memory_space<semaphore_mem>>) src(%dma_wait3A_16 : memref<128xi32, #tpu.memory_space<hbm>>) dst(%arg6 : memref<128xi32, #tpu.memory_space<vmem>>)
      tpu.yield
    }) : () -> ()
    "tpu.region"() ({
      %run_scoped3A = tpu.sem_alloc : memref<!tpu.dma_semaphore, #tpu.memory_space<semaphore_mem>>
      %dma_start3A_13 = tpu.memref_slice %arg3[%mul3A_2] : memref<4096xi32, #tpu.memory_space<hbm>> -> memref<128xi32, #tpu.memory_space<hbm>>
      %dma_start3A_14 = tpu.memref_slice %arg3[%mul3A_2] : memref<4096xi32, #tpu.memory_space<hbm>> -> memref<128xi32, #tpu.memory_space<hbm>>
      tpu.enqueue_dma source(%dma_start3A_14 : memref<128xi32, #tpu.memory_space<hbm>>) target(%arg7 : memref<128xi32, #tpu.memory_space<vmem>>) target_semaphore(%run_scoped3A : memref<!tpu.dma_semaphore, #tpu.memory_space<semaphore_mem>>)
      %dma_wait3A_15 = tpu.memref_slice %arg3[%mul3A_2] : memref<4096xi32, #tpu.memory_space<hbm>> -> memref<128xi32, #tpu.memory_space<hbm>>
      %dma_wait3A_16 = tpu.memref_slice %arg3[%mul3A_2] : memref<4096xi32, #tpu.memory_space<hbm>> -> memref<128xi32, #tpu.memory_space<hbm>>
      tpu.wait_dma2 semaphore(%run_scoped3A : memref<!tpu.dma_semaphore, #tpu.memory_space<semaphore_mem>>) src(%dma_wait3A_16 : memref<128xi32, #tpu.memory_space<hbm>>) dst(%arg7 : memref<128xi32, #tpu.memory_space<vmem>>)
      tpu.yield
    }) : () -> ()
    %dma_start3A = arith.constant 0 : i32
    %dma_start3A_3 = arith.constant 0 : i32
    %dma_start3A_4 = tpu.memref_slice %arg4[%dma_start3A, %dma_start3A_3] : memref<2048x768xf32, #tpu.memory_space<hbm>> -> memref<2048x768xf32, #tpu.memory_space<hbm>>
    tpu.enqueue_indirect_dma source(%dma_start3A_4 : memref<2048x768xf32, #tpu.memory_space<hbm>>) target(%arg8 : memref<128x768xf32, #tpu.memory_space<vmem>>) offsets(%arg6 : memref<128xi32, #tpu.memory_space<vmem>>) semaphore(%arg9 : memref<!tpu.dma_semaphore, #tpu.memory_space<semaphore_mem>>)
    %dma_wait3A = arith.constant 0 : i32
    %dma_wait3A_5 = arith.constant 0 : i32
    %dma_wait3A_6 = tpu.memref_slice %arg4[%dma_wait3A, %dma_wait3A_5] : memref<2048x768xf32, #tpu.memory_space<hbm>> -> memref<2048x768xf32, #tpu.memory_space<hbm>>
    tpu.wait_indirect_dma semaphore(%arg9 : memref<!tpu.dma_semaphore, #tpu.memory_space<semaphore_mem>>) src(%dma_wait3A_6 : memref<2048x768xf32, #tpu.memory_space<hbm>>) dst(%arg8 : memref<128x768xf32, #tpu.memory_space<vmem>>)
    %dma_start3A_7 = arith.constant 0 : i32
    %dma_start3A_8 = arith.constant 0 : i32
    %dma_start3A_9 = tpu.memref_slice %arg5[%dma_start3A_7, %dma_start3A_8] : memref<6144x768xf32, #tpu.memory_space<hbm>> -> memref<6144x768xf32, #tpu.memory_space<hbm>>
    tpu.enqueue_indirect_dma source(%arg8 : memref<128x768xf32, #tpu.memory_space<vmem>>) target(%dma_start3A_9 : memref<6144x768xf32, #tpu.memory_space<hbm>>) offsets(%arg7 : memref<128xi32, #tpu.memory_space<vmem>>) semaphore(%arg9 : memref<!tpu.dma_semaphore, #tpu.memory_space<semaphore_mem>>)
    %dma_wait3A_10 = arith.constant 0 : i32
    %dma_wait3A_11 = arith.constant 0 : i32
    %dma_wait3A_12 = tpu.memref_slice %arg5[%dma_wait3A_10, %dma_wait3A_11] : memref<6144x768xf32, #tpu.memory_space<hbm>> -> memref<6144x768xf32, #tpu.memory_space<hbm>>
    tpu.wait_indirect_dma semaphore(%arg9 : memref<!tpu.dma_semaphore, #tpu.memory_space<semaphore_mem>>) src(%arg8 : memref<128x768xf32, #tpu.memory_space<vmem>>) dst(%dma_wait3A_12 : memref<6144x768xf32, #tpu.memory_space<hbm>>)
    return
  }
}

#map = affine_map<(d0, d1) -> (0)>
#map1 = affine_map<(d0, d1) -> (0, 0)>
module attributes {stable_mosaic.version = 14 : i64} {
  func.func @_gather2_sc_body(%arg0: i32, %arg1: i32, %arg2: memref<2048xi32, #tpu.memory_space<hbm>>, %arg3: memref<2048xi32, #tpu.memory_space<hbm>>, %arg4: memref<6144x768xf32, #tpu.memory_space<hbm>>, %arg5: memref<2048x768xf32, #tpu.memory_space<hbm>>, %arg6: memref<2048x768xf32, #tpu.memory_space<hbm>>, %arg7: memref<64xi32, #tpu.memory_space<vmem>>, %arg8: memref<64x768xf32, #tpu.memory_space<vmem>>, %arg9: memref<!tpu.dma_semaphore, #tpu.memory_space<semaphore_mem>>) attributes {dimension_semantics = [#tpu.dimension_semantics<core_parallel>, #tpu.dimension_semantics<subcore_parallel>], iteration_bounds = array<i64: 2, 16>, scalar_prefetch = 0 : i64, scratch_operands = 3 : i64, tpu.core_type = #tpu.core_type<sc_vector_subcore>, window_params = [{transform_indices = #map}, {transform_indices = #map}, {transform_indices = #map1}, {transform_indices = #map1}, {transform_indices = #map1}]} {
    %mul3A = arith.constant 2 : i32
    %mul3A_0 = arith.muli %arg1, %mul3A : i32
    %add3A = arith.addi %mul3A_0, %arg0 : i32
    %mul3A_1 = arith.constant 64 : i32
    %mul3A_2 = arith.muli %add3A, %mul3A_1 : i32
    "tpu.region"() ({
      %run_scoped3A = tpu.sem_alloc : memref<!tpu.dma_semaphore, #tpu.memory_space<semaphore_mem>>
      %dma_start3A_13 = tpu.memref_slice %arg2[%mul3A_2] : memref<2048xi32, #tpu.memory_space<hbm>> -> memref<64xi32, #tpu.memory_space<hbm>>
      %dma_start3A_14 = tpu.memref_slice %arg2[%mul3A_2] : memref<2048xi32, #tpu.memory_space<hbm>> -> memref<64xi32, #tpu.memory_space<hbm>>
      tpu.enqueue_dma source(%dma_start3A_14 : memref<64xi32, #tpu.memory_space<hbm>>) target(%arg7 : memref<64xi32, #tpu.memory_space<vmem>>) target_semaphore(%run_scoped3A : memref<!tpu.dma_semaphore, #tpu.memory_space<semaphore_mem>>)
      %dma_wait3A_15 = tpu.memref_slice %arg2[%mul3A_2] : memref<2048xi32, #tpu.memory_space<hbm>> -> memref<64xi32, #tpu.memory_space<hbm>>
      %dma_wait3A_16 = tpu.memref_slice %arg2[%mul3A_2] : memref<2048xi32, #tpu.memory_space<hbm>> -> memref<64xi32, #tpu.memory_space<hbm>>
      tpu.wait_dma2 semaphore(%run_scoped3A : memref<!tpu.dma_semaphore, #tpu.memory_space<semaphore_mem>>) src(%dma_wait3A_16 : memref<64xi32, #tpu.memory_space<hbm>>) dst(%arg7 : memref<64xi32, #tpu.memory_space<vmem>>)
      tpu.yield
    }) : () -> ()
    %dma_start3A = arith.constant 0 : i32
    %dma_start3A_3 = arith.constant 0 : i32
    %dma_start3A_4 = tpu.memref_slice %arg4[%dma_start3A, %dma_start3A_3] : memref<6144x768xf32, #tpu.memory_space<hbm>> -> memref<6144x768xf32, #tpu.memory_space<hbm>>
    tpu.enqueue_indirect_dma source(%dma_start3A_4 : memref<6144x768xf32, #tpu.memory_space<hbm>>) target(%arg8 : memref<64x768xf32, #tpu.memory_space<vmem>>) offsets(%arg7 : memref<64xi32, #tpu.memory_space<vmem>>) semaphore(%arg9 : memref<!tpu.dma_semaphore, #tpu.memory_space<semaphore_mem>>)
    %dma_wait3A = arith.constant 0 : i32
    %dma_wait3A_5 = arith.constant 0 : i32
    %dma_wait3A_6 = tpu.memref_slice %arg4[%dma_wait3A, %dma_wait3A_5] : memref<6144x768xf32, #tpu.memory_space<hbm>> -> memref<6144x768xf32, #tpu.memory_space<hbm>>
    tpu.wait_indirect_dma semaphore(%arg9 : memref<!tpu.dma_semaphore, #tpu.memory_space<semaphore_mem>>) src(%dma_wait3A_6 : memref<6144x768xf32, #tpu.memory_space<hbm>>) dst(%arg8 : memref<64x768xf32, #tpu.memory_space<vmem>>)
    "tpu.region"() ({
      %run_scoped3A = tpu.sem_alloc : memref<!tpu.dma_semaphore, #tpu.memory_space<semaphore_mem>>
      %dma_start3A_13 = arith.constant 0 : i32
      %dma_start3A_14 = tpu.memref_slice %arg5[%mul3A_2, %dma_start3A_13] : memref<2048x768xf32, #tpu.memory_space<hbm>> -> memref<64x768xf32, #tpu.memory_space<hbm>>
      %dma_start3A_15 = arith.constant 0 : i32
      %dma_start3A_16 = tpu.memref_slice %arg5[%mul3A_2, %dma_start3A_15] : memref<2048x768xf32, #tpu.memory_space<hbm>> -> memref<64x768xf32, #tpu.memory_space<hbm>>
      tpu.enqueue_dma source(%arg8 : memref<64x768xf32, #tpu.memory_space<vmem>>) target(%dma_start3A_16 : memref<64x768xf32, #tpu.memory_space<hbm>>) target_semaphore(%run_scoped3A : memref<!tpu.dma_semaphore, #tpu.memory_space<semaphore_mem>>)
      %dma_wait3A_17 = arith.constant 0 : i32
      %dma_wait3A_18 = tpu.memref_slice %arg5[%mul3A_2, %dma_wait3A_17] : memref<2048x768xf32, #tpu.memory_space<hbm>> -> memref<64x768xf32, #tpu.memory_space<hbm>>
      %dma_wait3A_19 = arith.constant 0 : i32
      %dma_wait3A_20 = tpu.memref_slice %arg5[%mul3A_2, %dma_wait3A_19] : memref<2048x768xf32, #tpu.memory_space<hbm>> -> memref<64x768xf32, #tpu.memory_space<hbm>>
      tpu.wait_dma2 semaphore(%run_scoped3A : memref<!tpu.dma_semaphore, #tpu.memory_space<semaphore_mem>>) src(%arg8 : memref<64x768xf32, #tpu.memory_space<vmem>>) dst(%dma_wait3A_20 : memref<64x768xf32, #tpu.memory_space<hbm>>)
      tpu.yield
    }) : () -> ()
    "tpu.region"() ({
      %run_scoped3A = tpu.sem_alloc : memref<!tpu.dma_semaphore, #tpu.memory_space<semaphore_mem>>
      %dma_start3A_13 = tpu.memref_slice %arg3[%mul3A_2] : memref<2048xi32, #tpu.memory_space<hbm>> -> memref<64xi32, #tpu.memory_space<hbm>>
      %dma_start3A_14 = tpu.memref_slice %arg3[%mul3A_2] : memref<2048xi32, #tpu.memory_space<hbm>> -> memref<64xi32, #tpu.memory_space<hbm>>
      tpu.enqueue_dma source(%dma_start3A_14 : memref<64xi32, #tpu.memory_space<hbm>>) target(%arg7 : memref<64xi32, #tpu.memory_space<vmem>>) target_semaphore(%run_scoped3A : memref<!tpu.dma_semaphore, #tpu.memory_space<semaphore_mem>>)
      %dma_wait3A_15 = tpu.memref_slice %arg3[%mul3A_2] : memref<2048xi32, #tpu.memory_space<hbm>> -> memref<64xi32, #tpu.memory_space<hbm>>
      %dma_wait3A_16 = tpu.memref_slice %arg3[%mul3A_2] : memref<2048xi32, #tpu.memory_space<hbm>> -> memref<64xi32, #tpu.memory_space<hbm>>
      tpu.wait_dma2 semaphore(%run_scoped3A : memref<!tpu.dma_semaphore, #tpu.memory_space<semaphore_mem>>) src(%dma_wait3A_16 : memref<64xi32, #tpu.memory_space<hbm>>) dst(%arg7 : memref<64xi32, #tpu.memory_space<vmem>>)
      tpu.yield
    }) : () -> ()
    %dma_start3A_7 = arith.constant 0 : i32
    %dma_start3A_8 = arith.constant 0 : i32
    %dma_start3A_9 = tpu.memref_slice %arg4[%dma_start3A_7, %dma_start3A_8] : memref<6144x768xf32, #tpu.memory_space<hbm>> -> memref<6144x768xf32, #tpu.memory_space<hbm>>
    tpu.enqueue_indirect_dma source(%dma_start3A_9 : memref<6144x768xf32, #tpu.memory_space<hbm>>) target(%arg8 : memref<64x768xf32, #tpu.memory_space<vmem>>) offsets(%arg7 : memref<64xi32, #tpu.memory_space<vmem>>) semaphore(%arg9 : memref<!tpu.dma_semaphore, #tpu.memory_space<semaphore_mem>>)
    %dma_wait3A_10 = arith.constant 0 : i32
    %dma_wait3A_11 = arith.constant 0 : i32
    %dma_wait3A_12 = tpu.memref_slice %arg4[%dma_wait3A_10, %dma_wait3A_11] : memref<6144x768xf32, #tpu.memory_space<hbm>> -> memref<6144x768xf32, #tpu.memory_space<hbm>>
    tpu.wait_indirect_dma semaphore(%arg9 : memref<!tpu.dma_semaphore, #tpu.memory_space<semaphore_mem>>) src(%dma_wait3A_12 : memref<6144x768xf32, #tpu.memory_space<hbm>>) dst(%arg8 : memref<64x768xf32, #tpu.memory_space<vmem>>)
    "tpu.region"() ({
      %run_scoped3A = tpu.sem_alloc : memref<!tpu.dma_semaphore, #tpu.memory_space<semaphore_mem>>
      %dma_start3A_13 = arith.constant 0 : i32
      %dma_start3A_14 = tpu.memref_slice %arg6[%mul3A_2, %dma_start3A_13] : memref<2048x768xf32, #tpu.memory_space<hbm>> -> memref<64x768xf32, #tpu.memory_space<hbm>>
      %dma_start3A_15 = arith.constant 0 : i32
      %dma_start3A_16 = tpu.memref_slice %arg6[%mul3A_2, %dma_start3A_15] : memref<2048x768xf32, #tpu.memory_space<hbm>> -> memref<64x768xf32, #tpu.memory_space<hbm>>
      tpu.enqueue_dma source(%arg8 : memref<64x768xf32, #tpu.memory_space<vmem>>) target(%dma_start3A_16 : memref<64x768xf32, #tpu.memory_space<hbm>>) target_semaphore(%run_scoped3A : memref<!tpu.dma_semaphore, #tpu.memory_space<semaphore_mem>>)
      %dma_wait3A_17 = arith.constant 0 : i32
      %dma_wait3A_18 = tpu.memref_slice %arg6[%mul3A_2, %dma_wait3A_17] : memref<2048x768xf32, #tpu.memory_space<hbm>> -> memref<64x768xf32, #tpu.memory_space<hbm>>
      %dma_wait3A_19 = arith.constant 0 : i32
      %dma_wait3A_20 = tpu.memref_slice %arg6[%mul3A_2, %dma_wait3A_19] : memref<2048x768xf32, #tpu.memory_space<hbm>> -> memref<64x768xf32, #tpu.memory_space<hbm>>
      tpu.wait_dma2 semaphore(%run_scoped3A : memref<!tpu.dma_semaphore, #tpu.memory_space<semaphore_mem>>) src(%arg8 : memref<64x768xf32, #tpu.memory_space<vmem>>) dst(%dma_wait3A_20 : memref<64x768xf32, #tpu.memory_space<hbm>>)
      tpu.yield
    }) : () -> ()
    return
  }
}

module attributes {stable_mosaic.version = 14 : i64} {
  func.func @_qkv_body(%arg0: i32, %arg1: memref<256x768xf32, #tpu.memory_space<vmem>>, %arg2: memref<1x768xf32, #tpu.memory_space<vmem>>, %arg3: memref<1x768xf32, #tpu.memory_space<vmem>>, %arg4: memref<768x2304xf32, #tpu.memory_space<vmem>>, %arg5: memref<12x256x64xf32, #tpu.memory_space<vmem>>, %arg6: memref<12x256x64xf32, #tpu.memory_space<vmem>>, %arg7: memref<12x256x64xf32, #tpu.memory_space<vmem>>) attributes {dimension_semantics = [#tpu.dimension_semantics<arbitrary>], iteration_bounds = array<i64: 8>, scalar_prefetch = 0 : i64, scratch_operands = 0 : i64, tpu.core_type = #tpu.core_type<tc>, window_params = [{transform_indices = @transform_0, window_bounds = array<i64: 256, 768>}, {pipeline_mode = #tpu.pipeline_mode<synchronous>, transform_indices = @transform_1, window_bounds = array<i64: 1, 768>}, {pipeline_mode = #tpu.pipeline_mode<synchronous>, transform_indices = @transform_2, window_bounds = array<i64: 1, 768>}, {pipeline_mode = #tpu.pipeline_mode<synchronous>, transform_indices = @transform_3, window_bounds = array<i64: 768, 2304>}, {transform_indices = @transform_4, window_bounds = array<i64: 12, 256, 64>}, {transform_indices = @transform_5, window_bounds = array<i64: 12, 256, 64>}, {transform_indices = @transform_6, window_bounds = array<i64: 12, 256, 64>}]} {
    %get3A = arith.constant 0 : index
    %get3A_0 = arith.constant 0 : index
    %get3A_1 = vector.load %arg1[%get3A, %get3A_0] : memref<256x768xf32, #tpu.memory_space<vmem>>, vector<256x768xf32>
    %reduce_sum3A = arith.constant dense<0.000000e+00> : vector<256xf32>
    %reduce_sum3A_2 = vector.multi_reduction <add>, %get3A_1, %reduce_sum3A [1] : vector<256x768xf32> to vector<256xf32>
    %broadcast_in_dim3A = vector.shape_cast %reduce_sum3A_2 : vector<256xf32> to vector<256x1xf32>
    %div3A = arith.constant 7.680000e+02 : f32
    %div3A_3 = vector.broadcast %div3A : f32 to vector<256x1xf32>
    %div3A_4 = arith.divf %broadcast_in_dim3A, %div3A_3 : vector<256x1xf32>
    %sub3A = vector.broadcast %div3A_4 : vector<256x1xf32> to vector<256x768xf32>
    %sub3A_5 = arith.subf %get3A_1, %sub3A : vector<256x768xf32>
    %sub3A_6 = vector.broadcast %div3A_4 : vector<256x1xf32> to vector<256x768xf32>
    %sub3A_7 = arith.subf %get3A_1, %sub3A_6 : vector<256x768xf32>
    %mul3A = arith.mulf %sub3A_5, %sub3A_7 : vector<256x768xf32>
    %reduce_sum3A_8 = arith.constant dense<0.000000e+00> : vector<256xf32>
    %reduce_sum3A_9 = vector.multi_reduction <add>, %mul3A, %reduce_sum3A_8 [1] : vector<256x768xf32> to vector<256xf32>
    %broadcast_in_dim3A_10 = vector.shape_cast %reduce_sum3A_9 : vector<256xf32> to vector<256x1xf32>
    %div3A_11 = arith.constant 7.680000e+02 : f32
    %div3A_12 = vector.broadcast %div3A_11 : f32 to vector<256x1xf32>
    %div3A_13 = arith.divf %broadcast_in_dim3A_10, %div3A_12 : vector<256x1xf32>
    %sub3A_14 = vector.broadcast %div3A_4 : vector<256x1xf32> to vector<256x768xf32>
    %sub3A_15 = arith.subf %get3A_1, %sub3A_14 : vector<256x768xf32>
    %add3A = arith.constant 9.99999974E-6 : f32
    %add3A_16 = vector.broadcast %add3A : f32 to vector<256x1xf32>
    %add3A_17 = arith.addf %div3A_13, %add3A_16 : vector<256x1xf32>
    %rsqrt3A = math.rsqrt %add3A_17 : vector<256x1xf32>
    %mul3A_18 = vector.broadcast %rsqrt3A : vector<256x1xf32> to vector<256x768xf32>
    %mul3A_19 = arith.mulf %sub3A_15, %mul3A_18 : vector<256x768xf32>
    %get3A_20 = arith.constant 0 : index
    %get3A_21 = arith.constant 0 : index
    %get3A_22 = vector.load %arg2[%get3A_20, %get3A_21] : memref<1x768xf32, #tpu.memory_space<vmem>>, vector<1x768xf32>
    %mul3A_23 = vector.broadcast %get3A_22 : vector<1x768xf32> to vector<256x768xf32>
    %mul3A_24 = arith.mulf %mul3A_19, %mul3A_23 : vector<256x768xf32>
    %get3A_25 = arith.constant 0 : index
    %get3A_26 = arith.constant 0 : index
    %get3A_27 = vector.load %arg3[%get3A_25, %get3A_26] : memref<1x768xf32, #tpu.memory_space<vmem>>, vector<1x768xf32>
    %add3A_28 = vector.broadcast %get3A_27 : vector<1x768xf32> to vector<256x768xf32>
    %add3A_29 = arith.addf %mul3A_24, %add3A_28 : vector<256x768xf32>
    %get3A_30 = arith.constant 0 : index
    %get3A_31 = arith.constant 0 : index
    %get3A_32 = vector.load %arg4[%get3A_30, %get3A_31] : memref<768x2304xf32, #tpu.memory_space<vmem>>, vector<768x2304xf32>
    %dot_general3A = arith.constant dense<0.000000e+00> : vector<256x2304xf32>
    %dot_general3A_33 = tpu.matmul %add3A_29, %get3A_32, %dot_general3A {dimension_numbers = #tpu.dot_dimension_numbers<[1], [0], [0], [1], [0, 0, 1, 1], [], []>, transpose_lhs_hint = false} : vector<256x768xf32>, vector<768x2304xf32>, vector<256x2304xf32> -> vector<256x2304xf32>
    %slice3A = vector.extract_strided_slice %dot_general3A_33 {offsets = [0, 0], sizes = [256, 64], strides = [1, 1]} : vector<256x2304xf32> to vector<256x64xf32>
    %swap3A = arith.constant 0 : index
    %swap3A_34 = arith.constant 0 : index
    %swap3A_35 = arith.constant 0 : index
    %swap3A_36 = vector.load %arg5[%swap3A, %swap3A_34, %swap3A_35] : memref<12x256x64xf32, #tpu.memory_space<vmem>>, vector<1x256x64xf32>
    %swap3A_37 = vector.shape_cast %swap3A_36 : vector<1x256x64xf32> to vector<256x64xf32>
    %swap3A_38 = vector.shape_cast %slice3A : vector<256x64xf32> to vector<1x256x64xf32>
    tpu.vector_store %arg5[%swap3A, %swap3A_34, %swap3A_35], %swap3A_38 {strides = array<i32>} : memref<12x256x64xf32, #tpu.memory_space<vmem>>, vector<1x256x64xf32>,
    %slice3A_39 = vector.extract_strided_slice %dot_general3A_33 {offsets = [0, 768], sizes = [256, 64], strides = [1, 1]} : vector<256x2304xf32> to vector<256x64xf32>
    %swap3A_40 = arith.constant 0 : index
    %swap3A_41 = arith.constant 0 : index
    %swap3A_42 = arith.constant 0 : index
    %swap3A_43 = vector.load %arg6[%swap3A_40, %swap3A_41, %swap3A_42] : memref<12x256x64xf32, #tpu.memory_space<vmem>>, vector<1x256x64xf32>
    %swap3A_44 = vector.shape_cast %swap3A_43 : vector<1x256x64xf32> to vector<256x64xf32>
    %swap3A_45 = vector.shape_cast %slice3A_39 : vector<256x64xf32> to vector<1x256x64xf32>
    tpu.vector_store %arg6[%swap3A_40, %swap3A_41, %swap3A_42], %swap3A_45 {strides = array<i32>} : memref<12x256x64xf32, #tpu.memory_space<vmem>>, vector<1x256x64xf32>,
    %slice3A_46 = vector.extract_strided_slice %dot_general3A_33 {offsets = [0, 1536], sizes = [256, 64], strides = [1, 1]} : vector<256x2304xf32> to vector<256x64xf32>
    %swap3A_47 = arith.constant 0 : index
    %swap3A_48 = arith.constant 0 : index
    %swap3A_49 = arith.constant 0 : index
    %swap3A_50 = vector.load %arg7[%swap3A_47, %swap3A_48, %swap3A_49] : memref<12x256x64xf32, #tpu.memory_space<vmem>>, vector<1x256x64xf32>
    %swap3A_51 = vector.shape_cast %swap3A_50 : vector<1x256x64xf32> to vector<256x64xf32>
    %swap3A_52 = vector.shape_cast %slice3A_46 : vector<256x64xf32> to vector<1x256x64xf32>
    tpu.vector_store %arg7[%swap3A_47, %swap3A_48, %swap3A_49], %swap3A_52 {strides = array<i32>} : memref<12x256x64xf32, #tpu.memory_space<vmem>>, vector<1x256x64xf32>,
    %slice3A_53 = vector.extract_strided_slice %dot_general3A_33 {offsets = [0, 64], sizes = [256, 64], strides = [1, 1]} : vector<256x2304xf32> to vector<256x64xf32>
    %swap3A_54 = arith.constant 1 : index
    %swap3A_55 = arith.constant 0 : index
    %swap3A_56 = arith.constant 0 : index
    %swap3A_57 = vector.load %arg5[%swap3A_54, %swap3A_55, %swap3A_56] : memref<12x256x64xf32, #tpu.memory_space<vmem>>, vector<1x256x64xf32>
    %swap3A_58 = vector.shape_cast %swap3A_57 : vector<1x256x64xf32> to vector<256x64xf32>
    %swap3A_59 = vector.shape_cast %slice3A_53 : vector<256x64xf32> to vector<1x256x64xf32>
    tpu.vector_store %arg5[%swap3A_54, %swap3A_55, %swap3A_56], %swap3A_59 {strides = array<i32>} : memref<12x256x64xf32, #tpu.memory_space<vmem>>, vector<1x256x64xf32>,
    %slice3A_60 = vector.extract_strided_slice %dot_general3A_33 {offsets = [0, 832], sizes = [256, 64], strides = [1, 1]} : vector<256x2304xf32> to vector<256x64xf32>
    %swap3A_61 = arith.constant 1 : index
    %swap3A_62 = arith.constant 0 : index
    %swap3A_63 = arith.constant 0 : index
    %swap3A_64 = vector.load %arg6[%swap3A_61, %swap3A_62, %swap3A_63] : memref<12x256x64xf32, #tpu.memory_space<vmem>>, vector<1x256x64xf32>
    %swap3A_65 = vector.shape_cast %swap3A_64 : vector<1x256x64xf32> to vector<256x64xf32>
    %swap3A_66 = vector.shape_cast %slice3A_60 : vector<256x64xf32> to vector<1x256x64xf32>
    tpu.vector_store %arg6[%swap3A_61, %swap3A_62, %swap3A_63], %swap3A_66 {strides = array<i32>} : memref<12x256x64xf32, #tpu.memory_space<vmem>>, vector<1x256x64xf32>,
    %slice3A_67 = vector.extract_strided_slice %dot_general3A_33 {offsets = [0, 1600], sizes = [256, 64], strides = [1, 1]} : vector<256x2304xf32> to vector<256x64xf32>
    %swap3A_68 = arith.constant 1 : index
    %swap3A_69 = arith.constant 0 : index
    %swap3A_70 = arith.constant 0 : index
    %swap3A_71 = vector.load %arg7[%swap3A_68, %swap3A_69, %swap3A_70] : memref<12x256x64xf32, #tpu.memory_space<vmem>>, vector<1x256x64xf32>
    %swap3A_72 = vector.shape_cast %swap3A_71 : vector<1x256x64xf32> to vector<256x64xf32>
    %swap3A_73 = vector.shape_cast %slice3A_67 : vector<256x64xf32> to vector<1x256x64xf32>
    tpu.vector_store %arg7[%swap3A_68, %swap3A_69, %swap3A_70], %swap3A_73 {strides = array<i32>} : memref<12x256x64xf32, #tpu.memory_space<vmem>>, vector<1x256x64xf32>,
    %slice3A_74 = vector.extract_strided_slice %dot_general3A_33 {offsets = [0, 128], sizes = [256, 64], strides = [1, 1]} : vector<256x2304xf32> to vector<256x64xf32>
    %swap3A_75 = arith.constant 2 : index
    %swap3A_76 = arith.constant 0 : index
    %swap3A_77 = arith.constant 0 : index
    %swap3A_78 = vector.load %arg5[%swap3A_75, %swap3A_76, %swap3A_77] : memref<12x256x64xf32, #tpu.memory_space<vmem>>, vector<1x256x64xf32>
    %swap3A_79 = vector.shape_cast %swap3A_78 : vector<1x256x64xf32> to vector<256x64xf32>
    %swap3A_80 = vector.shape_cast %slice3A_74 : vector<256x64xf32> to vector<1x256x64xf32>
    tpu.vector_store %arg5[%swap3A_75, %swap3A_76, %swap3A_77], %swap3A_80 {strides = array<i32>} : memref<12x256x64xf32, #tpu.memory_space<vmem>>, vector<1x256x64xf32>,
    %slice3A_81 = vector.extract_strided_slice %dot_general3A_33 {offsets = [0, 896], sizes = [256, 64], strides = [1, 1]} : vector<256x2304xf32> to vector<256x64xf32>
    %swap3A_82 = arith.constant 2 : index
    %swap3A_83 = arith.constant 0 : index
    %swap3A_84 = arith.constant 0 : index
    %swap3A_85 = vector.load %arg6[%swap3A_82, %swap3A_83, %swap3A_84] : memref<12x256x64xf32, #tpu.memory_space<vmem>>, vector<1x256x64xf32>
    %swap3A_86 = vector.shape_cast %swap3A_85 : vector<1x256x64xf32> to vector<256x64xf32>
    %swap3A_87 = vector.shape_cast %slice3A_81 : vector<256x64xf32> to vector<1x256x64xf32>
    tpu.vector_store %arg6[%swap3A_82, %swap3A_83, %swap3A_84], %swap3A_87 {strides = array<i32>} : memref<12x256x64xf32, #tpu.memory_space<vmem>>, vector<1x256x64xf32>,
    %slice3A_88 = vector.extract_strided_slice %dot_general3A_33 {offsets = [0, 1664], sizes = [256, 64], strides = [1, 1]} : vector<256x2304xf32> to vector<256x64xf32>
    %swap3A_89 = arith.constant 2 : index
    %swap3A_90 = arith.constant 0 : index
    %swap3A_91 = arith.constant 0 : index
    %swap3A_92 = vector.load %arg7[%swap3A_89, %swap3A_90, %swap3A_91] : memref<12x256x64xf32, #tpu.memory_space<vmem>>, vector<1x256x64xf32>
    %swap3A_93 = vector.shape_cast %swap3A_92 : vector<1x256x64xf32> to vector<256x64xf32>
    %swap3A_94 = vector.shape_cast %slice3A_88 : vector<256x64xf32> to vector<1x256x64xf32>
    tpu.vector_store %arg7[%swap3A_89, %swap3A_90, %swap3A_91], %swap3A_94 {strides = array<i32>} : memref<12x256x64xf32, #tpu.memory_space<vmem>>, vector<1x256x64xf32>,
    %slice3A_95 = vector.extract_strided_slice %dot_general3A_33 {offsets = [0, 192], sizes = [256, 64], strides = [1, 1]} : vector<256x2304xf32> to vector<256x64xf32>
    %swap3A_96 = arith.constant 3 : index
    %swap3A_97 = arith.constant 0 : index
    %swap3A_98 = arith.constant 0 : index
    %swap3A_99 = vector.load %arg5[%swap3A_96, %swap3A_97, %swap3A_98] : memref<12x256x64xf32, #tpu.memory_space<vmem>>, vector<1x256x64xf32>
    %swap3A_100 = vector.shape_cast %swap3A_99 : vector<1x256x64xf32> to vector<256x64xf32>
    %swap3A_101 = vector.shape_cast %slice3A_95 : vector<256x64xf32> to vector<1x256x64xf32>
    tpu.vector_store %arg5[%swap3A_96, %swap3A_97, %swap3A_98], %swap3A_101 {strides = array<i32>} : memref<12x256x64xf32, #tpu.memory_space<vmem>>, vector<1x256x64xf32>,
    %slice3A_102 = vector.extract_strided_slice %dot_general3A_33 {offsets = [0, 960], sizes = [256, 64], strides = [1, 1]} : vector<256x2304xf32> to vector<256x64xf32>
    %swap3A_103 = arith.constant 3 : index
    %swap3A_104 = arith.constant 0 : index
    %swap3A_105 = arith.constant 0 : index
    %swap3A_106 = vector.load %arg6[%swap3A_103, %swap3A_104, %swap3A_105] : memref<12x256x64xf32, #tpu.memory_space<vmem>>, vector<1x256x64xf32>
    %swap3A_107 = vector.shape_cast %swap3A_106 : vector<1x256x64xf32> to vector<256x64xf32>
    %swap3A_108 = vector.shape_cast %slice3A_102 : vector<256x64xf32> to vector<1x256x64xf32>
    tpu.vector_store %arg6[%swap3A_103, %swap3A_104, %swap3A_105], %swap3A_108 {strides = array<i32>} : memref<12x256x64xf32, #tpu.memory_space<vmem>>, vector<1x256x64xf32>,
    %slice3A_109 = vector.extract_strided_slice %dot_general3A_33 {offsets = [0, 1728], sizes = [256, 64], strides = [1, 1]} : vector<256x2304xf32> to vector<256x64xf32>
    %swap3A_110 = arith.constant 3 : index
    %swap3A_111 = arith.constant 0 : index
    %swap3A_112 = arith.constant 0 : index
    %swap3A_113 = vector.load %arg7[%swap3A_110, %swap3A_111, %swap3A_112] : memref<12x256x64xf32, #tpu.memory_space<vmem>>, vector<1x256x64xf32>
    %swap3A_114 = vector.shape_cast %swap3A_113 : vector<1x256x64xf32> to vector<256x64xf32>
    %swap3A_115 = vector.shape_cast %slice3A_109 : vector<256x64xf32> to vector<1x256x64xf32>
    tpu.vector_store %arg7[%swap3A_110, %swap3A_111, %swap3A_112], %swap3A_115 {strides = array<i32>} : memref<12x256x64xf32, #tpu.memory_space<vmem>>, vector<1x256x64xf32>,
    %slice3A_116 = vector.extract_strided_slice %dot_general3A_33 {offsets = [0, 256], sizes = [256, 64], strides = [1, 1]} : vector<256x2304xf32> to vector<256x64xf32>
    %swap3A_117 = arith.constant 4 : index
    %swap3A_118 = arith.constant 0 : index
    %swap3A_119 = arith.constant 0 : index
    %swap3A_120 = vector.load %arg5[%swap3A_117, %swap3A_118, %swap3A_119] : memref<12x256x64xf32, #tpu.memory_space<vmem>>, vector<1x256x64xf32>
    %swap3A_121 = vector.shape_cast %swap3A_120 : vector<1x256x64xf32> to vector<256x64xf32>
    %swap3A_122 = vector.shape_cast %slice3A_116 : vector<256x64xf32> to vector<1x256x64xf32>
    tpu.vector_store %arg5[%swap3A_117, %swap3A_118, %swap3A_119], %swap3A_122 {strides = array<i32>} : memref<12x256x64xf32, #tpu.memory_space<vmem>>, vector<1x256x64xf32>,
    %slice3A_123 = vector.extract_strided_slice %dot_general3A_33 {offsets = [0, 1024], sizes = [256, 64], strides = [1, 1]} : vector<256x2304xf32> to vector<256x64xf32>
    %swap3A_124 = arith.constant 4 : index
    %swap3A_125 = arith.constant 0 : index
    %swap3A_126 = arith.constant 0 : index
    %swap3A_127 = vector.load %arg6[%swap3A_124, %swap3A_125, %swap3A_126] : memref<12x256x64xf32, #tpu.memory_space<vmem>>, vector<1x256x64xf32>
    %swap3A_128 = vector.shape_cast %swap3A_127 : vector<1x256x64xf32> to vector<256x64xf32>
    %swap3A_129 = vector.shape_cast %slice3A_123 : vector<256x64xf32> to vector<1x256x64xf32>
    tpu.vector_store %arg6[%swap3A_124, %swap3A_125, %swap3A_126], %swap3A_129 {strides = array<i32>} : memref<12x256x64xf32, #tpu.memory_space<vmem>>, vector<1x256x64xf32>,
    %slice3A_130 = vector.extract_strided_slice %dot_general3A_33 {offsets = [0, 1792], sizes = [256, 64], strides = [1, 1]} : vector<256x2304xf32> to vector<256x64xf32>
    %swap3A_131 = arith.constant 4 : index
    %swap3A_132 = arith.constant 0 : index
    %swap3A_133 = arith.constant 0 : index
    %swap3A_134 = vector.load %arg7[%swap3A_131, %swap3A_132, %swap3A_133] : memref<12x256x64xf32, #tpu.memory_space<vmem>>, vector<1x256x64xf32>
    %swap3A_135 = vector.shape_cast %swap3A_134 : vector<1x256x64xf32> to vector<256x64xf32>
    %swap3A_136 = vector.shape_cast %slice3A_130 : vector<256x64xf32> to vector<1x256x64xf32>
    tpu.vector_store %arg7[%swap3A_131, %swap3A_132, %swap3A_133], %swap3A_136 {strides = array<i32>} : memref<12x256x64xf32, #tpu.memory_space<vmem>>, vector<1x256x64xf32>,
    %slice3A_137 = vector.extract_strided_slice %dot_general3A_33 {offsets = [0, 320], sizes = [256, 64], strides = [1, 1]} : vector<256x2304xf32> to vector<256x64xf32>
    %swap3A_138 = arith.constant 5 : index
    %swap3A_139 = arith.constant 0 : index
    %swap3A_140 = arith.constant 0 : index
    %swap3A_141 = vector.load %arg5[%swap3A_138, %swap3A_139, %swap3A_140] : memref<12x256x64xf32, #tpu.memory_space<vmem>>, vector<1x256x64xf32>
    %swap3A_142 = vector.shape_cast %swap3A_141 : vector<1x256x64xf32> to vector<256x64xf32>
    %swap3A_143 = vector.shape_cast %slice3A_137 : vector<256x64xf32> to vector<1x256x64xf32>
    tpu.vector_store %arg5[%swap3A_138, %swap3A_139, %swap3A_140], %swap3A_143 {strides = array<i32>} : memref<12x256x64xf32, #tpu.memory_space<vmem>>, vector<1x256x64xf32>,
    %slice3A_144 = vector.extract_strided_slice %dot_general3A_33 {offsets = [0, 1088], sizes = [256, 64], strides = [1, 1]} : vector<256x2304xf32> to vector<256x64xf32>
    %swap3A_145 = arith.constant 5 : index
    %swap3A_146 = arith.constant 0 : index
    %swap3A_147 = arith.constant 0 : index
    %swap3A_148 = vector.load %arg6[%swap3A_145, %swap3A_146, %swap3A_147] : memref<12x256x64xf32, #tpu.memory_space<vmem>>, vector<1x256x64xf32>
    %swap3A_149 = vector.shape_cast %swap3A_148 : vector<1x256x64xf32> to vector<256x64xf32>
    %swap3A_150 = vector.shape_cast %slice3A_144 : vector<256x64xf32> to vector<1x256x64xf32>
    tpu.vector_store %arg6[%swap3A_145, %swap3A_146, %swap3A_147], %swap3A_150 {strides = array<i32>} : memref<12x256x64xf32, #tpu.memory_space<vmem>>, vector<1x256x64xf32>,
    %slice3A_151 = vector.extract_strided_slice %dot_general3A_33 {offsets = [0, 1856], sizes = [256, 64], strides = [1, 1]} : vector<256x2304xf32> to vector<256x64xf32>
    %swap3A_152 = arith.constant 5 : index
    %swap3A_153 = arith.constant 0 : index
    %swap3A_154 = arith.constant 0 : index
    %swap3A_155 = vector.load %arg7[%swap3A_152, %swap3A_153, %swap3A_154] : memref<12x256x64xf32, #tpu.memory_space<vmem>>, vector<1x256x64xf32>
    %swap3A_156 = vector.shape_cast %swap3A_155 : vector<1x256x64xf32> to vector<256x64xf32>
    %swap3A_157 = vector.shape_cast %slice3A_151 : vector<256x64xf32> to vector<1x256x64xf32>
    tpu.vector_store %arg7[%swap3A_152, %swap3A_153, %swap3A_154], %swap3A_157 {strides = array<i32>} : memref<12x256x64xf32, #tpu.memory_space<vmem>>, vector<1x256x64xf32>,
    %slice3A_158 = vector.extract_strided_slice %dot_general3A_33 {offsets = [0, 384], sizes = [256, 64], strides = [1, 1]} : vector<256x2304xf32> to vector<256x64xf32>
    %swap3A_159 = arith.constant 6 : index
    %swap3A_160 = arith.constant 0 : index
    %swap3A_161 = arith.constant 0 : index
    %swap3A_162 = vector.load %arg5[%swap3A_159, %swap3A_160, %swap3A_161] : memref<12x256x64xf32, #tpu.memory_space<vmem>>, vector<1x256x64xf32>
    %swap3A_163 = vector.shape_cast %swap3A_162 : vector<1x256x64xf32> to vector<256x64xf32>
    %swap3A_164 = vector.shape_cast %slice3A_158 : vector<256x64xf32> to vector<1x256x64xf32>
    tpu.vector_store %arg5[%swap3A_159, %swap3A_160, %swap3A_161], %swap3A_164 {strides = array<i32>} : memref<12x256x64xf32, #tpu.memory_space<vmem>>, vector<1x256x64xf32>,
    %slice3A_165 = vector.extract_strided_slice %dot_general3A_33 {offsets = [0, 1152], sizes = [256, 64], strides = [1, 1]} : vector<256x2304xf32> to vector<256x64xf32>
    %swap3A_166 = arith.constant 6 : index
    %swap3A_167 = arith.constant 0 : index
    %swap3A_168 = arith.constant 0 : index
    %swap3A_169 = vector.load %arg6[%swap3A_166, %swap3A_167, %swap3A_168] : memref<12x256x64xf32, #tpu.memory_space<vmem>>, vector<1x256x64xf32>
    %swap3A_170 = vector.shape_cast %swap3A_169 : vector<1x256x64xf32> to vector<256x64xf32>
    %swap3A_171 = vector.shape_cast %slice3A_165 : vector<256x64xf32> to vector<1x256x64xf32>
    tpu.vector_store %arg6[%swap3A_166, %swap3A_167, %swap3A_168], %swap3A_171 {strides = array<i32>} : memref<12x256x64xf32, #tpu.memory_space<vmem>>, vector<1x256x64xf32>,
    %slice3A_172 = vector.extract_strided_slice %dot_general3A_33 {offsets = [0, 1920], sizes = [256, 64], strides = [1, 1]} : vector<256x2304xf32> to vector<256x64xf32>
    %swap3A_173 = arith.constant 6 : index
    %swap3A_174 = arith.constant 0 : index
    %swap3A_175 = arith.constant 0 : index
    %swap3A_176 = vector.load %arg7[%swap3A_173, %swap3A_174, %swap3A_175] : memref<12x256x64xf32, #tpu.memory_space<vmem>>, vector<1x256x64xf32>
    %swap3A_177 = vector.shape_cast %swap3A_176 : vector<1x256x64xf32> to vector<256x64xf32>
    %swap3A_178 = vector.shape_cast %slice3A_172 : vector<256x64xf32> to vector<1x256x64xf32>
    tpu.vector_store %arg7[%swap3A_173, %swap3A_174, %swap3A_175], %swap3A_178 {strides = array<i32>} : memref<12x256x64xf32, #tpu.memory_space<vmem>>, vector<1x256x64xf32>,
    %slice3A_179 = vector.extract_strided_slice %dot_general3A_33 {offsets = [0, 448], sizes = [256, 64], strides = [1, 1]} : vector<256x2304xf32> to vector<256x64xf32>
    %swap3A_180 = arith.constant 7 : index
    %swap3A_181 = arith.constant 0 : index
    %swap3A_182 = arith.constant 0 : index
    %swap3A_183 = vector.load %arg5[%swap3A_180, %swap3A_181, %swap3A_182] : memref<12x256x64xf32, #tpu.memory_space<vmem>>, vector<1x256x64xf32>
    %swap3A_184 = vector.shape_cast %swap3A_183 : vector<1x256x64xf32> to vector<256x64xf32>
    %swap3A_185 = vector.shape_cast %slice3A_179 : vector<256x64xf32> to vector<1x256x64xf32>
    tpu.vector_store %arg5[%swap3A_180, %swap3A_181, %swap3A_182], %swap3A_185 {strides = array<i32>} : memref<12x256x64xf32, #tpu.memory_space<vmem>>, vector<1x256x64xf32>,
    %slice3A_186 = vector.extract_strided_slice %dot_general3A_33 {offsets = [0, 1216], sizes = [256, 64], strides = [1, 1]} : vector<256x2304xf32> to vector<256x64xf32>
    %swap3A_187 = arith.constant 7 : index
    %swap3A_188 = arith.constant 0 : index
    %swap3A_189 = arith.constant 0 : index
    %swap3A_190 = vector.load %arg6[%swap3A_187, %swap3A_188, %swap3A_189] : memref<12x256x64xf32, #tpu.memory_space<vmem>>, vector<1x256x64xf32>
    %swap3A_191 = vector.shape_cast %swap3A_190 : vector<1x256x64xf32> to vector<256x64xf32>
    %swap3A_192 = vector.shape_cast %slice3A_186 : vector<256x64xf32> to vector<1x256x64xf32>
    tpu.vector_store %arg6[%swap3A_187, %swap3A_188, %swap3A_189], %swap3A_192 {strides = array<i32>} : memref<12x256x64xf32, #tpu.memory_space<vmem>>, vector<1x256x64xf32>,
    %slice3A_193 = vector.extract_strided_slice %dot_general3A_33 {offsets = [0, 1984], sizes = [256, 64], strides = [1, 1]} : vector<256x2304xf32> to vector<256x64xf32>
    %swap3A_194 = arith.constant 7 : index
    %swap3A_195 = arith.constant 0 : index
    %swap3A_196 = arith.constant 0 : index
    %swap3A_197 = vector.load %arg7[%swap3A_194, %swap3A_195, %swap3A_196] : memref<12x256x64xf32, #tpu.memory_space<vmem>>, vector<1x256x64xf32>
    %swap3A_198 = vector.shape_cast %swap3A_197 : vector<1x256x64xf32> to vector<256x64xf32>
    %swap3A_199 = vector.shape_cast %slice3A_193 : vector<256x64xf32> to vector<1x256x64xf32>
    tpu.vector_store %arg7[%swap3A_194, %swap3A_195, %swap3A_196], %swap3A_199 {strides = array<i32>} : memref<12x256x64xf32, #tpu.memory_space<vmem>>, vector<1x256x64xf32>,
    %slice3A_200 = vector.extract_strided_slice %dot_general3A_33 {offsets = [0, 512], sizes = [256, 64], strides = [1, 1]} : vector<256x2304xf32> to vector<256x64xf32>
    %swap3A_201 = arith.constant 8 : index
    %swap3A_202 = arith.constant 0 : index
    %swap3A_203 = arith.constant 0 : index
    %swap3A_204 = vector.load %arg5[%swap3A_201, %swap3A_202, %swap3A_203] : memref<12x256x64xf32, #tpu.memory_space<vmem>>, vector<1x256x64xf32>
    %swap3A_205 = vector.shape_cast %swap3A_204 : vector<1x256x64xf32> to vector<256x64xf32>
    %swap3A_206 = vector.shape_cast %slice3A_200 : vector<256x64xf32> to vector<1x256x64xf32>
    tpu.vector_store %arg5[%swap3A_201, %swap3A_202, %swap3A_203], %swap3A_206 {strides = array<i32>} : memref<12x256x64xf32, #tpu.memory_space<vmem>>, vector<1x256x64xf32>,
    %slice3A_207 = vector.extract_strided_slice %dot_general3A_33 {offsets = [0, 1280], sizes = [256, 64], strides = [1, 1]} : vector<256x2304xf32> to vector<256x64xf32>
    %swap3A_208 = arith.constant 8 : index
    %swap3A_209 = arith.constant 0 : index
    %swap3A_210 = arith.constant 0 : index
    %swap3A_211 = vector.load %arg6[%swap3A_208, %swap3A_209, %swap3A_210] : memref<12x256x64xf32, #tpu.memory_space<vmem>>, vector<1x256x64xf32>
    %swap3A_212 = vector.shape_cast %swap3A_211 : vector<1x256x64xf32> to vector<256x64xf32>
    %swap3A_213 = vector.shape_cast %slice3A_207 : vector<256x64xf32> to vector<1x256x64xf32>
    tpu.vector_store %arg6[%swap3A_208, %swap3A_209, %swap3A_210], %swap3A_213 {strides = array<i32>} : memref<12x256x64xf32, #tpu.memory_space<vmem>>, vector<1x256x64xf32>,
    %slice3A_214 = vector.extract_strided_slice %dot_general3A_33 {offsets = [0, 2048], sizes = [256, 64], strides = [1, 1]} : vector<256x2304xf32> to vector<256x64xf32>
    %swap3A_215 = arith.constant 8 : index
    %swap3A_216 = arith.constant 0 : index
    %swap3A_217 = arith.constant 0 : index
    %swap3A_218 = vector.load %arg7[%swap3A_215, %swap3A_216, %swap3A_217] : memref<12x256x64xf32, #tpu.memory_space<vmem>>, vector<1x256x64xf32>
    %swap3A_219 = vector.shape_cast %swap3A_218 : vector<1x256x64xf32> to vector<256x64xf32>
    %swap3A_220 = vector.shape_cast %slice3A_214 : vector<256x64xf32> to vector<1x256x64xf32>
    tpu.vector_store %arg7[%swap3A_215, %swap3A_216, %swap3A_217], %swap3A_220 {strides = array<i32>} : memref<12x256x64xf32, #tpu.memory_space<vmem>>, vector<1x256x64xf32>,
    %slice3A_221 = vector.extract_strided_slice %dot_general3A_33 {offsets = [0, 576], sizes = [256, 64], strides = [1, 1]} : vector<256x2304xf32> to vector<256x64xf32>
    %swap3A_222 = arith.constant 9 : index
    %swap3A_223 = arith.constant 0 : index
    %swap3A_224 = arith.constant 0 : index
    %swap3A_225 = vector.load %arg5[%swap3A_222, %swap3A_223, %swap3A_224] : memref<12x256x64xf32, #tpu.memory_space<vmem>>, vector<1x256x64xf32>
    %swap3A_226 = vector.shape_cast %swap3A_225 : vector<1x256x64xf32> to vector<256x64xf32>
    %swap3A_227 = vector.shape_cast %slice3A_221 : vector<256x64xf32> to vector<1x256x64xf32>
    tpu.vector_store %arg5[%swap3A_222, %swap3A_223, %swap3A_224], %swap3A_227 {strides = array<i32>} : memref<12x256x64xf32, #tpu.memory_space<vmem>>, vector<1x256x64xf32>,
    %slice3A_228 = vector.extract_strided_slice %dot_general3A_33 {offsets = [0, 1344], sizes = [256, 64], strides = [1, 1]} : vector<256x2304xf32> to vector<256x64xf32>
    %swap3A_229 = arith.constant 9 : index
    %swap3A_230 = arith.constant 0 : index
    %swap3A_231 = arith.constant 0 : index
    %swap3A_232 = vector.load %arg6[%swap3A_229, %swap3A_230, %swap3A_231] : memref<12x256x64xf32, #tpu.memory_space<vmem>>, vector<1x256x64xf32>
    %swap3A_233 = vector.shape_cast %swap3A_232 : vector<1x256x64xf32> to vector<256x64xf32>
    %swap3A_234 = vector.shape_cast %slice3A_228 : vector<256x64xf32> to vector<1x256x64xf32>
    tpu.vector_store %arg6[%swap3A_229, %swap3A_230, %swap3A_231], %swap3A_234 {strides = array<i32>} : memref<12x256x64xf32, #tpu.memory_space<vmem>>, vector<1x256x64xf32>,
    %slice3A_235 = vector.extract_strided_slice %dot_general3A_33 {offsets = [0, 2112], sizes = [256, 64], strides = [1, 1]} : vector<256x2304xf32> to vector<256x64xf32>
    %swap3A_236 = arith.constant 9 : index
    %swap3A_237 = arith.constant 0 : index
    %swap3A_238 = arith.constant 0 : index
    %swap3A_239 = vector.load %arg7[%swap3A_236, %swap3A_237, %swap3A_238] : memref<12x256x64xf32, #tpu.memory_space<vmem>>, vector<1x256x64xf32>
    %swap3A_240 = vector.shape_cast %swap3A_239 : vector<1x256x64xf32> to vector<256x64xf32>
    %swap3A_241 = vector.shape_cast %slice3A_235 : vector<256x64xf32> to vector<1x256x64xf32>
    tpu.vector_store %arg7[%swap3A_236, %swap3A_237, %swap3A_238], %swap3A_241 {strides = array<i32>} : memref<12x256x64xf32, #tpu.memory_space<vmem>>, vector<1x256x64xf32>,
    %slice3A_242 = vector.extract_strided_slice %dot_general3A_33 {offsets = [0, 640], sizes = [256, 64], strides = [1, 1]} : vector<256x2304xf32> to vector<256x64xf32>
    %swap3A_243 = arith.constant 10 : index
    %swap3A_244 = arith.constant 0 : index
    %swap3A_245 = arith.constant 0 : index
    %swap3A_246 = vector.load %arg5[%swap3A_243, %swap3A_244, %swap3A_245] : memref<12x256x64xf32, #tpu.memory_space<vmem>>, vector<1x256x64xf32>
    %swap3A_247 = vector.shape_cast %swap3A_246 : vector<1x256x64xf32> to vector<256x64xf32>
    %swap3A_248 = vector.shape_cast %slice3A_242 : vector<256x64xf32> to vector<1x256x64xf32>
    tpu.vector_store %arg5[%swap3A_243, %swap3A_244, %swap3A_245], %swap3A_248 {strides = array<i32>} : memref<12x256x64xf32, #tpu.memory_space<vmem>>, vector<1x256x64xf32>,
    %slice3A_249 = vector.extract_strided_slice %dot_general3A_33 {offsets = [0, 1408], sizes = [256, 64], strides = [1, 1]} : vector<256x2304xf32> to vector<256x64xf32>
    %swap3A_250 = arith.constant 10 : index
    %swap3A_251 = arith.constant 0 : index
    %swap3A_252 = arith.constant 0 : index
    %swap3A_253 = vector.load %arg6[%swap3A_250, %swap3A_251, %swap3A_252] : memref<12x256x64xf32, #tpu.memory_space<vmem>>, vector<1x256x64xf32>
    %swap3A_254 = vector.shape_cast %swap3A_253 : vector<1x256x64xf32> to vector<256x64xf32>
    %swap3A_255 = vector.shape_cast %slice3A_249 : vector<256x64xf32> to vector<1x256x64xf32>
    tpu.vector_store %arg6[%swap3A_250, %swap3A_251, %swap3A_252], %swap3A_255 {strides = array<i32>} : memref<12x256x64xf32, #tpu.memory_space<vmem>>, vector<1x256x64xf32>,
    %slice3A_256 = vector.extract_strided_slice %dot_general3A_33 {offsets = [0, 2176], sizes = [256, 64], strides = [1, 1]} : vector<256x2304xf32> to vector<256x64xf32>
    %swap3A_257 = arith.constant 10 : index
    %swap3A_258 = arith.constant 0 : index
    %swap3A_259 = arith.constant 0 : index
    %swap3A_260 = vector.load %arg7[%swap3A_257, %swap3A_258, %swap3A_259] : memref<12x256x64xf32, #tpu.memory_space<vmem>>, vector<1x256x64xf32>
    %swap3A_261 = vector.shape_cast %swap3A_260 : vector<1x256x64xf32> to vector<256x64xf32>
    %swap3A_262 = vector.shape_cast %slice3A_256 : vector<256x64xf32> to vector<1x256x64xf32>
    tpu.vector_store %arg7[%swap3A_257, %swap3A_258, %swap3A_259], %swap3A_262 {strides = array<i32>} : memref<12x256x64xf32, #tpu.memory_space<vmem>>, vector<1x256x64xf32>,
    %slice3A_263 = vector.extract_strided_slice %dot_general3A_33 {offsets = [0, 704], sizes = [256, 64], strides = [1, 1]} : vector<256x2304xf32> to vector<256x64xf32>
    %swap3A_264 = arith.constant 11 : index
    %swap3A_265 = arith.constant 0 : index
    %swap3A_266 = arith.constant 0 : index
    %swap3A_267 = vector.load %arg5[%swap3A_264, %swap3A_265, %swap3A_266] : memref<12x256x64xf32, #tpu.memory_space<vmem>>, vector<1x256x64xf32>
    %swap3A_268 = vector.shape_cast %swap3A_267 : vector<1x256x64xf32> to vector<256x64xf32>
    %swap3A_269 = vector.shape_cast %slice3A_263 : vector<256x64xf32> to vector<1x256x64xf32>
    tpu.vector_store %arg5[%swap3A_264, %swap3A_265, %swap3A_266], %swap3A_269 {strides = array<i32>} : memref<12x256x64xf32, #tpu.memory_space<vmem>>, vector<1x256x64xf32>,
    %slice3A_270 = vector.extract_strided_slice %dot_general3A_33 {offsets = [0, 1472], sizes = [256, 64], strides = [1, 1]} : vector<256x2304xf32> to vector<256x64xf32>
    %swap3A_271 = arith.constant 11 : index
    %swap3A_272 = arith.constant 0 : index
    %swap3A_273 = arith.constant 0 : index
    %swap3A_274 = vector.load %arg6[%swap3A_271, %swap3A_272, %swap3A_273] : memref<12x256x64xf32, #tpu.memory_space<vmem>>, vector<1x256x64xf32>
    %swap3A_275 = vector.shape_cast %swap3A_274 : vector<1x256x64xf32> to vector<256x64xf32>
    %swap3A_276 = vector.shape_cast %slice3A_270 : vector<256x64xf32> to vector<1x256x64xf32>
    tpu.vector_store %arg6[%swap3A_271, %swap3A_272, %swap3A_273], %swap3A_276 {strides = array<i32>} : memref<12x256x64xf32, #tpu.memory_space<vmem>>, vector<1x256x64xf32>,
    %slice3A_277 = vector.extract_strided_slice %dot_general3A_33 {offsets = [0, 2240], sizes = [256, 64], strides = [1, 1]} : vector<256x2304xf32> to vector<256x64xf32>
    %swap3A_278 = arith.constant 11 : index
    %swap3A_279 = arith.constant 0 : index
    %swap3A_280 = arith.constant 0 : index
    %swap3A_281 = vector.load %arg7[%swap3A_278, %swap3A_279, %swap3A_280] : memref<12x256x64xf32, #tpu.memory_space<vmem>>, vector<1x256x64xf32>
    %swap3A_282 = vector.shape_cast %swap3A_281 : vector<1x256x64xf32> to vector<256x64xf32>
    %swap3A_283 = vector.shape_cast %slice3A_277 : vector<256x64xf32> to vector<1x256x64xf32>
    tpu.vector_store %arg7[%swap3A_278, %swap3A_279, %swap3A_280], %swap3A_283 {strides = array<i32>} : memref<12x256x64xf32, #tpu.memory_space<vmem>>, vector<1x256x64xf32>,
    return
  }
  func.func @transform_0(%arg0: i32) -> (i32, i32) {
    %c0_i32 = arith.constant 0 : i32
    %c0_i32_0 = arith.constant 0 : i32
    return %arg0, %c0_i32 : i32, i32
  }
  func.func @transform_1(%arg0: i32) -> (i32, i32) {
    %c0_i32 = arith.constant 0 : i32
    %c0_i32_0 = arith.constant 0 : i32
    %c0_i32_1 = arith.constant 0 : i32
    return %c0_i32, %c0_i32_0 : i32, i32
  }
  func.func @transform_2(%arg0: i32) -> (i32, i32) {
    %c0_i32 = arith.constant 0 : i32
    %c0_i32_0 = arith.constant 0 : i32
    %c0_i32_1 = arith.constant 0 : i32
    return %c0_i32, %c0_i32_0 : i32, i32
  }
  func.func @transform_3(%arg0: i32) -> (i32, i32) {
    %c0_i32 = arith.constant 0 : i32
    %c0_i32_0 = arith.constant 0 : i32
    %c0_i32_1 = arith.constant 0 : i32
    return %c0_i32, %c0_i32_0 : i32, i32
  }
  func.func @transform_4(%arg0: i32) -> (i32, i32, i32) {
    %c0_i32 = arith.constant 0 : i32
    %c0_i32_0 = arith.constant 0 : i32
    %c0_i32_1 = arith.constant 0 : i32
    return %c0_i32, %arg0, %c0_i32_0 : i32, i32, i32
  }
  func.func @transform_5(%arg0: i32) -> (i32, i32, i32) {
    %c0_i32 = arith.constant 0 : i32
    %c0_i32_0 = arith.constant 0 : i32
    %c0_i32_1 = arith.constant 0 : i32
    return %c0_i32, %arg0, %c0_i32_0 : i32, i32, i32
  }
  func.func @transform_6(%arg0: i32) -> (i32, i32, i32) {
    %c0_i32 = arith.constant 0 : i32
    %c0_i32_0 = arith.constant 0 : i32
    %c0_i32_1 = arith.constant 0 : i32
    return %c0_i32, %arg0, %c0_i32_0 : i32, i32, i32
  }
}

module attributes {stable_mosaic.version = 14 : i64} {
  func.func @_attn_body(%arg0: i32, %arg1: i32, %arg2: memref<1x1024x64xf32, #tpu.memory_space<vmem>>, %arg3: memref<1x2048x64xf32, #tpu.memory_space<vmem>>, %arg4: memref<1x2048x64xf32, #tpu.memory_space<vmem>>, %arg5: memref<1x1024x64xf32, #tpu.memory_space<vmem>>) attributes {dimension_semantics = [#tpu.dimension_semantics<arbitrary>, #tpu.dimension_semantics<arbitrary>], iteration_bounds = array<i64: 12, 2>, scalar_prefetch = 0 : i64, scratch_operands = 0 : i64, tpu.core_type = #tpu.core_type<tc>, window_params = [{transform_indices = @transform_0, window_bounds = array<i64: 1, 1024, 64>}, {transform_indices = @transform_1, window_bounds = array<i64: 1, 2048, 64>}, {transform_indices = @transform_2, window_bounds = array<i64: 1, 2048, 64>}, {transform_indices = @transform_3, window_bounds = array<i64: 1, 1024, 64>}]} {
    %get3A = arith.constant 0 : index
    %get3A_0 = arith.constant 0 : index
    %get3A_1 = arith.constant 0 : index
    %get3A_2 = vector.load %arg2[%get3A, %get3A_0, %get3A_1] : memref<1x1024x64xf32, #tpu.memory_space<vmem>>, vector<1x1024x64xf32>
    %get3A_3 = vector.shape_cast %get3A_2 : vector<1x1024x64xf32> to vector<1024x64xf32>
    %get3A_4 = arith.constant 0 : index
    %get3A_5 = arith.constant 0 : index
    %get3A_6 = arith.constant 0 : index
    %get3A_7 = vector.load %arg3[%get3A_4, %get3A_5, %get3A_6] : memref<1x2048x64xf32, #tpu.memory_space<vmem>>, vector<1x2048x64xf32>
    %get3A_8 = vector.shape_cast %get3A_7 : vector<1x2048x64xf32> to vector<2048x64xf32>
    %dot_general3A = arith.constant dense<0.000000e+00> : vector<1024x2048xf32>
    %dot_general3A_9 = tpu.matmul %get3A_3, %get3A_8, %dot_general3A {dimension_numbers = #tpu.dot_dimension_numbers<[1], [1], [0], [0], [0, 0, 1, 0], [], []>, transpose_lhs_hint = false} : vector<1024x64xf32>, vector<2048x64xf32>, vector<1024x2048xf32> -> vector<1024x2048xf32>
    %mul3A = arith.constant 1.250000e-01 : f32
    %mul3A_10 = vector.broadcast %mul3A : f32 to vector<1024x2048xf32>
    %mul3A_11 = arith.mulf %dot_general3A_9, %mul3A_10 : vector<1024x2048xf32>
    %iota3A = tpu.iota {dimensions = array<i32: 0>} : vector<1024x2048xi32>
    %mul3A_12 = arith.constant 1024 : i32
    %mul3A_13 = arith.muli %arg1, %mul3A_12 : i32
    %add3A = vector.broadcast %mul3A_13 : i32 to vector<1024x2048xi32>
    %add3A_14 = arith.addi %iota3A, %add3A : vector<1024x2048xi32>
    %iota3A_15 = tpu.iota {dimensions = array<i32: 1>} : vector<1024x2048xi32>
    %le3A = arith.cmpi sle, %iota3A_15, %add3A_14 : vector<1024x2048xi32>
    %jit3A = arith.constant -3.40282347E+38 : f32
    %broadcast_in_dim3A = vector.broadcast %jit3A : f32 to vector<1024x2048xf32>
    %select_n3A = arith.select %le3A, %mul3A_11, %broadcast_in_dim3A : vector<1024x2048xi1>, vector<1024x2048xf32>
    %reduce_max3A = arith.constant dense<0xFF800000> : vector<1024xf32>
    %reduce_max3A_16 = vector.multi_reduction <maximumf>, %select_n3A, %reduce_max3A [1] : vector<1024x2048xf32> to vector<1024xf32>
    %broadcast_in_dim3A_17 = vector.shape_cast %reduce_max3A_16 : vector<1024xf32> to vector<1024x1xf32>
    %sub3A = vector.broadcast %broadcast_in_dim3A_17 : vector<1024x1xf32> to vector<1024x2048xf32>
    %sub3A_18 = arith.subf %select_n3A, %sub3A : vector<1024x2048xf32>
    %exp3A = math.exp %sub3A_18 : vector<1024x2048xf32>
    %reduce_sum3A = arith.constant dense<0.000000e+00> : vector<1024xf32>
    %reduce_sum3A_19 = vector.multi_reduction <add>, %exp3A, %reduce_sum3A [1] : vector<1024x2048xf32> to vector<1024xf32>
    %broadcast_in_dim3A_20 = vector.shape_cast %reduce_sum3A_19 : vector<1024xf32> to vector<1024x1xf32>
    %get3A_21 = arith.constant 0 : index
    %get3A_22 = arith.constant 0 : index
    %get3A_23 = arith.constant 0 : index
    %get3A_24 = vector.load %arg4[%get3A_21, %get3A_22, %get3A_23] : memref<1x2048x64xf32, #tpu.memory_space<vmem>>, vector<1x2048x64xf32>
    %get3A_25 = vector.shape_cast %get3A_24 : vector<1x2048x64xf32> to vector<2048x64xf32>
    %dot_general3A_26 = arith.constant dense<0.000000e+00> : vector<1024x64xf32>
    %dot_general3A_27 = tpu.matmul %exp3A, %get3A_25, %dot_general3A_26 {dimension_numbers = #tpu.dot_dimension_numbers<[1], [0], [0], [1], [0, 0, 1, 1], [], []>, transpose_lhs_hint = false} : vector<1024x2048xf32>, vector<2048x64xf32>, vector<1024x64xf32> -> vector<1024x64xf32>
    %div3A = vector.broadcast %broadcast_in_dim3A_20 : vector<1024x1xf32> to vector<1024x64xf32>
    %div3A_28 = arith.divf %dot_general3A_27, %div3A : vector<1024x64xf32>
    %swap3A = arith.constant 0 : index
    %swap3A_29 = arith.constant 0 : index
    %swap3A_30 = arith.constant 0 : index
    %swap3A_31 = vector.load %arg5[%swap3A, %swap3A_29, %swap3A_30] : memref<1x1024x64xf32, #tpu.memory_space<vmem>>, vector<1x1024x64xf32>
    %swap3A_32 = vector.shape_cast %swap3A_31 : vector<1x1024x64xf32> to vector<1024x64xf32>
    %swap3A_33 = vector.shape_cast %div3A_28 : vector<1024x64xf32> to vector<1x1024x64xf32>
    tpu.vector_store %arg5[%swap3A, %swap3A_29, %swap3A_30], %swap3A_33 {strides = array<i32>} : memref<1x1024x64xf32, #tpu.memory_space<vmem>>, vector<1x1024x64xf32>,
    return
  }
  func.func @transform_0(%arg0: i32, %arg1: i32) -> (i32, i32, i32) {
    %c0_i32 = arith.constant 0 : i32
    %c0_i32_0 = arith.constant 0 : i32
    return %arg0, %arg1, %c0_i32 : i32, i32, i32
  }
  func.func @transform_1(%arg0: i32, %arg1: i32) -> (i32, i32, i32) {
    %c0_i32 = arith.constant 0 : i32
    %c0_i32_0 = arith.constant 0 : i32
    %c0_i32_1 = arith.constant 0 : i32
    return %arg0, %c0_i32, %c0_i32_0 : i32, i32, i32
  }
  func.func @transform_2(%arg0: i32, %arg1: i32) -> (i32, i32, i32) {
    %c0_i32 = arith.constant 0 : i32
    %c0_i32_0 = arith.constant 0 : i32
    %c0_i32_1 = arith.constant 0 : i32
    return %arg0, %c0_i32, %c0_i32_0 : i32, i32, i32
  }
  func.func @transform_3(%arg0: i32, %arg1: i32) -> (i32, i32, i32) {
    %c0_i32 = arith.constant 0 : i32
    %c0_i32_0 = arith.constant 0 : i32
    return %arg0, %arg1, %c0_i32 : i32, i32, i32
  }
}

module attributes {stable_mosaic.version = 14 : i64} {
  func.func @_proj_body(%arg0: i32, %arg1: memref<12x256x64xf32, #tpu.memory_space<vmem>>, %arg2: memref<256x768xf32, #tpu.memory_space<vmem>>, %arg3: memref<768x768xf32, #tpu.memory_space<vmem>>, %arg4: memref<1x768xf32, #tpu.memory_space<vmem>>, %arg5: memref<1x768xf32, #tpu.memory_space<vmem>>, %arg6: memref<768x8xf32, #tpu.memory_space<vmem>>, %arg7: memref<256x768xf32, #tpu.memory_space<vmem>>, %arg8: memref<256x768xf32, #tpu.memory_space<vmem>>, %arg9: memref<256x8xf32, #tpu.memory_space<vmem>>) attributes {dimension_semantics = [#tpu.dimension_semantics<arbitrary>], iteration_bounds = array<i64: 8>, scalar_prefetch = 0 : i64, scratch_operands = 0 : i64, tpu.core_type = #tpu.core_type<tc>, window_params = [{transform_indices = @transform_0, window_bounds = array<i64: 12, 256, 64>}, {transform_indices = @transform_1, window_bounds = array<i64: 256, 768>}, {pipeline_mode = #tpu.pipeline_mode<synchronous>, transform_indices = @transform_2, window_bounds = array<i64: 768, 768>}, {pipeline_mode = #tpu.pipeline_mode<synchronous>, transform_indices = @transform_3, window_bounds = array<i64: 1, 768>}, {pipeline_mode = #tpu.pipeline_mode<synchronous>, transform_indices = @transform_4, window_bounds = array<i64: 1, 768>}, {pipeline_mode = #tpu.pipeline_mode<synchronous>, transform_indices = @transform_5, window_bounds = array<i64: 768, 8>}, {transform_indices = @transform_6, window_bounds = array<i64: 256, 768>}, {transform_indices = @transform_7, window_bounds = array<i64: 256, 768>}, {transform_indices = @transform_8, window_bounds = array<i64: 256, 8>}]} {
    %get3A = arith.constant 0 : index
    %get3A_0 = arith.constant 0 : index
    %get3A_1 = arith.constant 0 : index
    %get3A_2 = vector.load %arg1[%get3A, %get3A_0, %get3A_1] : memref<12x256x64xf32, #tpu.memory_space<vmem>>, vector<1x256x64xf32>
    %get3A_3 = vector.shape_cast %get3A_2 : vector<1x256x64xf32> to vector<256x64xf32>
    %get3A_4 = arith.constant 1 : index
    %get3A_5 = arith.constant 0 : index
    %get3A_6 = arith.constant 0 : index
    %get3A_7 = vector.load %arg1[%get3A_4, %get3A_5, %get3A_6] : memref<12x256x64xf32, #tpu.memory_space<vmem>>, vector<1x256x64xf32>
    %get3A_8 = vector.shape_cast %get3A_7 : vector<1x256x64xf32> to vector<256x64xf32>
    %get3A_9 = arith.constant 2 : index
    %get3A_10 = arith.constant 0 : index
    %get3A_11 = arith.constant 0 : index
    %get3A_12 = vector.load %arg1[%get3A_9, %get3A_10, %get3A_11] : memref<12x256x64xf32, #tpu.memory_space<vmem>>, vector<1x256x64xf32>
    %get3A_13 = vector.shape_cast %get3A_12 : vector<1x256x64xf32> to vector<256x64xf32>
    %get3A_14 = arith.constant 3 : index
    %get3A_15 = arith.constant 0 : index
    %get3A_16 = arith.constant 0 : index
    %get3A_17 = vector.load %arg1[%get3A_14, %get3A_15, %get3A_16] : memref<12x256x64xf32, #tpu.memory_space<vmem>>, vector<1x256x64xf32>
    %get3A_18 = vector.shape_cast %get3A_17 : vector<1x256x64xf32> to vector<256x64xf32>
    %get3A_19 = arith.constant 4 : index
    %get3A_20 = arith.constant 0 : index
    %get3A_21 = arith.constant 0 : index
    %get3A_22 = vector.load %arg1[%get3A_19, %get3A_20, %get3A_21] : memref<12x256x64xf32, #tpu.memory_space<vmem>>, vector<1x256x64xf32>
    %get3A_23 = vector.shape_cast %get3A_22 : vector<1x256x64xf32> to vector<256x64xf32>
    %get3A_24 = arith.constant 5 : index
    %get3A_25 = arith.constant 0 : index
    %get3A_26 = arith.constant 0 : index
    %get3A_27 = vector.load %arg1[%get3A_24, %get3A_25, %get3A_26] : memref<12x256x64xf32, #tpu.memory_space<vmem>>, vector<1x256x64xf32>
    %get3A_28 = vector.shape_cast %get3A_27 : vector<1x256x64xf32> to vector<256x64xf32>
    %get3A_29 = arith.constant 6 : index
    %get3A_30 = arith.constant 0 : index
    %get3A_31 = arith.constant 0 : index
    %get3A_32 = vector.load %arg1[%get3A_29, %get3A_30, %get3A_31] : memref<12x256x64xf32, #tpu.memory_space<vmem>>, vector<1x256x64xf32>
    %get3A_33 = vector.shape_cast %get3A_32 : vector<1x256x64xf32> to vector<256x64xf32>
    %get3A_34 = arith.constant 7 : index
    %get3A_35 = arith.constant 0 : index
    %get3A_36 = arith.constant 0 : index
    %get3A_37 = vector.load %arg1[%get3A_34, %get3A_35, %get3A_36] : memref<12x256x64xf32, #tpu.memory_space<vmem>>, vector<1x256x64xf32>
    %get3A_38 = vector.shape_cast %get3A_37 : vector<1x256x64xf32> to vector<256x64xf32>
    %get3A_39 = arith.constant 8 : index
    %get3A_40 = arith.constant 0 : index
    %get3A_41 = arith.constant 0 : index
    %get3A_42 = vector.load %arg1[%get3A_39, %get3A_40, %get3A_41] : memref<12x256x64xf32, #tpu.memory_space<vmem>>, vector<1x256x64xf32>
    %get3A_43 = vector.shape_cast %get3A_42 : vector<1x256x64xf32> to vector<256x64xf32>
    %get3A_44 = arith.constant 9 : index
    %get3A_45 = arith.constant 0 : index
    %get3A_46 = arith.constant 0 : index
    %get3A_47 = vector.load %arg1[%get3A_44, %get3A_45, %get3A_46] : memref<12x256x64xf32, #tpu.memory_space<vmem>>, vector<1x256x64xf32>
    %get3A_48 = vector.shape_cast %get3A_47 : vector<1x256x64xf32> to vector<256x64xf32>
    %get3A_49 = arith.constant 10 : index
    %get3A_50 = arith.constant 0 : index
    %get3A_51 = arith.constant 0 : index
    %get3A_52 = vector.load %arg1[%get3A_49, %get3A_50, %get3A_51] : memref<12x256x64xf32, #tpu.memory_space<vmem>>, vector<1x256x64xf32>
    %get3A_53 = vector.shape_cast %get3A_52 : vector<1x256x64xf32> to vector<256x64xf32>
    %get3A_54 = arith.constant 11 : index
    %get3A_55 = arith.constant 0 : index
    %get3A_56 = arith.constant 0 : index
    %get3A_57 = vector.load %arg1[%get3A_54, %get3A_55, %get3A_56] : memref<12x256x64xf32, #tpu.memory_space<vmem>>, vector<1x256x64xf32>
    %get3A_58 = vector.shape_cast %get3A_57 : vector<1x256x64xf32> to vector<256x64xf32>
    %concatenate3A = tpu.concatenate %get3A_3, %get3A_8, %get3A_13, %get3A_18, %get3A_23, %get3A_28, %get3A_33, %get3A_38, %get3A_43, %get3A_48, %get3A_53, %get3A_58 in 1 : vector<256x64xf32>, vector<256x64xf32>, vector<256x64xf32>, vector<256x64xf32>, vector<256x64xf32>, vector<256x64xf32>, vector<256x64xf32>, vector<256x64xf32>, vector<256x64xf32>, vector<256x64xf32>, vector<256x64xf32>, vector<256x64xf32> -> vector<256x768xf32>
    %get3A_59 = arith.constant 0 : index
    %get3A_60 = arith.constant 0 : index
    %get3A_61 = vector.load %arg2[%get3A_59, %get3A_60] : memref<256x768xf32, #tpu.memory_space<vmem>>, vector<256x768xf32>
    %get3A_62 = arith.constant 0 : index
    %get3A_63 = arith.constant 0 : index
    %get3A_64 = vector.load %arg3[%get3A_62, %get3A_63] : memref<768x768xf32, #tpu.memory_space<vmem>>, vector<768x768xf32>
    %dot_general3A = arith.constant dense<0.000000e+00> : vector<256x768xf32>
    %dot_general3A_65 = tpu.matmul %concatenate3A, %get3A_64, %dot_general3A {dimension_numbers = #tpu.dot_dimension_numbers<[1], [0], [0], [1], [0, 0, 1, 1], [], []>, transpose_lhs_hint = false} : vector<256x768xf32>, vector<768x768xf32>, vector<256x768xf32> -> vector<256x768xf32>
    %add3A = arith.addf %get3A_61, %dot_general3A_65 : vector<256x768xf32>
    %swap3A = arith.constant 0 : index
    %swap3A_66 = arith.constant 0 : index
    %swap3A_67 = vector.load %arg7[%swap3A, %swap3A_66] : memref<256x768xf32, #tpu.memory_space<vmem>>, vector<256x768xf32>
    tpu.vector_store %arg7[%swap3A, %swap3A_66], %add3A {strides = array<i32>} : memref<256x768xf32, #tpu.memory_space<vmem>>, vector<256x768xf32>,
    %reduce_sum3A = arith.constant dense<0.000000e+00> : vector<256xf32>
    %reduce_sum3A_68 = vector.multi_reduction <add>, %add3A, %reduce_sum3A [1] : vector<256x768xf32> to vector<256xf32>
    %broadcast_in_dim3A = vector.shape_cast %reduce_sum3A_68 : vector<256xf32> to vector<256x1xf32>
    %div3A = arith.constant 7.680000e+02 : f32
    %div3A_69 = vector.broadcast %div3A : f32 to vector<256x1xf32>
    %div3A_70 = arith.divf %broadcast_in_dim3A, %div3A_69 : vector<256x1xf32>
    %sub3A = vector.broadcast %div3A_70 : vector<256x1xf32> to vector<256x768xf32>
    %sub3A_71 = arith.subf %add3A, %sub3A : vector<256x768xf32>
    %sub3A_72 = vector.broadcast %div3A_70 : vector<256x1xf32> to vector<256x768xf32>
    %sub3A_73 = arith.subf %add3A, %sub3A_72 : vector<256x768xf32>
    %mul3A = arith.mulf %sub3A_71, %sub3A_73 : vector<256x768xf32>
    %reduce_sum3A_74 = arith.constant dense<0.000000e+00> : vector<256xf32>
    %reduce_sum3A_75 = vector.multi_reduction <add>, %mul3A, %reduce_sum3A_74 [1] : vector<256x768xf32> to vector<256xf32>
    %broadcast_in_dim3A_76 = vector.shape_cast %reduce_sum3A_75 : vector<256xf32> to vector<256x1xf32>
    %div3A_77 = arith.constant 7.680000e+02 : f32
    %div3A_78 = vector.broadcast %div3A_77 : f32 to vector<256x1xf32>
    %div3A_79 = arith.divf %broadcast_in_dim3A_76, %div3A_78 : vector<256x1xf32>
    %sub3A_80 = vector.broadcast %div3A_70 : vector<256x1xf32> to vector<256x768xf32>
    %sub3A_81 = arith.subf %add3A, %sub3A_80 : vector<256x768xf32>
    %add3A_82 = arith.constant 9.99999974E-6 : f32
    %add3A_83 = vector.broadcast %add3A_82 : f32 to vector<256x1xf32>
    %add3A_84 = arith.addf %div3A_79, %add3A_83 : vector<256x1xf32>
    %rsqrt3A = math.rsqrt %add3A_84 : vector<256x1xf32>
    %mul3A_85 = vector.broadcast %rsqrt3A : vector<256x1xf32> to vector<256x768xf32>
    %mul3A_86 = arith.mulf %sub3A_81, %mul3A_85 : vector<256x768xf32>
    %get3A_87 = arith.constant 0 : index
    %get3A_88 = arith.constant 0 : index
    %get3A_89 = vector.load %arg4[%get3A_87, %get3A_88] : memref<1x768xf32, #tpu.memory_space<vmem>>, vector<1x768xf32>
    %mul3A_90 = vector.broadcast %get3A_89 : vector<1x768xf32> to vector<256x768xf32>
    %mul3A_91 = arith.mulf %mul3A_86, %mul3A_90 : vector<256x768xf32>
    %get3A_92 = arith.constant 0 : index
    %get3A_93 = arith.constant 0 : index
    %get3A_94 = vector.load %arg5[%get3A_92, %get3A_93] : memref<1x768xf32, #tpu.memory_space<vmem>>, vector<1x768xf32>
    %add3A_95 = vector.broadcast %get3A_94 : vector<1x768xf32> to vector<256x768xf32>
    %add3A_96 = arith.addf %mul3A_91, %add3A_95 : vector<256x768xf32>
    %swap3A_97 = arith.constant 0 : index
    %swap3A_98 = arith.constant 0 : index
    %swap3A_99 = vector.load %arg8[%swap3A_97, %swap3A_98] : memref<256x768xf32, #tpu.memory_space<vmem>>, vector<256x768xf32>
    tpu.vector_store %arg8[%swap3A_97, %swap3A_98], %add3A_96 {strides = array<i32>} : memref<256x768xf32, #tpu.memory_space<vmem>>, vector<256x768xf32>,
    %get3A_100 = arith.constant 0 : index
    %get3A_101 = arith.constant 0 : index
    %get3A_102 = vector.load %arg6[%get3A_100, %get3A_101] : memref<768x8xf32, #tpu.memory_space<vmem>>, vector<768x8xf32>
    %dot_general3A_103 = arith.constant dense<0.000000e+00> : vector<256x8xf32>
    %dot_general3A_104 = tpu.matmul %add3A_96, %get3A_102, %dot_general3A_103 {dimension_numbers = #tpu.dot_dimension_numbers<[1], [0], [0], [1], [0, 0, 1, 1], [], []>, transpose_lhs_hint = false} : vector<256x768xf32>, vector<768x8xf32>, vector<256x8xf32> -> vector<256x8xf32>
    %swap3A_105 = arith.constant 0 : index
    %swap3A_106 = arith.constant 0 : index
    %swap3A_107 = vector.load %arg9[%swap3A_105, %swap3A_106] : memref<256x8xf32, #tpu.memory_space<vmem>>, vector<256x8xf32>
    tpu.vector_store %arg9[%swap3A_105, %swap3A_106], %dot_general3A_104 {strides = array<i32>} : memref<256x8xf32, #tpu.memory_space<vmem>>, vector<256x8xf32>,
    return
  }
  func.func @transform_0(%arg0: i32) -> (i32, i32, i32) {
    %c0_i32 = arith.constant 0 : i32
    %c0_i32_0 = arith.constant 0 : i32
    %c0_i32_1 = arith.constant 0 : i32
    return %c0_i32, %arg0, %c0_i32_0 : i32, i32, i32
  }
  func.func @transform_1(%arg0: i32) -> (i32, i32) {
    %c0_i32 = arith.constant 0 : i32
    %c0_i32_0 = arith.constant 0 : i32
    return %arg0, %c0_i32 : i32, i32
  }
  func.func @transform_2(%arg0: i32) -> (i32, i32) {
    %c0_i32 = arith.constant 0 : i32
    %c0_i32_0 = arith.constant 0 : i32
    %c0_i32_1 = arith.constant 0 : i32
    return %c0_i32, %c0_i32_0 : i32, i32
  }
  func.func @transform_3(%arg0: i32) -> (i32, i32) {
    %c0_i32 = arith.constant 0 : i32
    %c0_i32_0 = arith.constant 0 : i32
    %c0_i32_1 = arith.constant 0 : i32
    return %c0_i32, %c0_i32_0 : i32, i32
  }
  func.func @transform_4(%arg0: i32) -> (i32, i32) {
    %c0_i32 = arith.constant 0 : i32
    %c0_i32_0 = arith.constant 0 : i32
    %c0_i32_1 = arith.constant 0 : i32
    return %c0_i32, %c0_i32_0 : i32, i32
  }
  func.func @transform_5(%arg0: i32) -> (i32, i32) {
    %c0_i32 = arith.constant 0 : i32
    %c0_i32_0 = arith.constant 0 : i32
    %c0_i32_1 = arith.constant 0 : i32
    return %c0_i32, %c0_i32_0 : i32, i32
  }
  func.func @transform_6(%arg0: i32) -> (i32, i32) {
    %c0_i32 = arith.constant 0 : i32
    %c0_i32_0 = arith.constant 0 : i32
    return %arg0, %c0_i32 : i32, i32
  }
  func.func @transform_7(%arg0: i32) -> (i32, i32) {
    %c0_i32 = arith.constant 0 : i32
    %c0_i32_0 = arith.constant 0 : i32
    return %arg0, %c0_i32 : i32, i32
  }
  func.func @transform_8(%arg0: i32) -> (i32, i32) {
    %c0_i32 = arith.constant 0 : i32
    %c0_i32_0 = arith.constant 0 : i32
    return %arg0, %c0_i32 : i32, i32
  }
}

module attributes {stable_mosaic.version = 14 : i64} {
  func.func @_router_body(%arg0: memref<2048x8xf32, #tpu.memory_space<vmem>>, %arg1: memref<1x2048xi32, #tpu.memory_space<vmem>>, %arg2: memref<1x2048xi32, #tpu.memory_space<vmem>>, %arg3: memref<2048x128xf32, #tpu.memory_space<vmem>>, %arg4: memref<2048x128xf32, #tpu.memory_space<vmem>>, %arg5: memref<24xi32, #tpu.memory_space<smem>>, %arg6: memref<24xi32, #tpu.memory_space<smem>>, %arg7: memref<1x1xf32, #tpu.memory_space<smem>>) attributes {dimension_semantics = [], scalar_prefetch = 0 : i64, scratch_operands = 0 : i64, tpu.core_type = #tpu.core_type<tc>} {
    %get3A = arith.constant 0 : index
    %get3A_0 = arith.constant 0 : index
    %get3A_1 = vector.load %arg0[%get3A, %get3A_0] : memref<2048x8xf32, #tpu.memory_space<vmem>>, vector<2048x8xf32>
    %iota3A = tpu.iota {dimensions = array<i32: 1>} : vector<2048x8xi32>
    %reduce_max3A = arith.constant dense<0xFF800000> : vector<2048xf32>
    %reduce_max3A_2 = vector.multi_reduction <maximumf>, %get3A_1, %reduce_max3A [1] : vector<2048x8xf32> to vector<2048xf32>
    %broadcast_in_dim3A = vector.shape_cast %reduce_max3A_2 : vector<2048xf32> to vector<2048x1xf32>
    %eq3A = vector.broadcast %broadcast_in_dim3A : vector<2048x1xf32> to vector<2048x8xf32>
    %eq3A_3 = arith.cmpf oeq, %get3A_1, %eq3A : vector<2048x8xf32>
    %jit3A = arith.constant 8 : i32
    %broadcast_in_dim3A_4 = vector.broadcast %jit3A : i32 to vector<2048x8xi32>
    %select_n3A = arith.select %eq3A_3, %iota3A, %broadcast_in_dim3A_4 : vector<2048x8xi1>, vector<2048x8xi32>
    %reduce_min3A = arith.constant dense<2147483647> : vector<2048xi32>
    %reduce_min3A_5 = vector.multi_reduction <minsi>, %select_n3A, %reduce_min3A [1] : vector<2048x8xi32> to vector<2048xi32>
    %broadcast_in_dim3A_6 = vector.shape_cast %reduce_min3A_5 : vector<2048xi32> to vector<2048x1xi32>
    %eq3A_7 = vector.broadcast %broadcast_in_dim3A_6 : vector<2048x1xi32> to vector<2048x8xi32>
    %eq3A_8 = arith.cmpi eq, %iota3A, %eq3A_7 : vector<2048x8xi32>
    %jit3A_9 = arith.constant -3.40282347E+38 : f32
    %broadcast_in_dim3A_10 = vector.broadcast %jit3A_9 : f32 to vector<2048x8xf32>
    %select_n3A_11 = arith.select %eq3A_8, %broadcast_in_dim3A_10, %get3A_1 : vector<2048x8xi1>, vector<2048x8xf32>
    %reduce_max3A_12 = arith.constant dense<0xFF800000> : vector<2048xf32>
    %reduce_max3A_13 = vector.multi_reduction <maximumf>, %select_n3A_11, %reduce_max3A_12 [1] : vector<2048x8xf32> to vector<2048xf32>
    %broadcast_in_dim3A_14 = vector.shape_cast %reduce_max3A_13 : vector<2048xf32> to vector<2048x1xf32>
    %eq3A_15 = vector.broadcast %broadcast_in_dim3A_14 : vector<2048x1xf32> to vector<2048x8xf32>
    %eq3A_16 = arith.cmpf oeq, %select_n3A_11, %eq3A_15 : vector<2048x8xf32>
    %jit3A_17 = arith.constant 8 : i32
    %broadcast_in_dim3A_18 = vector.broadcast %jit3A_17 : i32 to vector<2048x8xi32>
    %select_n3A_19 = arith.select %eq3A_16, %iota3A, %broadcast_in_dim3A_18 : vector<2048x8xi1>, vector<2048x8xi32>
    %reduce_min3A_20 = arith.constant dense<2147483647> : vector<2048xi32>
    %reduce_min3A_21 = vector.multi_reduction <minsi>, %select_n3A_19, %reduce_min3A_20 [1] : vector<2048x8xi32> to vector<2048xi32>
    %broadcast_in_dim3A_22 = vector.shape_cast %reduce_min3A_21 : vector<2048xi32> to vector<2048x1xi32>
    %sub3A = arith.subf %broadcast_in_dim3A_14, %broadcast_in_dim3A : vector<2048x1xf32>
    %exp3A = math.exp %sub3A : vector<2048x1xf32>
    %add3A = arith.constant 1.000000e+00 : f32
    %add3A_23 = vector.broadcast %add3A : f32 to vector<2048x1xf32>
    %add3A_24 = arith.addf %add3A_23, %exp3A : vector<2048x1xf32>
    %div3A = arith.constant 1.000000e+00 : f32
    %div3A_25 = vector.broadcast %div3A : f32 to vector<2048x1xf32>
    %div3A_26 = arith.divf %div3A_25, %add3A_24 : vector<2048x1xf32>
    %div3A_27 = arith.divf %exp3A, %add3A_24 : vector<2048x1xf32>
    %broadcast_in_dim3A_28 = vector.shape_cast %div3A_26 : vector<2048x1xf32> to vector<2048x1xf32>
    %broadcast_in_dim3A_29 = vector.broadcast %broadcast_in_dim3A_28 : vector<2048x1xf32> to vector<2048x128xf32>
    %swap3A = arith.constant 0 : index
    %swap3A_30 = arith.constant 0 : index
    %swap3A_31 = vector.load %arg3[%swap3A, %swap3A_30] : memref<2048x128xf32, #tpu.memory_space<vmem>>, vector<2048x128xf32>
    tpu.vector_store %arg3[%swap3A, %swap3A_30], %broadcast_in_dim3A_29 {strides = array<i32>} : memref<2048x128xf32, #tpu.memory_space<vmem>>, vector<2048x128xf32>,
    %broadcast_in_dim3A_32 = vector.shape_cast %div3A_27 : vector<2048x1xf32> to vector<2048x1xf32>
    %broadcast_in_dim3A_33 = vector.broadcast %broadcast_in_dim3A_32 : vector<2048x1xf32> to vector<2048x128xf32>
    %swap3A_34 = arith.constant 0 : index
    %swap3A_35 = arith.constant 0 : index
    %swap3A_36 = vector.load %arg4[%swap3A_34, %swap3A_35] : memref<2048x128xf32, #tpu.memory_space<vmem>>, vector<2048x128xf32>
    tpu.vector_store %arg4[%swap3A_34, %swap3A_35], %broadcast_in_dim3A_33 {strides = array<i32>} : memref<2048x128xf32, #tpu.memory_space<vmem>>, vector<2048x128xf32>,
    %sub3A_37 = vector.broadcast %broadcast_in_dim3A : vector<2048x1xf32> to vector<2048x8xf32>
    %sub3A_38 = arith.subf %get3A_1, %sub3A_37 : vector<2048x8xf32>
    %exp3A_39 = math.exp %sub3A_38 : vector<2048x8xf32>
    %reduce_sum3A = arith.constant dense<0.000000e+00> : vector<2048xf32>
    %reduce_sum3A_40 = vector.multi_reduction <add>, %exp3A_39, %reduce_sum3A [1] : vector<2048x8xf32> to vector<2048xf32>
    %broadcast_in_dim3A_41 = vector.shape_cast %reduce_sum3A_40 : vector<2048xf32> to vector<2048x1xf32>
    %div3A_42 = vector.broadcast %broadcast_in_dim3A_41 : vector<2048x1xf32> to vector<2048x8xf32>
    %div3A_43 = arith.divf %exp3A_39, %div3A_42 : vector<2048x8xf32>
    %reduce_sum3A_44 = arith.constant dense<0.000000e+00> : vector<8xf32>
    %reduce_sum3A_45 = vector.multi_reduction <add>, %div3A_43, %reduce_sum3A_44 [0] : vector<2048x8xf32> to vector<8xf32>
    %mul3A = arith.constant 4.8828125E-4 : f32
    %mul3A_46 = vector.broadcast %mul3A : f32 to vector<8xf32>
    %mul3A_47 = arith.mulf %reduce_sum3A_45, %mul3A_46 : vector<8xf32>
    %mul3A_48 = arith.mulf %mul3A_47, %mul3A_47 : vector<8xf32>
    %reduce_sum3A_49 = vector.shape_cast %mul3A_48 : vector<8xf32> to vector<1x8xf32>
    %reduce_sum3A_50 = arith.constant dense<0.000000e+00> : vector<1xf32>
    %reduce_sum3A_51 = vector.multi_reduction <add>, %reduce_sum3A_49, %reduce_sum3A_50 [1] : vector<1x8xf32> to vector<1xf32>
    %reduce_sum3A_52 = vector.shape_cast %reduce_sum3A_51 : vector<1xf32> to vector<1x1xf32>
    %reduce_sum3A_53 = vector.extract %reduce_sum3A_52[0, 0] : f32 from vector<1x1xf32>
    %mul3A_54 = arith.constant 8.000000e+00 : f32
    %mul3A_55 = arith.mulf %mul3A_54, %reduce_sum3A_53 : f32
    %swap3A_56 = arith.constant 0 : index
    %swap3A_57 = arith.constant 0 : index
    %swap3A_58 = memref.load %arg7[%swap3A_56, %swap3A_57] : memref<1x1xf32, #tpu.memory_space<smem>>
    memref.store %mul3A_55, %arg7[%swap3A_56, %swap3A_57] : memref<1x1xf32, #tpu.memory_space<smem>>
    %eq3A_59 = vector.broadcast %broadcast_in_dim3A_6 : vector<2048x1xi32> to vector<2048x8xi32>
    %eq3A_60 = arith.cmpi eq, %iota3A, %eq3A_59 : vector<2048x8xi32>
    %convert_element_type3A = arith.extui %eq3A_60 : vector<2048x8xi1> to vector<2048x8xi32>
    %convert_element_type3A_61 = arith.sitofp %convert_element_type3A : vector<2048x8xi32> to vector<2048x8xf32>
    %eq3A_62 = vector.broadcast %broadcast_in_dim3A_22 : vector<2048x1xi32> to vector<2048x8xi32>
    %eq3A_63 = arith.cmpi eq, %iota3A, %eq3A_62 : vector<2048x8xi32>
    %convert_element_type3A_64 = arith.extui %eq3A_63 : vector<2048x8xi1> to vector<2048x8xi32>
    %convert_element_type3A_65 = arith.sitofp %convert_element_type3A_64 : vector<2048x8xi32> to vector<2048x8xf32>
    %broadcast_in_dim3A_66 = arith.constant 0.000000e+00 : f32
    %broadcast_in_dim3A_67 = vector.broadcast %broadcast_in_dim3A_66 : f32 to vector<1x8xf32>
    %slice3A = vector.extract_strided_slice %convert_element_type3A_61 {offsets = [0, 0], sizes = [2047, 8], strides = [1, 1]} : vector<2048x8xf32> to vector<2047x8xf32>
    %concatenate3A = tpu.concatenate %broadcast_in_dim3A_67, %slice3A in 0 : vector<1x8xf32>, vector<2047x8xf32> -> vector<2048x8xf32>
    %add3A_68 = arith.addf %convert_element_type3A_61, %concatenate3A : vector<2048x8xf32>
    %broadcast_in_dim3A_69 = arith.constant 0.000000e+00 : f32
    %broadcast_in_dim3A_70 = vector.broadcast %broadcast_in_dim3A_69 : f32 to vector<2x8xf32>
    %slice3A_71 = vector.extract_strided_slice %add3A_68 {offsets = [0, 0], sizes = [2046, 8], strides = [1, 1]} : vector<2048x8xf32> to vector<2046x8xf32>
    %concatenate3A_72 = tpu.concatenate %broadcast_in_dim3A_70, %slice3A_71 in 0 : vector<2x8xf32>, vector<2046x8xf32> -> vector<2048x8xf32>
    %add3A_73 = arith.addf %add3A_68, %concatenate3A_72 : vector<2048x8xf32>
    %broadcast_in_dim3A_74 = arith.constant 0.000000e+00 : f32
    %broadcast_in_dim3A_75 = vector.broadcast %broadcast_in_dim3A_74 : f32 to vector<4x8xf32>
    %slice3A_76 = vector.extract_strided_slice %add3A_73 {offsets = [0, 0], sizes = [2044, 8], strides = [1, 1]} : vector<2048x8xf32> to vector<2044x8xf32>
    %concatenate3A_77 = tpu.concatenate %broadcast_in_dim3A_75, %slice3A_76 in 0 : vector<4x8xf32>, vector<2044x8xf32> -> vector<2048x8xf32>
    %add3A_78 = arith.addf %add3A_73, %concatenate3A_77 : vector<2048x8xf32>
    %broadcast_in_dim3A_79 = arith.constant 0.000000e+00 : f32
    %broadcast_in_dim3A_80 = vector.broadcast %broadcast_in_dim3A_79 : f32 to vector<8x8xf32>
    %slice3A_81 = vector.extract_strided_slice %add3A_78 {offsets = [0, 0], sizes = [2040, 8], strides = [1, 1]} : vector<2048x8xf32> to vector<2040x8xf32>
    %concatenate3A_82 = tpu.concatenate %broadcast_in_dim3A_80, %slice3A_81 in 0 : vector<8x8xf32>, vector<2040x8xf32> -> vector<2048x8xf32>
    %add3A_83 = arith.addf %add3A_78, %concatenate3A_82 : vector<2048x8xf32>
    %broadcast_in_dim3A_84 = arith.constant 0.000000e+00 : f32
    %broadcast_in_dim3A_85 = vector.broadcast %broadcast_in_dim3A_84 : f32 to vector<16x8xf32>
    %slice3A_86 = vector.extract_strided_slice %add3A_83 {offsets = [0, 0], sizes = [2032, 8], strides = [1, 1]} : vector<2048x8xf32> to vector<2032x8xf32>
    %concatenate3A_87 = tpu.concatenate %broadcast_in_dim3A_85, %slice3A_86 in 0 : vector<16x8xf32>, vector<2032x8xf32> -> vector<2048x8xf32>
    %add3A_88 = arith.addf %add3A_83, %concatenate3A_87 : vector<2048x8xf32>
    %broadcast_in_dim3A_89 = arith.constant 0.000000e+00 : f32
    %broadcast_in_dim3A_90 = vector.broadcast %broadcast_in_dim3A_89 : f32 to vector<32x8xf32>
    %slice3A_91 = vector.extract_strided_slice %add3A_88 {offsets = [0, 0], sizes = [2016, 8], strides = [1, 1]} : vector<2048x8xf32> to vector<2016x8xf32>
    %concatenate3A_92 = tpu.concatenate %broadcast_in_dim3A_90, %slice3A_91 in 0 : vector<32x8xf32>, vector<2016x8xf32> -> vector<2048x8xf32>
    %add3A_93 = arith.addf %add3A_88, %concatenate3A_92 : vector<2048x8xf32>
    %broadcast_in_dim3A_94 = arith.constant 0.000000e+00 : f32
    %broadcast_in_dim3A_95 = vector.broadcast %broadcast_in_dim3A_94 : f32 to vector<64x8xf32>
    %slice3A_96 = vector.extract_strided_slice %add3A_93 {offsets = [0, 0], sizes = [1984, 8], strides = [1, 1]} : vector<2048x8xf32> to vector<1984x8xf32>
    %concatenate3A_97 = tpu.concatenate %broadcast_in_dim3A_95, %slice3A_96 in 0 : vector<64x8xf32>, vector<1984x8xf32> -> vector<2048x8xf32>
    %add3A_98 = arith.addf %add3A_93, %concatenate3A_97 : vector<2048x8xf32>
    %broadcast_in_dim3A_99 = arith.constant 0.000000e+00 : f32
    %broadcast_in_dim3A_100 = vector.broadcast %broadcast_in_dim3A_99 : f32 to vector<128x8xf32>
    %slice3A_101 = vector.extract_strided_slice %add3A_98 {offsets = [0, 0], sizes = [1920, 8], strides = [1, 1]} : vector<2048x8xf32> to vector<1920x8xf32>
    %concatenate3A_102 = tpu.concatenate %broadcast_in_dim3A_100, %slice3A_101 in 0 : vector<128x8xf32>, vector<1920x8xf32> -> vector<2048x8xf32>
    %add3A_103 = arith.addf %add3A_98, %concatenate3A_102 : vector<2048x8xf32>
    %broadcast_in_dim3A_104 = arith.constant 0.000000e+00 : f32
    %broadcast_in_dim3A_105 = vector.broadcast %broadcast_in_dim3A_104 : f32 to vector<256x8xf32>
    %slice3A_106 = vector.extract_strided_slice %add3A_103 {offsets = [0, 0], sizes = [1792, 8], strides = [1, 1]} : vector<2048x8xf32> to vector<1792x8xf32>
    %concatenate3A_107 = tpu.concatenate %broadcast_in_dim3A_105, %slice3A_106 in 0 : vector<256x8xf32>, vector<1792x8xf32> -> vector<2048x8xf32>
    %add3A_108 = arith.addf %add3A_103, %concatenate3A_107 : vector<2048x8xf32>
    %broadcast_in_dim3A_109 = arith.constant 0.000000e+00 : f32
    %broadcast_in_dim3A_110 = vector.broadcast %broadcast_in_dim3A_109 : f32 to vector<512x8xf32>
    %slice3A_111 = vector.extract_strided_slice %add3A_108 {offsets = [0, 0], sizes = [1536, 8], strides = [1, 1]} : vector<2048x8xf32> to vector<1536x8xf32>
    %concatenate3A_112 = tpu.concatenate %broadcast_in_dim3A_110, %slice3A_111 in 0 : vector<512x8xf32>, vector<1536x8xf32> -> vector<2048x8xf32>
    %add3A_113 = arith.addf %add3A_108, %concatenate3A_112 : vector<2048x8xf32>
    %broadcast_in_dim3A_114 = arith.constant 0.000000e+00 : f32
    %broadcast_in_dim3A_115 = vector.broadcast %broadcast_in_dim3A_114 : f32 to vector<1024x8xf32>
    %slice3A_116 = vector.extract_strided_slice %add3A_113 {offsets = [0, 0], sizes = [1024, 8], strides = [1, 1]} : vector<2048x8xf32> to vector<1024x8xf32>
    %concatenate3A_117 = tpu.concatenate %broadcast_in_dim3A_115, %slice3A_116 in 0 : vector<1024x8xf32>, vector<1024x8xf32> -> vector<2048x8xf32>
    %add3A_118 = arith.addf %add3A_113, %concatenate3A_117 : vector<2048x8xf32>
    %broadcast_in_dim3A_119 = arith.constant 0.000000e+00 : f32
    %broadcast_in_dim3A_120 = vector.broadcast %broadcast_in_dim3A_119 : f32 to vector<1x8xf32>
    %slice3A_121 = vector.extract_strided_slice %convert_element_type3A_65 {offsets = [0, 0], sizes = [2047, 8], strides = [1, 1]} : vector<2048x8xf32> to vector<2047x8xf32>
    %concatenate3A_122 = tpu.concatenate %broadcast_in_dim3A_120, %slice3A_121 in 0 : vector<1x8xf32>, vector<2047x8xf32> -> vector<2048x8xf32>
    %add3A_123 = arith.addf %convert_element_type3A_65, %concatenate3A_122 : vector<2048x8xf32>
    %broadcast_in_dim3A_124 = arith.constant 0.000000e+00 : f32
    %broadcast_in_dim3A_125 = vector.broadcast %broadcast_in_dim3A_124 : f32 to vector<2x8xf32>
    %slice3A_126 = vector.extract_strided_slice %add3A_123 {offsets = [0, 0], sizes = [2046, 8], strides = [1, 1]} : vector<2048x8xf32> to vector<2046x8xf32>
    %concatenate3A_127 = tpu.concatenate %broadcast_in_dim3A_125, %slice3A_126 in 0 : vector<2x8xf32>, vector<2046x8xf32> -> vector<2048x8xf32>
    %add3A_128 = arith.addf %add3A_123, %concatenate3A_127 : vector<2048x8xf32>
    %broadcast_in_dim3A_129 = arith.constant 0.000000e+00 : f32
    %broadcast_in_dim3A_130 = vector.broadcast %broadcast_in_dim3A_129 : f32 to vector<4x8xf32>
    %slice3A_131 = vector.extract_strided_slice %add3A_128 {offsets = [0, 0], sizes = [2044, 8], strides = [1, 1]} : vector<2048x8xf32> to vector<2044x8xf32>
    %concatenate3A_132 = tpu.concatenate %broadcast_in_dim3A_130, %slice3A_131 in 0 : vector<4x8xf32>, vector<2044x8xf32> -> vector<2048x8xf32>
    %add3A_133 = arith.addf %add3A_128, %concatenate3A_132 : vector<2048x8xf32>
    %broadcast_in_dim3A_134 = arith.constant 0.000000e+00 : f32
    %broadcast_in_dim3A_135 = vector.broadcast %broadcast_in_dim3A_134 : f32 to vector<8x8xf32>
    %slice3A_136 = vector.extract_strided_slice %add3A_133 {offsets = [0, 0], sizes = [2040, 8], strides = [1, 1]} : vector<2048x8xf32> to vector<2040x8xf32>
    %concatenate3A_137 = tpu.concatenate %broadcast_in_dim3A_135, %slice3A_136 in 0 : vector<8x8xf32>, vector<2040x8xf32> -> vector<2048x8xf32>
    %add3A_138 = arith.addf %add3A_133, %concatenate3A_137 : vector<2048x8xf32>
    %broadcast_in_dim3A_139 = arith.constant 0.000000e+00 : f32
    %broadcast_in_dim3A_140 = vector.broadcast %broadcast_in_dim3A_139 : f32 to vector<16x8xf32>
    %slice3A_141 = vector.extract_strided_slice %add3A_138 {offsets = [0, 0], sizes = [2032, 8], strides = [1, 1]} : vector<2048x8xf32> to vector<2032x8xf32>
    %concatenate3A_142 = tpu.concatenate %broadcast_in_dim3A_140, %slice3A_141 in 0 : vector<16x8xf32>, vector<2032x8xf32> -> vector<2048x8xf32>
    %add3A_143 = arith.addf %add3A_138, %concatenate3A_142 : vector<2048x8xf32>
    %broadcast_in_dim3A_144 = arith.constant 0.000000e+00 : f32
    %broadcast_in_dim3A_145 = vector.broadcast %broadcast_in_dim3A_144 : f32 to vector<32x8xf32>
    %slice3A_146 = vector.extract_strided_slice %add3A_143 {offsets = [0, 0], sizes = [2016, 8], strides = [1, 1]} : vector<2048x8xf32> to vector<2016x8xf32>
    %concatenate3A_147 = tpu.concatenate %broadcast_in_dim3A_145, %slice3A_146 in 0 : vector<32x8xf32>, vector<2016x8xf32> -> vector<2048x8xf32>
    %add3A_148 = arith.addf %add3A_143, %concatenate3A_147 : vector<2048x8xf32>
    %broadcast_in_dim3A_149 = arith.constant 0.000000e+00 : f32
    %broadcast_in_dim3A_150 = vector.broadcast %broadcast_in_dim3A_149 : f32 to vector<64x8xf32>
    %slice3A_151 = vector.extract_strided_slice %add3A_148 {offsets = [0, 0], sizes = [1984, 8], strides = [1, 1]} : vector<2048x8xf32> to vector<1984x8xf32>
    %concatenate3A_152 = tpu.concatenate %broadcast_in_dim3A_150, %slice3A_151 in 0 : vector<64x8xf32>, vector<1984x8xf32> -> vector<2048x8xf32>
    %add3A_153 = arith.addf %add3A_148, %concatenate3A_152 : vector<2048x8xf32>
    %broadcast_in_dim3A_154 = arith.constant 0.000000e+00 : f32
    %broadcast_in_dim3A_155 = vector.broadcast %broadcast_in_dim3A_154 : f32 to vector<128x8xf32>
    %slice3A_156 = vector.extract_strided_slice %add3A_153 {offsets = [0, 0], sizes = [1920, 8], strides = [1, 1]} : vector<2048x8xf32> to vector<1920x8xf32>
    %concatenate3A_157 = tpu.concatenate %broadcast_in_dim3A_155, %slice3A_156 in 0 : vector<128x8xf32>, vector<1920x8xf32> -> vector<2048x8xf32>
    %add3A_158 = arith.addf %add3A_153, %concatenate3A_157 : vector<2048x8xf32>
    %broadcast_in_dim3A_159 = arith.constant 0.000000e+00 : f32
    %broadcast_in_dim3A_160 = vector.broadcast %broadcast_in_dim3A_159 : f32 to vector<256x8xf32>
    %slice3A_161 = vector.extract_strided_slice %add3A_158 {offsets = [0, 0], sizes = [1792, 8], strides = [1, 1]} : vector<2048x8xf32> to vector<1792x8xf32>
    %concatenate3A_162 = tpu.concatenate %broadcast_in_dim3A_160, %slice3A_161 in 0 : vector<256x8xf32>, vector<1792x8xf32> -> vector<2048x8xf32>
    %add3A_163 = arith.addf %add3A_158, %concatenate3A_162 : vector<2048x8xf32>
    %broadcast_in_dim3A_164 = arith.constant 0.000000e+00 : f32
    %broadcast_in_dim3A_165 = vector.broadcast %broadcast_in_dim3A_164 : f32 to vector<512x8xf32>
    %slice3A_166 = vector.extract_strided_slice %add3A_163 {offsets = [0, 0], sizes = [1536, 8], strides = [1, 1]} : vector<2048x8xf32> to vector<1536x8xf32>
    %concatenate3A_167 = tpu.concatenate %broadcast_in_dim3A_165, %slice3A_166 in 0 : vector<512x8xf32>, vector<1536x8xf32> -> vector<2048x8xf32>
    %add3A_168 = arith.addf %add3A_163, %concatenate3A_167 : vector<2048x8xf32>
    %broadcast_in_dim3A_169 = arith.constant 0.000000e+00 : f32
    %broadcast_in_dim3A_170 = vector.broadcast %broadcast_in_dim3A_169 : f32 to vector<1024x8xf32>
    %slice3A_171 = vector.extract_strided_slice %add3A_168 {offsets = [0, 0], sizes = [1024, 8], strides = [1, 1]} : vector<2048x8xf32> to vector<1024x8xf32>
    %concatenate3A_172 = tpu.concatenate %broadcast_in_dim3A_170, %slice3A_171 in 0 : vector<1024x8xf32>, vector<1024x8xf32> -> vector<2048x8xf32>
    %add3A_173 = arith.addf %add3A_168, %concatenate3A_172 : vector<2048x8xf32>
    %sub3A_174 = arith.subf %add3A_118, %convert_element_type3A_61 : vector<2048x8xf32>
    %mul3A_175 = arith.mulf %convert_element_type3A_61, %sub3A_174 : vector<2048x8xf32>
    %reduce_sum3A_176 = arith.constant dense<0.000000e+00> : vector<2048xf32>
    %reduce_sum3A_177 = vector.multi_reduction <add>, %mul3A_175, %reduce_sum3A_176 [1] : vector<2048x8xf32> to vector<2048xf32>
    %sub3A_178 = arith.subf %add3A_173, %convert_element_type3A_65 : vector<2048x8xf32>
    %mul3A_179 = arith.mulf %convert_element_type3A_65, %sub3A_178 : vector<2048x8xf32>
    %reduce_sum3A_180 = arith.constant dense<0.000000e+00> : vector<2048xf32>
    %reduce_sum3A_181 = vector.multi_reduction <add>, %mul3A_179, %reduce_sum3A_180 [1] : vector<2048x8xf32> to vector<2048xf32>
    %slice3A_182 = vector.extract_strided_slice %add3A_118 {offsets = [2047, 0], sizes = [1, 8], strides = [1, 1]} : vector<2048x8xf32> to vector<1x8xf32>
    %squeeze3A = vector.shape_cast %slice3A_182 : vector<1x8xf32> to vector<8xf32>
    %slice3A_183 = vector.extract_strided_slice %add3A_173 {offsets = [2047, 0], sizes = [1, 8], strides = [1, 1]} : vector<2048x8xf32> to vector<1x8xf32>
    %squeeze3A_184 = vector.shape_cast %slice3A_183 : vector<1x8xf32> to vector<8xf32>
    %slice3A_185 = vector.extract_strided_slice %squeeze3A {offsets = [0], sizes = [1], strides = [1]} : vector<8xf32> to vector<1xf32>
    %squeeze3A_186 = vector.extract %slice3A_185[0] : f32 from vector<1xf32>
    %slice3A_187 = vector.extract_strided_slice %squeeze3A_184 {offsets = [0], sizes = [1], strides = [1]} : vector<8xf32> to vector<1xf32>
    %squeeze3A_188 = vector.extract %slice3A_187[0] : f32 from vector<1xf32>
    %add3A_189 = arith.addf %squeeze3A_186, %squeeze3A_188 : f32
    %mul3A_190 = arith.constant 3.906250e-03 : f32
    %mul3A_191 = arith.mulf %add3A_189, %mul3A_190 : f32
    %ceil3A = math.ceil %mul3A_191 : f32
    %mul3A_192 = arith.constant 2.560000e+02 : f32
    %mul3A_193 = arith.mulf %ceil3A, %mul3A_192 : f32
    %add3A_194 = arith.constant 0.000000e+00 : f32
    %add3A_195 = arith.addf %add3A_194, %mul3A_193 : f32
    %slice3A_196 = vector.extract_strided_slice %squeeze3A {offsets = [1], sizes = [1], strides = [1]} : vector<8xf32> to vector<1xf32>
    %squeeze3A_197 = vector.extract %slice3A_196[0] : f32 from vector<1xf32>
    %slice3A_198 = vector.extract_strided_slice %squeeze3A_184 {offsets = [1], sizes = [1], strides = [1]} : vector<8xf32> to vector<1xf32>
    %squeeze3A_199 = vector.extract %slice3A_198[0] : f32 from vector<1xf32>
    %add3A_200 = arith.addf %squeeze3A_197, %squeeze3A_199 : f32
    %mul3A_201 = arith.constant 3.906250e-03 : f32
    %mul3A_202 = arith.mulf %add3A_200, %mul3A_201 : f32
    %ceil3A_203 = math.ceil %mul3A_202 : f32
    %mul3A_204 = arith.constant 2.560000e+02 : f32
    %mul3A_205 = arith.mulf %ceil3A_203, %mul3A_204 : f32
    %add3A_206 = arith.addf %add3A_195, %mul3A_205 : f32
    %slice3A_207 = vector.extract_strided_slice %squeeze3A {offsets = [2], sizes = [1], strides = [1]} : vector<8xf32> to vector<1xf32>
    %squeeze3A_208 = vector.extract %slice3A_207[0] : f32 from vector<1xf32>
    %slice3A_209 = vector.extract_strided_slice %squeeze3A_184 {offsets = [2], sizes = [1], strides = [1]} : vector<8xf32> to vector<1xf32>
    %squeeze3A_210 = vector.extract %slice3A_209[0] : f32 from vector<1xf32>
    %add3A_211 = arith.addf %squeeze3A_208, %squeeze3A_210 : f32
    %mul3A_212 = arith.constant 3.906250e-03 : f32
    %mul3A_213 = arith.mulf %add3A_211, %mul3A_212 : f32
    %ceil3A_214 = math.ceil %mul3A_213 : f32
    %mul3A_215 = arith.constant 2.560000e+02 : f32
    %mul3A_216 = arith.mulf %ceil3A_214, %mul3A_215 : f32
    %add3A_217 = arith.addf %add3A_206, %mul3A_216 : f32
    %slice3A_218 = vector.extract_strided_slice %squeeze3A {offsets = [3], sizes = [1], strides = [1]} : vector<8xf32> to vector<1xf32>
    %squeeze3A_219 = vector.extract %slice3A_218[0] : f32 from vector<1xf32>
    %slice3A_220 = vector.extract_strided_slice %squeeze3A_184 {offsets = [3], sizes = [1], strides = [1]} : vector<8xf32> to vector<1xf32>
    %squeeze3A_221 = vector.extract %slice3A_220[0] : f32 from vector<1xf32>
    %add3A_222 = arith.addf %squeeze3A_219, %squeeze3A_221 : f32
    %mul3A_223 = arith.constant 3.906250e-03 : f32
    %mul3A_224 = arith.mulf %add3A_222, %mul3A_223 : f32
    %ceil3A_225 = math.ceil %mul3A_224 : f32
    %mul3A_226 = arith.constant 2.560000e+02 : f32
    %mul3A_227 = arith.mulf %ceil3A_225, %mul3A_226 : f32
    %add3A_228 = arith.addf %add3A_217, %mul3A_227 : f32
    %slice3A_229 = vector.extract_strided_slice %squeeze3A {offsets = [4], sizes = [1], strides = [1]} : vector<8xf32> to vector<1xf32>
    %squeeze3A_230 = vector.extract %slice3A_229[0] : f32 from vector<1xf32>
    %slice3A_231 = vector.extract_strided_slice %squeeze3A_184 {offsets = [4], sizes = [1], strides = [1]} : vector<8xf32> to vector<1xf32>
    %squeeze3A_232 = vector.extract %slice3A_231[0] : f32 from vector<1xf32>
    %add3A_233 = arith.addf %squeeze3A_230, %squeeze3A_232 : f32
    %mul3A_234 = arith.constant 3.906250e-03 : f32
    %mul3A_235 = arith.mulf %add3A_233, %mul3A_234 : f32
    %ceil3A_236 = math.ceil %mul3A_235 : f32
    %mul3A_237 = arith.constant 2.560000e+02 : f32
    %mul3A_238 = arith.mulf %ceil3A_236, %mul3A_237 : f32
    %add3A_239 = arith.addf %add3A_228, %mul3A_238 : f32
    %slice3A_240 = vector.extract_strided_slice %squeeze3A {offsets = [5], sizes = [1], strides = [1]} : vector<8xf32> to vector<1xf32>
    %squeeze3A_241 = vector.extract %slice3A_240[0] : f32 from vector<1xf32>
    %slice3A_242 = vector.extract_strided_slice %squeeze3A_184 {offsets = [5], sizes = [1], strides = [1]} : vector<8xf32> to vector<1xf32>
    %squeeze3A_243 = vector.extract %slice3A_242[0] : f32 from vector<1xf32>
    %add3A_244 = arith.addf %squeeze3A_241, %squeeze3A_243 : f32
    %mul3A_245 = arith.constant 3.906250e-03 : f32
    %mul3A_246 = arith.mulf %add3A_244, %mul3A_245 : f32
    %ceil3A_247 = math.ceil %mul3A_246 : f32
    %mul3A_248 = arith.constant 2.560000e+02 : f32
    %mul3A_249 = arith.mulf %ceil3A_247, %mul3A_248 : f32
    %add3A_250 = arith.addf %add3A_239, %mul3A_249 : f32
    %slice3A_251 = vector.extract_strided_slice %squeeze3A {offsets = [6], sizes = [1], strides = [1]} : vector<8xf32> to vector<1xf32>
    %squeeze3A_252 = vector.extract %slice3A_251[0] : f32 from vector<1xf32>
    %slice3A_253 = vector.extract_strided_slice %squeeze3A_184 {offsets = [6], sizes = [1], strides = [1]} : vector<8xf32> to vector<1xf32>
    %squeeze3A_254 = vector.extract %slice3A_253[0] : f32 from vector<1xf32>
    %add3A_255 = arith.addf %squeeze3A_252, %squeeze3A_254 : f32
    %mul3A_256 = arith.constant 3.906250e-03 : f32
    %mul3A_257 = arith.mulf %add3A_255, %mul3A_256 : f32
    %ceil3A_258 = math.ceil %mul3A_257 : f32
    %mul3A_259 = arith.constant 2.560000e+02 : f32
    %mul3A_260 = arith.mulf %ceil3A_258, %mul3A_259 : f32
    %add3A_261 = arith.addf %add3A_250, %mul3A_260 : f32
    %slice3A_262 = vector.extract_strided_slice %squeeze3A {offsets = [7], sizes = [1], strides = [1]} : vector<8xf32> to vector<1xf32>
    %squeeze3A_263 = vector.extract %slice3A_262[0] : f32 from vector<1xf32>
    %slice3A_264 = vector.extract_strided_slice %squeeze3A_184 {offsets = [7], sizes = [1], strides = [1]} : vector<8xf32> to vector<1xf32>
    %squeeze3A_265 = vector.extract %slice3A_264[0] : f32 from vector<1xf32>
    %add3A_266 = arith.addf %squeeze3A_263, %squeeze3A_265 : f32
    %mul3A_267 = arith.constant 3.906250e-03 : f32
    %mul3A_268 = arith.mulf %add3A_266, %mul3A_267 : f32
    %ceil3A_269 = math.ceil %mul3A_268 : f32
    %mul3A_270 = arith.constant 2.560000e+02 : f32
    %mul3A_271 = arith.mulf %ceil3A_269, %mul3A_270 : f32
    %add3A_272 = arith.addf %add3A_261, %mul3A_271 : f32
    %broadcast_in_dim3A_273 = arith.constant 0.000000e+00 : f32
    %broadcast_in_dim3A_274 = vector.broadcast %broadcast_in_dim3A_273 : f32 to vector<2048xf32>
    %broadcast_in_dim3A_275 = arith.constant 0.000000e+00 : f32
    %broadcast_in_dim3A_276 = vector.broadcast %broadcast_in_dim3A_275 : f32 to vector<2048xf32>
    %slice3A_277 = vector.extract_strided_slice %convert_element_type3A_61 {offsets = [0, 0], sizes = [2048, 1], strides = [1, 1]} : vector<2048x8xf32> to vector<2048x1xf32>
    %squeeze3A_278 = vector.shape_cast %slice3A_277 : vector<2048x1xf32> to vector<2048xf32>
    %mul3A_279 = arith.constant 0.000000e+00 : f32
    %mul3A_280 = vector.broadcast %mul3A_279 : f32 to vector<2048xf32>
    %mul3A_281 = arith.mulf %squeeze3A_278, %mul3A_280 : vector<2048xf32>
    %add3A_282 = arith.addf %broadcast_in_dim3A_274, %mul3A_281 : vector<2048xf32>
    %slice3A_283 = vector.extract_strided_slice %convert_element_type3A_65 {offsets = [0, 0], sizes = [2048, 1], strides = [1, 1]} : vector<2048x8xf32> to vector<2048x1xf32>
    %squeeze3A_284 = vector.shape_cast %slice3A_283 : vector<2048x1xf32> to vector<2048xf32>
    %slice3A_285 = vector.extract_strided_slice %squeeze3A {offsets = [0], sizes = [1], strides = [1]} : vector<8xf32> to vector<1xf32>
    %squeeze3A_286 = vector.extract %slice3A_285[0] : f32 from vector<1xf32>
    %add3A_287 = arith.constant 0.000000e+00 : f32
    %add3A_288 = arith.addf %add3A_287, %squeeze3A_286 : f32
    %mul3A_289 = vector.broadcast %add3A_288 : f32 to vector<2048xf32>
    %mul3A_290 = arith.mulf %squeeze3A_284, %mul3A_289 : vector<2048xf32>
    %add3A_291 = arith.addf %broadcast_in_dim3A_276, %mul3A_290 : vector<2048xf32>
    %slice3A_292 = vector.extract_strided_slice %convert_element_type3A_61 {offsets = [0, 1], sizes = [2048, 1], strides = [1, 1]} : vector<2048x8xf32> to vector<2048x1xf32>
    %squeeze3A_293 = vector.shape_cast %slice3A_292 : vector<2048x1xf32> to vector<2048xf32>
    %mul3A_294 = vector.broadcast %add3A_195 : f32 to vector<2048xf32>
    %mul3A_295 = arith.mulf %squeeze3A_293, %mul3A_294 : vector<2048xf32>
    %add3A_296 = arith.addf %add3A_282, %mul3A_295 : vector<2048xf32>
    %slice3A_297 = vector.extract_strided_slice %convert_element_type3A_65 {offsets = [0, 1], sizes = [2048, 1], strides = [1, 1]} : vector<2048x8xf32> to vector<2048x1xf32>
    %squeeze3A_298 = vector.shape_cast %slice3A_297 : vector<2048x1xf32> to vector<2048xf32>
    %slice3A_299 = vector.extract_strided_slice %squeeze3A {offsets = [1], sizes = [1], strides = [1]} : vector<8xf32> to vector<1xf32>
    %squeeze3A_300 = vector.extract %slice3A_299[0] : f32 from vector<1xf32>
    %add3A_301 = arith.addf %add3A_195, %squeeze3A_300 : f32
    %mul3A_302 = vector.broadcast %add3A_301 : f32 to vector<2048xf32>
    %mul3A_303 = arith.mulf %squeeze3A_298, %mul3A_302 : vector<2048xf32>
    %add3A_304 = arith.addf %add3A_291, %mul3A_303 : vector<2048xf32>
    %slice3A_305 = vector.extract_strided_slice %convert_element_type3A_61 {offsets = [0, 2], sizes = [2048, 1], strides = [1, 1]} : vector<2048x8xf32> to vector<2048x1xf32>
    %squeeze3A_306 = vector.shape_cast %slice3A_305 : vector<2048x1xf32> to vector<2048xf32>
    %mul3A_307 = vector.broadcast %add3A_206 : f32 to vector<2048xf32>
    %mul3A_308 = arith.mulf %squeeze3A_306, %mul3A_307 : vector<2048xf32>
    %add3A_309 = arith.addf %add3A_296, %mul3A_308 : vector<2048xf32>
    %slice3A_310 = vector.extract_strided_slice %convert_element_type3A_65 {offsets = [0, 2], sizes = [2048, 1], strides = [1, 1]} : vector<2048x8xf32> to vector<2048x1xf32>
    %squeeze3A_311 = vector.shape_cast %slice3A_310 : vector<2048x1xf32> to vector<2048xf32>
    %slice3A_312 = vector.extract_strided_slice %squeeze3A {offsets = [2], sizes = [1], strides = [1]} : vector<8xf32> to vector<1xf32>
    %squeeze3A_313 = vector.extract %slice3A_312[0] : f32 from vector<1xf32>
    %add3A_314 = arith.addf %add3A_206, %squeeze3A_313 : f32
    %mul3A_315 = vector.broadcast %add3A_314 : f32 to vector<2048xf32>
    %mul3A_316 = arith.mulf %squeeze3A_311, %mul3A_315 : vector<2048xf32>
    %add3A_317 = arith.addf %add3A_304, %mul3A_316 : vector<2048xf32>
    %slice3A_318 = vector.extract_strided_slice %convert_element_type3A_61 {offsets = [0, 3], sizes = [2048, 1], strides = [1, 1]} : vector<2048x8xf32> to vector<2048x1xf32>
    %squeeze3A_319 = vector.shape_cast %slice3A_318 : vector<2048x1xf32> to vector<2048xf32>
    %mul3A_320 = vector.broadcast %add3A_217 : f32 to vector<2048xf32>
    %mul3A_321 = arith.mulf %squeeze3A_319, %mul3A_320 : vector<2048xf32>
    %add3A_322 = arith.addf %add3A_309, %mul3A_321 : vector<2048xf32>
    %slice3A_323 = vector.extract_strided_slice %convert_element_type3A_65 {offsets = [0, 3], sizes = [2048, 1], strides = [1, 1]} : vector<2048x8xf32> to vector<2048x1xf32>
    %squeeze3A_324 = vector.shape_cast %slice3A_323 : vector<2048x1xf32> to vector<2048xf32>
    %slice3A_325 = vector.extract_strided_slice %squeeze3A {offsets = [3], sizes = [1], strides = [1]} : vector<8xf32> to vector<1xf32>
    %squeeze3A_326 = vector.extract %slice3A_325[0] : f32 from vector<1xf32>
    %add3A_327 = arith.addf %add3A_217, %squeeze3A_326 : f32
    %mul3A_328 = vector.broadcast %add3A_327 : f32 to vector<2048xf32>
    %mul3A_329 = arith.mulf %squeeze3A_324, %mul3A_328 : vector<2048xf32>
    %add3A_330 = arith.addf %add3A_317, %mul3A_329 : vector<2048xf32>
    %slice3A_331 = vector.extract_strided_slice %convert_element_type3A_61 {offsets = [0, 4], sizes = [2048, 1], strides = [1, 1]} : vector<2048x8xf32> to vector<2048x1xf32>
    %squeeze3A_332 = vector.shape_cast %slice3A_331 : vector<2048x1xf32> to vector<2048xf32>
    %mul3A_333 = vector.broadcast %add3A_228 : f32 to vector<2048xf32>
    %mul3A_334 = arith.mulf %squeeze3A_332, %mul3A_333 : vector<2048xf32>
    %add3A_335 = arith.addf %add3A_322, %mul3A_334 : vector<2048xf32>
    %slice3A_336 = vector.extract_strided_slice %convert_element_type3A_65 {offsets = [0, 4], sizes = [2048, 1], strides = [1, 1]} : vector<2048x8xf32> to vector<2048x1xf32>
    %squeeze3A_337 = vector.shape_cast %slice3A_336 : vector<2048x1xf32> to vector<2048xf32>
    %slice3A_338 = vector.extract_strided_slice %squeeze3A {offsets = [4], sizes = [1], strides = [1]} : vector<8xf32> to vector<1xf32>
    %squeeze3A_339 = vector.extract %slice3A_338[0] : f32 from vector<1xf32>
    %add3A_340 = arith.addf %add3A_228, %squeeze3A_339 : f32
    %mul3A_341 = vector.broadcast %add3A_340 : f32 to vector<2048xf32>
    %mul3A_342 = arith.mulf %squeeze3A_337, %mul3A_341 : vector<2048xf32>
    %add3A_343 = arith.addf %add3A_330, %mul3A_342 : vector<2048xf32>
    %slice3A_344 = vector.extract_strided_slice %convert_element_type3A_61 {offsets = [0, 5], sizes = [2048, 1], strides = [1, 1]} : vector<2048x8xf32> to vector<2048x1xf32>
    %squeeze3A_345 = vector.shape_cast %slice3A_344 : vector<2048x1xf32> to vector<2048xf32>
    %mul3A_346 = vector.broadcast %add3A_239 : f32 to vector<2048xf32>
    %mul3A_347 = arith.mulf %squeeze3A_345, %mul3A_346 : vector<2048xf32>
    %add3A_348 = arith.addf %add3A_335, %mul3A_347 : vector<2048xf32>
    %slice3A_349 = vector.extract_strided_slice %convert_element_type3A_65 {offsets = [0, 5], sizes = [2048, 1], strides = [1, 1]} : vector<2048x8xf32> to vector<2048x1xf32>
    %squeeze3A_350 = vector.shape_cast %slice3A_349 : vector<2048x1xf32> to vector<2048xf32>
    %slice3A_351 = vector.extract_strided_slice %squeeze3A {offsets = [5], sizes = [1], strides = [1]} : vector<8xf32> to vector<1xf32>
    %squeeze3A_352 = vector.extract %slice3A_351[0] : f32 from vector<1xf32>
    %add3A_353 = arith.addf %add3A_239, %squeeze3A_352 : f32
    %mul3A_354 = vector.broadcast %add3A_353 : f32 to vector<2048xf32>
    %mul3A_355 = arith.mulf %squeeze3A_350, %mul3A_354 : vector<2048xf32>
    %add3A_356 = arith.addf %add3A_343, %mul3A_355 : vector<2048xf32>
    %slice3A_357 = vector.extract_strided_slice %convert_element_type3A_61 {offsets = [0, 6], sizes = [2048, 1], strides = [1, 1]} : vector<2048x8xf32> to vector<2048x1xf32>
    %squeeze3A_358 = vector.shape_cast %slice3A_357 : vector<2048x1xf32> to vector<2048xf32>
    %mul3A_359 = vector.broadcast %add3A_250 : f32 to vector<2048xf32>
    %mul3A_360 = arith.mulf %squeeze3A_358, %mul3A_359 : vector<2048xf32>
    %add3A_361 = arith.addf %add3A_348, %mul3A_360 : vector<2048xf32>
    %slice3A_362 = vector.extract_strided_slice %convert_element_type3A_65 {offsets = [0, 6], sizes = [2048, 1], strides = [1, 1]} : vector<2048x8xf32> to vector<2048x1xf32>
    %squeeze3A_363 = vector.shape_cast %slice3A_362 : vector<2048x1xf32> to vector<2048xf32>
    %slice3A_364 = vector.extract_strided_slice %squeeze3A {offsets = [6], sizes = [1], strides = [1]} : vector<8xf32> to vector<1xf32>
    %squeeze3A_365 = vector.extract %slice3A_364[0] : f32 from vector<1xf32>
    %add3A_366 = arith.addf %add3A_250, %squeeze3A_365 : f32
    %mul3A_367 = vector.broadcast %add3A_366 : f32 to vector<2048xf32>
    %mul3A_368 = arith.mulf %squeeze3A_363, %mul3A_367 : vector<2048xf32>
    %add3A_369 = arith.addf %add3A_356, %mul3A_368 : vector<2048xf32>
    %slice3A_370 = vector.extract_strided_slice %convert_element_type3A_61 {offsets = [0, 7], sizes = [2048, 1], strides = [1, 1]} : vector<2048x8xf32> to vector<2048x1xf32>
    %squeeze3A_371 = vector.shape_cast %slice3A_370 : vector<2048x1xf32> to vector<2048xf32>
    %mul3A_372 = vector.broadcast %add3A_261 : f32 to vector<2048xf32>
    %mul3A_373 = arith.mulf %squeeze3A_371, %mul3A_372 : vector<2048xf32>
    %add3A_374 = arith.addf %add3A_361, %mul3A_373 : vector<2048xf32>
    %slice3A_375 = vector.extract_strided_slice %convert_element_type3A_65 {offsets = [0, 7], sizes = [2048, 1], strides = [1, 1]} : vector<2048x8xf32> to vector<2048x1xf32>
    %squeeze3A_376 = vector.shape_cast %slice3A_375 : vector<2048x1xf32> to vector<2048xf32>
    %slice3A_377 = vector.extract_strided_slice %squeeze3A {offsets = [7], sizes = [1], strides = [1]} : vector<8xf32> to vector<1xf32>
    %squeeze3A_378 = vector.extract %slice3A_377[0] : f32 from vector<1xf32>
    %add3A_379 = arith.addf %add3A_261, %squeeze3A_378 : f32
    %mul3A_380 = vector.broadcast %add3A_379 : f32 to vector<2048xf32>
    %mul3A_381 = arith.mulf %squeeze3A_376, %mul3A_380 : vector<2048xf32>
    %add3A_382 = arith.addf %add3A_369, %mul3A_381 : vector<2048xf32>
    %add3A_383 = arith.addf %add3A_374, %reduce_sum3A_177 : vector<2048xf32>
    %convert_element_type3A_384 = arith.fptosi %add3A_383 : vector<2048xf32> to vector<2048xi32>
    %broadcast_in_dim3A_385 = vector.shape_cast %convert_element_type3A_384 : vector<2048xi32> to vector<1x2048xi32>
    %swap3A_386 = arith.constant 0 : index
    %swap3A_387 = arith.constant 0 : index
    %swap3A_388 = vector.load %arg1[%swap3A_386, %swap3A_387] : memref<1x2048xi32, #tpu.memory_space<vmem>>, vector<1x2048xi32>
    tpu.vector_store %arg1[%swap3A_386, %swap3A_387], %broadcast_in_dim3A_385 {strides = array<i32>} : memref<1x2048xi32, #tpu.memory_space<vmem>>, vector<1x2048xi32>,
    %add3A_389 = arith.addf %add3A_382, %reduce_sum3A_181 : vector<2048xf32>
    %convert_element_type3A_390 = arith.fptosi %add3A_389 : vector<2048xf32> to vector<2048xi32>
    %broadcast_in_dim3A_391 = vector.shape_cast %convert_element_type3A_390 : vector<2048xi32> to vector<1x2048xi32>
    %swap3A_392 = arith.constant 0 : index
    %swap3A_393 = arith.constant 0 : index
    %swap3A_394 = vector.load %arg2[%swap3A_392, %swap3A_393] : memref<1x2048xi32, #tpu.memory_space<vmem>>, vector<1x2048xi32>
    tpu.vector_store %arg2[%swap3A_392, %swap3A_393], %broadcast_in_dim3A_391 {strides = array<i32>} : memref<1x2048xi32, #tpu.memory_space<vmem>>, vector<1x2048xi32>,
    %le3A = arith.constant 0.000000e+00 : f32
    %le3A_395 = arith.cmpf ole, %add3A_195, %le3A : f32
    %convert_element_type3A_396 = arith.extui %le3A_395 : i1 to i32
    %add3A_397 = arith.constant 0 : i32
    %add3A_398 = arith.addi %add3A_397, %convert_element_type3A_396 : i32
    %le3A_399 = arith.constant 0.000000e+00 : f32
    %le3A_400 = arith.cmpf ole, %add3A_206, %le3A_399 : f32
    %convert_element_type3A_401 = arith.extui %le3A_400 : i1 to i32
    %add3A_402 = arith.addi %add3A_398, %convert_element_type3A_401 : i32
    %le3A_403 = arith.constant 0.000000e+00 : f32
    %le3A_404 = arith.cmpf ole, %add3A_217, %le3A_403 : f32
    %convert_element_type3A_405 = arith.extui %le3A_404 : i1 to i32
    %add3A_406 = arith.addi %add3A_402, %convert_element_type3A_405 : i32
    %le3A_407 = arith.constant 0.000000e+00 : f32
    %le3A_408 = arith.cmpf ole, %add3A_228, %le3A_407 : f32
    %convert_element_type3A_409 = arith.extui %le3A_408 : i1 to i32
    %add3A_410 = arith.addi %add3A_406, %convert_element_type3A_409 : i32
    %le3A_411 = arith.constant 0.000000e+00 : f32
    %le3A_412 = arith.cmpf ole, %add3A_239, %le3A_411 : f32
    %convert_element_type3A_413 = arith.extui %le3A_412 : i1 to i32
    %add3A_414 = arith.addi %add3A_410, %convert_element_type3A_413 : i32
    %le3A_415 = arith.constant 0.000000e+00 : f32
    %le3A_416 = arith.cmpf ole, %add3A_250, %le3A_415 : f32
    %convert_element_type3A_417 = arith.extui %le3A_416 : i1 to i32
    %add3A_418 = arith.addi %add3A_414, %convert_element_type3A_417 : i32
    %le3A_419 = arith.constant 0.000000e+00 : f32
    %le3A_420 = arith.cmpf ole, %add3A_261, %le3A_419 : f32
    %convert_element_type3A_421 = arith.extui %le3A_420 : i1 to i32
    %add3A_422 = arith.addi %add3A_418, %convert_element_type3A_421 : i32
    %swap3A_423 = arith.constant 0 : index
    %swap3A_424 = memref.load %arg5[%swap3A_423] : memref<24xi32, #tpu.memory_space<smem>>
    memref.store %add3A_422, %arg5[%swap3A_423] : memref<24xi32, #tpu.memory_space<smem>>
    %gt3A = arith.constant 0.000000e+00 : f32
    %gt3A_425 = arith.cmpf ogt, %add3A_272, %gt3A : f32
    %convert_element_type3A_426 = arith.extui %gt3A_425 : i1 to i32
    %swap3A_427 = arith.constant 0 : index
    %swap3A_428 = memref.load %arg6[%swap3A_427] : memref<24xi32, #tpu.memory_space<smem>>
    memref.store %convert_element_type3A_426, %arg6[%swap3A_427] : memref<24xi32, #tpu.memory_space<smem>>
    %le3A_429 = arith.constant 2.560000e+02 : f32
    %le3A_430 = arith.cmpf ole, %add3A_195, %le3A_429 : f32
    %convert_element_type3A_431 = arith.extui %le3A_430 : i1 to i32
    %add3A_432 = arith.constant 0 : i32
    %add3A_433 = arith.addi %add3A_432, %convert_element_type3A_431 : i32
    %le3A_434 = arith.constant 2.560000e+02 : f32
    %le3A_435 = arith.cmpf ole, %add3A_206, %le3A_434 : f32
    %convert_element_type3A_436 = arith.extui %le3A_435 : i1 to i32
    %add3A_437 = arith.addi %add3A_433, %convert_element_type3A_436 : i32
    %le3A_438 = arith.constant 2.560000e+02 : f32
    %le3A_439 = arith.cmpf ole, %add3A_217, %le3A_438 : f32
    %convert_element_type3A_440 = arith.extui %le3A_439 : i1 to i32
    %add3A_441 = arith.addi %add3A_437, %convert_element_type3A_440 : i32
    %le3A_442 = arith.constant 2.560000e+02 : f32
    %le3A_443 = arith.cmpf ole, %add3A_228, %le3A_442 : f32
    %convert_element_type3A_444 = arith.extui %le3A_443 : i1 to i32
    %add3A_445 = arith.addi %add3A_441, %convert_element_type3A_444 : i32
    %le3A_446 = arith.constant 2.560000e+02 : f32
    %le3A_447 = arith.cmpf ole, %add3A_239, %le3A_446 : f32
    %convert_element_type3A_448 = arith.extui %le3A_447 : i1 to i32
    %add3A_449 = arith.addi %add3A_445, %convert_element_type3A_448 : i32
    %le3A_450 = arith.constant 2.560000e+02 : f32
    %le3A_451 = arith.cmpf ole, %add3A_250, %le3A_450 : f32
    %convert_element_type3A_452 = arith.extui %le3A_451 : i1 to i32
    %add3A_453 = arith.addi %add3A_449, %convert_element_type3A_452 : i32
    %le3A_454 = arith.constant 2.560000e+02 : f32
    %le3A_455 = arith.cmpf ole, %add3A_261, %le3A_454 : f32
    %convert_element_type3A_456 = arith.extui %le3A_455 : i1 to i32
    %add3A_457 = arith.addi %add3A_453, %convert_element_type3A_456 : i32
    %swap3A_458 = arith.constant 1 : index
    %swap3A_459 = memref.load %arg5[%swap3A_458] : memref<24xi32, #tpu.memory_space<smem>>
    memref.store %add3A_457, %arg5[%swap3A_458] : memref<24xi32, #tpu.memory_space<smem>>
    %gt3A_460 = arith.constant 2.560000e+02 : f32
    %gt3A_461 = arith.cmpf ogt, %add3A_272, %gt3A_460 : f32
    %convert_element_type3A_462 = arith.extui %gt3A_461 : i1 to i32
    %swap3A_463 = arith.constant 1 : index
    %swap3A_464 = memref.load %arg6[%swap3A_463] : memref<24xi32, #tpu.memory_space<smem>>
    memref.store %convert_element_type3A_462, %arg6[%swap3A_463] : memref<24xi32, #tpu.memory_space<smem>>
    %le3A_465 = arith.constant 5.120000e+02 : f32
    %le3A_466 = arith.cmpf ole, %add3A_195, %le3A_465 : f32
    %convert_element_type3A_467 = arith.extui %le3A_466 : i1 to i32
    %add3A_468 = arith.constant 0 : i32
    %add3A_469 = arith.addi %add3A_468, %convert_element_type3A_467 : i32
    %le3A_470 = arith.constant 5.120000e+02 : f32
    %le3A_471 = arith.cmpf ole, %add3A_206, %le3A_470 : f32
    %convert_element_type3A_472 = arith.extui %le3A_471 : i1 to i32
    %add3A_473 = arith.addi %add3A_469, %convert_element_type3A_472 : i32
    %le3A_474 = arith.constant 5.120000e+02 : f32
    %le3A_475 = arith.cmpf ole, %add3A_217, %le3A_474 : f32
    %convert_element_type3A_476 = arith.extui %le3A_475 : i1 to i32
    %add3A_477 = arith.addi %add3A_473, %convert_element_type3A_476 : i32
    %le3A_478 = arith.constant 5.120000e+02 : f32
    %le3A_479 = arith.cmpf ole, %add3A_228, %le3A_478 : f32
    %convert_element_type3A_480 = arith.extui %le3A_479 : i1 to i32
    %add3A_481 = arith.addi %add3A_477, %convert_element_type3A_480 : i32
    %le3A_482 = arith.constant 5.120000e+02 : f32
    %le3A_483 = arith.cmpf ole, %add3A_239, %le3A_482 : f32
    %convert_element_type3A_484 = arith.extui %le3A_483 : i1 to i32
    %add3A_485 = arith.addi %add3A_481, %convert_element_type3A_484 : i32
    %le3A_486 = arith.constant 5.120000e+02 : f32
    %le3A_487 = arith.cmpf ole, %add3A_250, %le3A_486 : f32
    %convert_element_type3A_488 = arith.extui %le3A_487 : i1 to i32
    %add3A_489 = arith.addi %add3A_485, %convert_element_type3A_488 : i32
    %le3A_490 = arith.constant 5.120000e+02 : f32
    %le3A_491 = arith.cmpf ole, %add3A_261, %le3A_490 : f32
    %convert_element_type3A_492 = arith.extui %le3A_491 : i1 to i32
    %add3A_493 = arith.addi %add3A_489, %convert_element_type3A_492 : i32
    %swap3A_494 = arith.constant 2 : index
    %swap3A_495 = memref.load %arg5[%swap3A_494] : memref<24xi32, #tpu.memory_space<smem>>
    memref.store %add3A_493, %arg5[%swap3A_494] : memref<24xi32, #tpu.memory_space<smem>>
    %gt3A_496 = arith.constant 5.120000e+02 : f32
    %gt3A_497 = arith.cmpf ogt, %add3A_272, %gt3A_496 : f32
    %convert_element_type3A_498 = arith.extui %gt3A_497 : i1 to i32
    %swap3A_499 = arith.constant 2 : index
    %swap3A_500 = memref.load %arg6[%swap3A_499] : memref<24xi32, #tpu.memory_space<smem>>
    memref.store %convert_element_type3A_498, %arg6[%swap3A_499] : memref<24xi32, #tpu.memory_space<smem>>
    %le3A_501 = arith.constant 7.680000e+02 : f32
    %le3A_502 = arith.cmpf ole, %add3A_195, %le3A_501 : f32
    %convert_element_type3A_503 = arith.extui %le3A_502 : i1 to i32
    %add3A_504 = arith.constant 0 : i32
    %add3A_505 = arith.addi %add3A_504, %convert_element_type3A_503 : i32
    %le3A_506 = arith.constant 7.680000e+02 : f32
    %le3A_507 = arith.cmpf ole, %add3A_206, %le3A_506 : f32
    %convert_element_type3A_508 = arith.extui %le3A_507 : i1 to i32
    %add3A_509 = arith.addi %add3A_505, %convert_element_type3A_508 : i32
    %le3A_510 = arith.constant 7.680000e+02 : f32
    %le3A_511 = arith.cmpf ole, %add3A_217, %le3A_510 : f32
    %convert_element_type3A_512 = arith.extui %le3A_511 : i1 to i32
    %add3A_513 = arith.addi %add3A_509, %convert_element_type3A_512 : i32
    %le3A_514 = arith.constant 7.680000e+02 : f32
    %le3A_515 = arith.cmpf ole, %add3A_228, %le3A_514 : f32
    %convert_element_type3A_516 = arith.extui %le3A_515 : i1 to i32
    %add3A_517 = arith.addi %add3A_513, %convert_element_type3A_516 : i32
    %le3A_518 = arith.constant 7.680000e+02 : f32
    %le3A_519 = arith.cmpf ole, %add3A_239, %le3A_518 : f32
    %convert_element_type3A_520 = arith.extui %le3A_519 : i1 to i32
    %add3A_521 = arith.addi %add3A_517, %convert_element_type3A_520 : i32
    %le3A_522 = arith.constant 7.680000e+02 : f32
    %le3A_523 = arith.cmpf ole, %add3A_250, %le3A_522 : f32
    %convert_element_type3A_524 = arith.extui %le3A_523 : i1 to i32
    %add3A_525 = arith.addi %add3A_521, %convert_element_type3A_524 : i32
    %le3A_526 = arith.constant 7.680000e+02 : f32
    %le3A_527 = arith.cmpf ole, %add3A_261, %le3A_526 : f32
    %convert_element_type3A_528 = arith.extui %le3A_527 : i1 to i32
    %add3A_529 = arith.addi %add3A_525, %convert_element_type3A_528 : i32
    %swap3A_530 = arith.constant 3 : index
    %swap3A_531 = memref.load %arg5[%swap3A_530] : memref<24xi32, #tpu.memory_space<smem>>
    memref.store %add3A_529, %arg5[%swap3A_530] : memref<24xi32, #tpu.memory_space<smem>>
    %gt3A_532 = arith.constant 7.680000e+02 : f32
    %gt3A_533 = arith.cmpf ogt, %add3A_272, %gt3A_532 : f32
    %convert_element_type3A_534 = arith.extui %gt3A_533 : i1 to i32
    %swap3A_535 = arith.constant 3 : index
    %swap3A_536 = memref.load %arg6[%swap3A_535] : memref<24xi32, #tpu.memory_space<smem>>
    memref.store %convert_element_type3A_534, %arg6[%swap3A_535] : memref<24xi32, #tpu.memory_space<smem>>
    %le3A_537 = arith.constant 1.024000e+03 : f32
    %le3A_538 = arith.cmpf ole, %add3A_195, %le3A_537 : f32
    %convert_element_type3A_539 = arith.extui %le3A_538 : i1 to i32
    %add3A_540 = arith.constant 0 : i32
    %add3A_541 = arith.addi %add3A_540, %convert_element_type3A_539 : i32
    %le3A_542 = arith.constant 1.024000e+03 : f32
    %le3A_543 = arith.cmpf ole, %add3A_206, %le3A_542 : f32
    %convert_element_type3A_544 = arith.extui %le3A_543 : i1 to i32
    %add3A_545 = arith.addi %add3A_541, %convert_element_type3A_544 : i32
    %le3A_546 = arith.constant 1.024000e+03 : f32
    %le3A_547 = arith.cmpf ole, %add3A_217, %le3A_546 : f32
    %convert_element_type3A_548 = arith.extui %le3A_547 : i1 to i32
    %add3A_549 = arith.addi %add3A_545, %convert_element_type3A_548 : i32
    %le3A_550 = arith.constant 1.024000e+03 : f32
    %le3A_551 = arith.cmpf ole, %add3A_228, %le3A_550 : f32
    %convert_element_type3A_552 = arith.extui %le3A_551 : i1 to i32
    %add3A_553 = arith.addi %add3A_549, %convert_element_type3A_552 : i32
    %le3A_554 = arith.constant 1.024000e+03 : f32
    %le3A_555 = arith.cmpf ole, %add3A_239, %le3A_554 : f32
    %convert_element_type3A_556 = arith.extui %le3A_555 : i1 to i32
    %add3A_557 = arith.addi %add3A_553, %convert_element_type3A_556 : i32
    %le3A_558 = arith.constant 1.024000e+03 : f32
    %le3A_559 = arith.cmpf ole, %add3A_250, %le3A_558 : f32
    %convert_element_type3A_560 = arith.extui %le3A_559 : i1 to i32
    %add3A_561 = arith.addi %add3A_557, %convert_element_type3A_560 : i32
    %le3A_562 = arith.constant 1.024000e+03 : f32
    %le3A_563 = arith.cmpf ole, %add3A_261, %le3A_562 : f32
    %convert_element_type3A_564 = arith.extui %le3A_563 : i1 to i32
    %add3A_565 = arith.addi %add3A_561, %convert_element_type3A_564 : i32
    %swap3A_566 = arith.constant 4 : index
    %swap3A_567 = memref.load %arg5[%swap3A_566] : memref<24xi32, #tpu.memory_space<smem>>
    memref.store %add3A_565, %arg5[%swap3A_566] : memref<24xi32, #tpu.memory_space<smem>>
    %gt3A_568 = arith.constant 1.024000e+03 : f32
    %gt3A_569 = arith.cmpf ogt, %add3A_272, %gt3A_568 : f32
    %convert_element_type3A_570 = arith.extui %gt3A_569 : i1 to i32
    %swap3A_571 = arith.constant 4 : index
    %swap3A_572 = memref.load %arg6[%swap3A_571] : memref<24xi32, #tpu.memory_space<smem>>
    memref.store %convert_element_type3A_570, %arg6[%swap3A_571] : memref<24xi32, #tpu.memory_space<smem>>
    %le3A_573 = arith.constant 1.280000e+03 : f32
    %le3A_574 = arith.cmpf ole, %add3A_195, %le3A_573 : f32
    %convert_element_type3A_575 = arith.extui %le3A_574 : i1 to i32
    %add3A_576 = arith.constant 0 : i32
    %add3A_577 = arith.addi %add3A_576, %convert_element_type3A_575 : i32
    %le3A_578 = arith.constant 1.280000e+03 : f32
    %le3A_579 = arith.cmpf ole, %add3A_206, %le3A_578 : f32
    %convert_element_type3A_580 = arith.extui %le3A_579 : i1 to i32
    %add3A_581 = arith.addi %add3A_577, %convert_element_type3A_580 : i32
    %le3A_582 = arith.constant 1.280000e+03 : f32
    %le3A_583 = arith.cmpf ole, %add3A_217, %le3A_582 : f32
    %convert_element_type3A_584 = arith.extui %le3A_583 : i1 to i32
    %add3A_585 = arith.addi %add3A_581, %convert_element_type3A_584 : i32
    %le3A_586 = arith.constant 1.280000e+03 : f32
    %le3A_587 = arith.cmpf ole, %add3A_228, %le3A_586 : f32
    %convert_element_type3A_588 = arith.extui %le3A_587 : i1 to i32
    %add3A_589 = arith.addi %add3A_585, %convert_element_type3A_588 : i32
    %le3A_590 = arith.constant 1.280000e+03 : f32
    %le3A_591 = arith.cmpf ole, %add3A_239, %le3A_590 : f32
    %convert_element_type3A_592 = arith.extui %le3A_591 : i1 to i32
    %add3A_593 = arith.addi %add3A_589, %convert_element_type3A_592 : i32
    %le3A_594 = arith.constant 1.280000e+03 : f32
    %le3A_595 = arith.cmpf ole, %add3A_250, %le3A_594 : f32
    %convert_element_type3A_596 = arith.extui %le3A_595 : i1 to i32
    %add3A_597 = arith.addi %add3A_593, %convert_element_type3A_596 : i32
    %le3A_598 = arith.constant 1.280000e+03 : f32
    %le3A_599 = arith.cmpf ole, %add3A_261, %le3A_598 : f32
    %convert_element_type3A_600 = arith.extui %le3A_599 : i1 to i32
    %add3A_601 = arith.addi %add3A_597, %convert_element_type3A_600 : i32
    %swap3A_602 = arith.constant 5 : index
    %swap3A_603 = memref.load %arg5[%swap3A_602] : memref<24xi32, #tpu.memory_space<smem>>
    memref.store %add3A_601, %arg5[%swap3A_602] : memref<24xi32, #tpu.memory_space<smem>>
    %gt3A_604 = arith.constant 1.280000e+03 : f32
    %gt3A_605 = arith.cmpf ogt, %add3A_272, %gt3A_604 : f32
    %convert_element_type3A_606 = arith.extui %gt3A_605 : i1 to i32
    %swap3A_607 = arith.constant 5 : index
    %swap3A_608 = memref.load %arg6[%swap3A_607] : memref<24xi32, #tpu.memory_space<smem>>
    memref.store %convert_element_type3A_606, %arg6[%swap3A_607] : memref<24xi32, #tpu.memory_space<smem>>
    %le3A_609 = arith.constant 1.536000e+03 : f32
    %le3A_610 = arith.cmpf ole, %add3A_195, %le3A_609 : f32
    %convert_element_type3A_611 = arith.extui %le3A_610 : i1 to i32
    %add3A_612 = arith.constant 0 : i32
    %add3A_613 = arith.addi %add3A_612, %convert_element_type3A_611 : i32
    %le3A_614 = arith.constant 1.536000e+03 : f32
    %le3A_615 = arith.cmpf ole, %add3A_206, %le3A_614 : f32
    %convert_element_type3A_616 = arith.extui %le3A_615 : i1 to i32
    %add3A_617 = arith.addi %add3A_613, %convert_element_type3A_616 : i32
    %le3A_618 = arith.constant 1.536000e+03 : f32
    %le3A_619 = arith.cmpf ole, %add3A_217, %le3A_618 : f32
    %convert_element_type3A_620 = arith.extui %le3A_619 : i1 to i32
    %add3A_621 = arith.addi %add3A_617, %convert_element_type3A_620 : i32
    %le3A_622 = arith.constant 1.536000e+03 : f32
    %le3A_623 = arith.cmpf ole, %add3A_228, %le3A_622 : f32
    %convert_element_type3A_624 = arith.extui %le3A_623 : i1 to i32
    %add3A_625 = arith.addi %add3A_621, %convert_element_type3A_624 : i32
    %le3A_626 = arith.constant 1.536000e+03 : f32
    %le3A_627 = arith.cmpf ole, %add3A_239, %le3A_626 : f32
    %convert_element_type3A_628 = arith.extui %le3A_627 : i1 to i32
    %add3A_629 = arith.addi %add3A_625, %convert_element_type3A_628 : i32
    %le3A_630 = arith.constant 1.536000e+03 : f32
    %le3A_631 = arith.cmpf ole, %add3A_250, %le3A_630 : f32
    %convert_element_type3A_632 = arith.extui %le3A_631 : i1 to i32
    %add3A_633 = arith.addi %add3A_629, %convert_element_type3A_632 : i32
    %le3A_634 = arith.constant 1.536000e+03 : f32
    %le3A_635 = arith.cmpf ole, %add3A_261, %le3A_634 : f32
    %convert_element_type3A_636 = arith.extui %le3A_635 : i1 to i32
    %add3A_637 = arith.addi %add3A_633, %convert_element_type3A_636 : i32
    %swap3A_638 = arith.constant 6 : index
    %swap3A_639 = memref.load %arg5[%swap3A_638] : memref<24xi32, #tpu.memory_space<smem>>
    memref.store %add3A_637, %arg5[%swap3A_638] : memref<24xi32, #tpu.memory_space<smem>>
    %gt3A_640 = arith.constant 1.536000e+03 : f32
    %gt3A_641 = arith.cmpf ogt, %add3A_272, %gt3A_640 : f32
    %convert_element_type3A_642 = arith.extui %gt3A_641 : i1 to i32
    %swap3A_643 = arith.constant 6 : index
    %swap3A_644 = memref.load %arg6[%swap3A_643] : memref<24xi32, #tpu.memory_space<smem>>
    memref.store %convert_element_type3A_642, %arg6[%swap3A_643] : memref<24xi32, #tpu.memory_space<smem>>
    %le3A_645 = arith.constant 1.792000e+03 : f32
    %le3A_646 = arith.cmpf ole, %add3A_195, %le3A_645 : f32
    %convert_element_type3A_647 = arith.extui %le3A_646 : i1 to i32
    %add3A_648 = arith.constant 0 : i32
    %add3A_649 = arith.addi %add3A_648, %convert_element_type3A_647 : i32
    %le3A_650 = arith.constant 1.792000e+03 : f32
    %le3A_651 = arith.cmpf ole, %add3A_206, %le3A_650 : f32
    %convert_element_type3A_652 = arith.extui %le3A_651 : i1 to i32
    %add3A_653 = arith.addi %add3A_649, %convert_element_type3A_652 : i32
    %le3A_654 = arith.constant 1.792000e+03 : f32
    %le3A_655 = arith.cmpf ole, %add3A_217, %le3A_654 : f32
    %convert_element_type3A_656 = arith.extui %le3A_655 : i1 to i32
    %add3A_657 = arith.addi %add3A_653, %convert_element_type3A_656 : i32
    %le3A_658 = arith.constant 1.792000e+03 : f32
    %le3A_659 = arith.cmpf ole, %add3A_228, %le3A_658 : f32
    %convert_element_type3A_660 = arith.extui %le3A_659 : i1 to i32
    %add3A_661 = arith.addi %add3A_657, %convert_element_type3A_660 : i32
    %le3A_662 = arith.constant 1.792000e+03 : f32
    %le3A_663 = arith.cmpf ole, %add3A_239, %le3A_662 : f32
    %convert_element_type3A_664 = arith.extui %le3A_663 : i1 to i32
    %add3A_665 = arith.addi %add3A_661, %convert_element_type3A_664 : i32
    %le3A_666 = arith.constant 1.792000e+03 : f32
    %le3A_667 = arith.cmpf ole, %add3A_250, %le3A_666 : f32
    %convert_element_type3A_668 = arith.extui %le3A_667 : i1 to i32
    %add3A_669 = arith.addi %add3A_665, %convert_element_type3A_668 : i32
    %le3A_670 = arith.constant 1.792000e+03 : f32
    %le3A_671 = arith.cmpf ole, %add3A_261, %le3A_670 : f32
    %convert_element_type3A_672 = arith.extui %le3A_671 : i1 to i32
    %add3A_673 = arith.addi %add3A_669, %convert_element_type3A_672 : i32
    %swap3A_674 = arith.constant 7 : index
    %swap3A_675 = memref.load %arg5[%swap3A_674] : memref<24xi32, #tpu.memory_space<smem>>
    memref.store %add3A_673, %arg5[%swap3A_674] : memref<24xi32, #tpu.memory_space<smem>>
    %gt3A_676 = arith.constant 1.792000e+03 : f32
    %gt3A_677 = arith.cmpf ogt, %add3A_272, %gt3A_676 : f32
    %convert_element_type3A_678 = arith.extui %gt3A_677 : i1 to i32
    %swap3A_679 = arith.constant 7 : index
    %swap3A_680 = memref.load %arg6[%swap3A_679] : memref<24xi32, #tpu.memory_space<smem>>
    memref.store %convert_element_type3A_678, %arg6[%swap3A_679] : memref<24xi32, #tpu.memory_space<smem>>
    %le3A_681 = arith.constant 2.048000e+03 : f32
    %le3A_682 = arith.cmpf ole, %add3A_195, %le3A_681 : f32
    %convert_element_type3A_683 = arith.extui %le3A_682 : i1 to i32
    %add3A_684 = arith.constant 0 : i32
    %add3A_685 = arith.addi %add3A_684, %convert_element_type3A_683 : i32
    %le3A_686 = arith.constant 2.048000e+03 : f32
    %le3A_687 = arith.cmpf ole, %add3A_206, %le3A_686 : f32
    %convert_element_type3A_688 = arith.extui %le3A_687 : i1 to i32
    %add3A_689 = arith.addi %add3A_685, %convert_element_type3A_688 : i32
    %le3A_690 = arith.constant 2.048000e+03 : f32
    %le3A_691 = arith.cmpf ole, %add3A_217, %le3A_690 : f32
    %convert_element_type3A_692 = arith.extui %le3A_691 : i1 to i32
    %add3A_693 = arith.addi %add3A_689, %convert_element_type3A_692 : i32
    %le3A_694 = arith.constant 2.048000e+03 : f32
    %le3A_695 = arith.cmpf ole, %add3A_228, %le3A_694 : f32
    %convert_element_type3A_696 = arith.extui %le3A_695 : i1 to i32
    %add3A_697 = arith.addi %add3A_693, %convert_element_type3A_696 : i32
    %le3A_698 = arith.constant 2.048000e+03 : f32
    %le3A_699 = arith.cmpf ole, %add3A_239, %le3A_698 : f32
    %convert_element_type3A_700 = arith.extui %le3A_699 : i1 to i32
    %add3A_701 = arith.addi %add3A_697, %convert_element_type3A_700 : i32
    %le3A_702 = arith.constant 2.048000e+03 : f32
    %le3A_703 = arith.cmpf ole, %add3A_250, %le3A_702 : f32
    %convert_element_type3A_704 = arith.extui %le3A_703 : i1 to i32
    %add3A_705 = arith.addi %add3A_701, %convert_element_type3A_704 : i32
    %le3A_706 = arith.constant 2.048000e+03 : f32
    %le3A_707 = arith.cmpf ole, %add3A_261, %le3A_706 : f32
    %convert_element_type3A_708 = arith.extui %le3A_707 : i1 to i32
    %add3A_709 = arith.addi %add3A_705, %convert_element_type3A_708 : i32
    %swap3A_710 = arith.constant 8 : index
    %swap3A_711 = memref.load %arg5[%swap3A_710] : memref<24xi32, #tpu.memory_space<smem>>
    memref.store %add3A_709, %arg5[%swap3A_710] : memref<24xi32, #tpu.memory_space<smem>>
    %gt3A_712 = arith.constant 2.048000e+03 : f32
    %gt3A_713 = arith.cmpf ogt, %add3A_272, %gt3A_712 : f32
    %convert_element_type3A_714 = arith.extui %gt3A_713 : i1 to i32
    %swap3A_715 = arith.constant 8 : index
    %swap3A_716 = memref.load %arg6[%swap3A_715] : memref<24xi32, #tpu.memory_space<smem>>
    memref.store %convert_element_type3A_714, %arg6[%swap3A_715] : memref<24xi32, #tpu.memory_space<smem>>
    %le3A_717 = arith.constant 2.304000e+03 : f32
    %le3A_718 = arith.cmpf ole, %add3A_195, %le3A_717 : f32
    %convert_element_type3A_719 = arith.extui %le3A_718 : i1 to i32
    %add3A_720 = arith.constant 0 : i32
    %add3A_721 = arith.addi %add3A_720, %convert_element_type3A_719 : i32
    %le3A_722 = arith.constant 2.304000e+03 : f32
    %le3A_723 = arith.cmpf ole, %add3A_206, %le3A_722 : f32
    %convert_element_type3A_724 = arith.extui %le3A_723 : i1 to i32
    %add3A_725 = arith.addi %add3A_721, %convert_element_type3A_724 : i32
    %le3A_726 = arith.constant 2.304000e+03 : f32
    %le3A_727 = arith.cmpf ole, %add3A_217, %le3A_726 : f32
    %convert_element_type3A_728 = arith.extui %le3A_727 : i1 to i32
    %add3A_729 = arith.addi %add3A_725, %convert_element_type3A_728 : i32
    %le3A_730 = arith.constant 2.304000e+03 : f32
    %le3A_731 = arith.cmpf ole, %add3A_228, %le3A_730 : f32
    %convert_element_type3A_732 = arith.extui %le3A_731 : i1 to i32
    %add3A_733 = arith.addi %add3A_729, %convert_element_type3A_732 : i32
    %le3A_734 = arith.constant 2.304000e+03 : f32
    %le3A_735 = arith.cmpf ole, %add3A_239, %le3A_734 : f32
    %convert_element_type3A_736 = arith.extui %le3A_735 : i1 to i32
    %add3A_737 = arith.addi %add3A_733, %convert_element_type3A_736 : i32
    %le3A_738 = arith.constant 2.304000e+03 : f32
    %le3A_739 = arith.cmpf ole, %add3A_250, %le3A_738 : f32
    %convert_element_type3A_740 = arith.extui %le3A_739 : i1 to i32
    %add3A_741 = arith.addi %add3A_737, %convert_element_type3A_740 : i32
    %le3A_742 = arith.constant 2.304000e+03 : f32
    %le3A_743 = arith.cmpf ole, %add3A_261, %le3A_742 : f32
    %convert_element_type3A_744 = arith.extui %le3A_743 : i1 to i32
    %add3A_745 = arith.addi %add3A_741, %convert_element_type3A_744 : i32
    %swap3A_746 = arith.constant 9 : index
    %swap3A_747 = memref.load %arg5[%swap3A_746] : memref<24xi32, #tpu.memory_space<smem>>
    memref.store %add3A_745, %arg5[%swap3A_746] : memref<24xi32, #tpu.memory_space<smem>>
    %gt3A_748 = arith.constant 2.304000e+03 : f32
    %gt3A_749 = arith.cmpf ogt, %add3A_272, %gt3A_748 : f32
    %convert_element_type3A_750 = arith.extui %gt3A_749 : i1 to i32
    %swap3A_751 = arith.constant 9 : index
    %swap3A_752 = memref.load %arg6[%swap3A_751] : memref<24xi32, #tpu.memory_space<smem>>
    memref.store %convert_element_type3A_750, %arg6[%swap3A_751] : memref<24xi32, #tpu.memory_space<smem>>
    %le3A_753 = arith.constant 2.560000e+03 : f32
    %le3A_754 = arith.cmpf ole, %add3A_195, %le3A_753 : f32
    %convert_element_type3A_755 = arith.extui %le3A_754 : i1 to i32
    %add3A_756 = arith.constant 0 : i32
    %add3A_757 = arith.addi %add3A_756, %convert_element_type3A_755 : i32
    %le3A_758 = arith.constant 2.560000e+03 : f32
    %le3A_759 = arith.cmpf ole, %add3A_206, %le3A_758 : f32
    %convert_element_type3A_760 = arith.extui %le3A_759 : i1 to i32
    %add3A_761 = arith.addi %add3A_757, %convert_element_type3A_760 : i32
    %le3A_762 = arith.constant 2.560000e+03 : f32
    %le3A_763 = arith.cmpf ole, %add3A_217, %le3A_762 : f32
    %convert_element_type3A_764 = arith.extui %le3A_763 : i1 to i32
    %add3A_765 = arith.addi %add3A_761, %convert_element_type3A_764 : i32
    %le3A_766 = arith.constant 2.560000e+03 : f32
    %le3A_767 = arith.cmpf ole, %add3A_228, %le3A_766 : f32
    %convert_element_type3A_768 = arith.extui %le3A_767 : i1 to i32
    %add3A_769 = arith.addi %add3A_765, %convert_element_type3A_768 : i32
    %le3A_770 = arith.constant 2.560000e+03 : f32
    %le3A_771 = arith.cmpf ole, %add3A_239, %le3A_770 : f32
    %convert_element_type3A_772 = arith.extui %le3A_771 : i1 to i32
    %add3A_773 = arith.addi %add3A_769, %convert_element_type3A_772 : i32
    %le3A_774 = arith.constant 2.560000e+03 : f32
    %le3A_775 = arith.cmpf ole, %add3A_250, %le3A_774 : f32
    %convert_element_type3A_776 = arith.extui %le3A_775 : i1 to i32
    %add3A_777 = arith.addi %add3A_773, %convert_element_type3A_776 : i32
    %le3A_778 = arith.constant 2.560000e+03 : f32
    %le3A_779 = arith.cmpf ole, %add3A_261, %le3A_778 : f32
    %convert_element_type3A_780 = arith.extui %le3A_779 : i1 to i32
    %add3A_781 = arith.addi %add3A_777, %convert_element_type3A_780 : i32
    %swap3A_782 = arith.constant 10 : index
    %swap3A_783 = memref.load %arg5[%swap3A_782] : memref<24xi32, #tpu.memory_space<smem>>
    memref.store %add3A_781, %arg5[%swap3A_782] : memref<24xi32, #tpu.memory_space<smem>>
    %gt3A_784 = arith.constant 2.560000e+03 : f32
    %gt3A_785 = arith.cmpf ogt, %add3A_272, %gt3A_784 : f32
    %convert_element_type3A_786 = arith.extui %gt3A_785 : i1 to i32
    %swap3A_787 = arith.constant 10 : index
    %swap3A_788 = memref.load %arg6[%swap3A_787] : memref<24xi32, #tpu.memory_space<smem>>
    memref.store %convert_element_type3A_786, %arg6[%swap3A_787] : memref<24xi32, #tpu.memory_space<smem>>
    %le3A_789 = arith.constant 2.816000e+03 : f32
    %le3A_790 = arith.cmpf ole, %add3A_195, %le3A_789 : f32
    %convert_element_type3A_791 = arith.extui %le3A_790 : i1 to i32
    %add3A_792 = arith.constant 0 : i32
    %add3A_793 = arith.addi %add3A_792, %convert_element_type3A_791 : i32
    %le3A_794 = arith.constant 2.816000e+03 : f32
    %le3A_795 = arith.cmpf ole, %add3A_206, %le3A_794 : f32
    %convert_element_type3A_796 = arith.extui %le3A_795 : i1 to i32
    %add3A_797 = arith.addi %add3A_793, %convert_element_type3A_796 : i32
    %le3A_798 = arith.constant 2.816000e+03 : f32
    %le3A_799 = arith.cmpf ole, %add3A_217, %le3A_798 : f32
    %convert_element_type3A_800 = arith.extui %le3A_799 : i1 to i32
    %add3A_801 = arith.addi %add3A_797, %convert_element_type3A_800 : i32
    %le3A_802 = arith.constant 2.816000e+03 : f32
    %le3A_803 = arith.cmpf ole, %add3A_228, %le3A_802 : f32
    %convert_element_type3A_804 = arith.extui %le3A_803 : i1 to i32
    %add3A_805 = arith.addi %add3A_801, %convert_element_type3A_804 : i32
    %le3A_806 = arith.constant 2.816000e+03 : f32
    %le3A_807 = arith.cmpf ole, %add3A_239, %le3A_806 : f32
    %convert_element_type3A_808 = arith.extui %le3A_807 : i1 to i32
    %add3A_809 = arith.addi %add3A_805, %convert_element_type3A_808 : i32
    %le3A_810 = arith.constant 2.816000e+03 : f32
    %le3A_811 = arith.cmpf ole, %add3A_250, %le3A_810 : f32
    %convert_element_type3A_812 = arith.extui %le3A_811 : i1 to i32
    %add3A_813 = arith.addi %add3A_809, %convert_element_type3A_812 : i32
    %le3A_814 = arith.constant 2.816000e+03 : f32
    %le3A_815 = arith.cmpf ole, %add3A_261, %le3A_814 : f32
    %convert_element_type3A_816 = arith.extui %le3A_815 : i1 to i32
    %add3A_817 = arith.addi %add3A_813, %convert_element_type3A_816 : i32
    %swap3A_818 = arith.constant 11 : index
    %swap3A_819 = memref.load %arg5[%swap3A_818] : memref<24xi32, #tpu.memory_space<smem>>
    memref.store %add3A_817, %arg5[%swap3A_818] : memref<24xi32, #tpu.memory_space<smem>>
    %gt3A_820 = arith.constant 2.816000e+03 : f32
    %gt3A_821 = arith.cmpf ogt, %add3A_272, %gt3A_820 : f32
    %convert_element_type3A_822 = arith.extui %gt3A_821 : i1 to i32
    %swap3A_823 = arith.constant 11 : index
    %swap3A_824 = memref.load %arg6[%swap3A_823] : memref<24xi32, #tpu.memory_space<smem>>
    memref.store %convert_element_type3A_822, %arg6[%swap3A_823] : memref<24xi32, #tpu.memory_space<smem>>
    %le3A_825 = arith.constant 3.072000e+03 : f32
    %le3A_826 = arith.cmpf ole, %add3A_195, %le3A_825 : f32
    %convert_element_type3A_827 = arith.extui %le3A_826 : i1 to i32
    %add3A_828 = arith.constant 0 : i32
    %add3A_829 = arith.addi %add3A_828, %convert_element_type3A_827 : i32
    %le3A_830 = arith.constant 3.072000e+03 : f32
    %le3A_831 = arith.cmpf ole, %add3A_206, %le3A_830 : f32
    %convert_element_type3A_832 = arith.extui %le3A_831 : i1 to i32
    %add3A_833 = arith.addi %add3A_829, %convert_element_type3A_832 : i32
    %le3A_834 = arith.constant 3.072000e+03 : f32
    %le3A_835 = arith.cmpf ole, %add3A_217, %le3A_834 : f32
    %convert_element_type3A_836 = arith.extui %le3A_835 : i1 to i32
    %add3A_837 = arith.addi %add3A_833, %convert_element_type3A_836 : i32
    %le3A_838 = arith.constant 3.072000e+03 : f32
    %le3A_839 = arith.cmpf ole, %add3A_228, %le3A_838 : f32
    %convert_element_type3A_840 = arith.extui %le3A_839 : i1 to i32
    %add3A_841 = arith.addi %add3A_837, %convert_element_type3A_840 : i32
    %le3A_842 = arith.constant 3.072000e+03 : f32
    %le3A_843 = arith.cmpf ole, %add3A_239, %le3A_842 : f32
    %convert_element_type3A_844 = arith.extui %le3A_843 : i1 to i32
    %add3A_845 = arith.addi %add3A_841, %convert_element_type3A_844 : i32
    %le3A_846 = arith.constant 3.072000e+03 : f32
    %le3A_847 = arith.cmpf ole, %add3A_250, %le3A_846 : f32
    %convert_element_type3A_848 = arith.extui %le3A_847 : i1 to i32
    %add3A_849 = arith.addi %add3A_845, %convert_element_type3A_848 : i32
    %le3A_850 = arith.constant 3.072000e+03 : f32
    %le3A_851 = arith.cmpf ole, %add3A_261, %le3A_850 : f32
    %convert_element_type3A_852 = arith.extui %le3A_851 : i1 to i32
    %add3A_853 = arith.addi %add3A_849, %convert_element_type3A_852 : i32
    %swap3A_854 = arith.constant 12 : index
    %swap3A_855 = memref.load %arg5[%swap3A_854] : memref<24xi32, #tpu.memory_space<smem>>
    memref.store %add3A_853, %arg5[%swap3A_854] : memref<24xi32, #tpu.memory_space<smem>>
    %gt3A_856 = arith.constant 3.072000e+03 : f32
    %gt3A_857 = arith.cmpf ogt, %add3A_272, %gt3A_856 : f32
    %convert_element_type3A_858 = arith.extui %gt3A_857 : i1 to i32
    %swap3A_859 = arith.constant 12 : index
    %swap3A_860 = memref.load %arg6[%swap3A_859] : memref<24xi32, #tpu.memory_space<smem>>
    memref.store %convert_element_type3A_858, %arg6[%swap3A_859] : memref<24xi32, #tpu.memory_space<smem>>
    %le3A_861 = arith.constant 3.328000e+03 : f32
    %le3A_862 = arith.cmpf ole, %add3A_195, %le3A_861 : f32
    %convert_element_type3A_863 = arith.extui %le3A_862 : i1 to i32
    %add3A_864 = arith.constant 0 : i32
    %add3A_865 = arith.addi %add3A_864, %convert_element_type3A_863 : i32
    %le3A_866 = arith.constant 3.328000e+03 : f32
    %le3A_867 = arith.cmpf ole, %add3A_206, %le3A_866 : f32
    %convert_element_type3A_868 = arith.extui %le3A_867 : i1 to i32
    %add3A_869 = arith.addi %add3A_865, %convert_element_type3A_868 : i32
    %le3A_870 = arith.constant 3.328000e+03 : f32
    %le3A_871 = arith.cmpf ole, %add3A_217, %le3A_870 : f32
    %convert_element_type3A_872 = arith.extui %le3A_871 : i1 to i32
    %add3A_873 = arith.addi %add3A_869, %convert_element_type3A_872 : i32
    %le3A_874 = arith.constant 3.328000e+03 : f32
    %le3A_875 = arith.cmpf ole, %add3A_228, %le3A_874 : f32
    %convert_element_type3A_876 = arith.extui %le3A_875 : i1 to i32
    %add3A_877 = arith.addi %add3A_873, %convert_element_type3A_876 : i32
    %le3A_878 = arith.constant 3.328000e+03 : f32
    %le3A_879 = arith.cmpf ole, %add3A_239, %le3A_878 : f32
    %convert_element_type3A_880 = arith.extui %le3A_879 : i1 to i32
    %add3A_881 = arith.addi %add3A_877, %convert_element_type3A_880 : i32
    %le3A_882 = arith.constant 3.328000e+03 : f32
    %le3A_883 = arith.cmpf ole, %add3A_250, %le3A_882 : f32
    %convert_element_type3A_884 = arith.extui %le3A_883 : i1 to i32
    %add3A_885 = arith.addi %add3A_881, %convert_element_type3A_884 : i32
    %le3A_886 = arith.constant 3.328000e+03 : f32
    %le3A_887 = arith.cmpf ole, %add3A_261, %le3A_886 : f32
    %convert_element_type3A_888 = arith.extui %le3A_887 : i1 to i32
    %add3A_889 = arith.addi %add3A_885, %convert_element_type3A_888 : i32
    %swap3A_890 = arith.constant 13 : index
    %swap3A_891 = memref.load %arg5[%swap3A_890] : memref<24xi32, #tpu.memory_space<smem>>
    memref.store %add3A_889, %arg5[%swap3A_890] : memref<24xi32, #tpu.memory_space<smem>>
    %gt3A_892 = arith.constant 3.328000e+03 : f32
    %gt3A_893 = arith.cmpf ogt, %add3A_272, %gt3A_892 : f32
    %convert_element_type3A_894 = arith.extui %gt3A_893 : i1 to i32
    %swap3A_895 = arith.constant 13 : index
    %swap3A_896 = memref.load %arg6[%swap3A_895] : memref<24xi32, #tpu.memory_space<smem>>
    memref.store %convert_element_type3A_894, %arg6[%swap3A_895] : memref<24xi32, #tpu.memory_space<smem>>
    %le3A_897 = arith.constant 3.584000e+03 : f32
    %le3A_898 = arith.cmpf ole, %add3A_195, %le3A_897 : f32
    %convert_element_type3A_899 = arith.extui %le3A_898 : i1 to i32
    %add3A_900 = arith.constant 0 : i32
    %add3A_901 = arith.addi %add3A_900, %convert_element_type3A_899 : i32
    %le3A_902 = arith.constant 3.584000e+03 : f32
    %le3A_903 = arith.cmpf ole, %add3A_206, %le3A_902 : f32
    %convert_element_type3A_904 = arith.extui %le3A_903 : i1 to i32
    %add3A_905 = arith.addi %add3A_901, %convert_element_type3A_904 : i32
    %le3A_906 = arith.constant 3.584000e+03 : f32
    %le3A_907 = arith.cmpf ole, %add3A_217, %le3A_906 : f32
    %convert_element_type3A_908 = arith.extui %le3A_907 : i1 to i32
    %add3A_909 = arith.addi %add3A_905, %convert_element_type3A_908 : i32
    %le3A_910 = arith.constant 3.584000e+03 : f32
    %le3A_911 = arith.cmpf ole, %add3A_228, %le3A_910 : f32
    %convert_element_type3A_912 = arith.extui %le3A_911 : i1 to i32
    %add3A_913 = arith.addi %add3A_909, %convert_element_type3A_912 : i32
    %le3A_914 = arith.constant 3.584000e+03 : f32
    %le3A_915 = arith.cmpf ole, %add3A_239, %le3A_914 : f32
    %convert_element_type3A_916 = arith.extui %le3A_915 : i1 to i32
    %add3A_917 = arith.addi %add3A_913, %convert_element_type3A_916 : i32
    %le3A_918 = arith.constant 3.584000e+03 : f32
    %le3A_919 = arith.cmpf ole, %add3A_250, %le3A_918 : f32
    %convert_element_type3A_920 = arith.extui %le3A_919 : i1 to i32
    %add3A_921 = arith.addi %add3A_917, %convert_element_type3A_920 : i32
    %le3A_922 = arith.constant 3.584000e+03 : f32
    %le3A_923 = arith.cmpf ole, %add3A_261, %le3A_922 : f32
    %convert_element_type3A_924 = arith.extui %le3A_923 : i1 to i32
    %add3A_925 = arith.addi %add3A_921, %convert_element_type3A_924 : i32
    %swap3A_926 = arith.constant 14 : index
    %swap3A_927 = memref.load %arg5[%swap3A_926] : memref<24xi32, #tpu.memory_space<smem>>
    memref.store %add3A_925, %arg5[%swap3A_926] : memref<24xi32, #tpu.memory_space<smem>>
    %gt3A_928 = arith.constant 3.584000e+03 : f32
    %gt3A_929 = arith.cmpf ogt, %add3A_272, %gt3A_928 : f32
    %convert_element_type3A_930 = arith.extui %gt3A_929 : i1 to i32
    %swap3A_931 = arith.constant 14 : index
    %swap3A_932 = memref.load %arg6[%swap3A_931] : memref<24xi32, #tpu.memory_space<smem>>
    memref.store %convert_element_type3A_930, %arg6[%swap3A_931] : memref<24xi32, #tpu.memory_space<smem>>
    %le3A_933 = arith.constant 3.840000e+03 : f32
    %le3A_934 = arith.cmpf ole, %add3A_195, %le3A_933 : f32
    %convert_element_type3A_935 = arith.extui %le3A_934 : i1 to i32
    %add3A_936 = arith.constant 0 : i32
    %add3A_937 = arith.addi %add3A_936, %convert_element_type3A_935 : i32
    %le3A_938 = arith.constant 3.840000e+03 : f32
    %le3A_939 = arith.cmpf ole, %add3A_206, %le3A_938 : f32
    %convert_element_type3A_940 = arith.extui %le3A_939 : i1 to i32
    %add3A_941 = arith.addi %add3A_937, %convert_element_type3A_940 : i32
    %le3A_942 = arith.constant 3.840000e+03 : f32
    %le3A_943 = arith.cmpf ole, %add3A_217, %le3A_942 : f32
    %convert_element_type3A_944 = arith.extui %le3A_943 : i1 to i32
    %add3A_945 = arith.addi %add3A_941, %convert_element_type3A_944 : i32
    %le3A_946 = arith.constant 3.840000e+03 : f32
    %le3A_947 = arith.cmpf ole, %add3A_228, %le3A_946 : f32
    %convert_element_type3A_948 = arith.extui %le3A_947 : i1 to i32
    %add3A_949 = arith.addi %add3A_945, %convert_element_type3A_948 : i32
    %le3A_950 = arith.constant 3.840000e+03 : f32
    %le3A_951 = arith.cmpf ole, %add3A_239, %le3A_950 : f32
    %convert_element_type3A_952 = arith.extui %le3A_951 : i1 to i32
    %add3A_953 = arith.addi %add3A_949, %convert_element_type3A_952 : i32
    %le3A_954 = arith.constant 3.840000e+03 : f32
    %le3A_955 = arith.cmpf ole, %add3A_250, %le3A_954 : f32
    %convert_element_type3A_956 = arith.extui %le3A_955 : i1 to i32
    %add3A_957 = arith.addi %add3A_953, %convert_element_type3A_956 : i32
    %le3A_958 = arith.constant 3.840000e+03 : f32
    %le3A_959 = arith.cmpf ole, %add3A_261, %le3A_958 : f32
    %convert_element_type3A_960 = arith.extui %le3A_959 : i1 to i32
    %add3A_961 = arith.addi %add3A_957, %convert_element_type3A_960 : i32
    %swap3A_962 = arith.constant 15 : index
    %swap3A_963 = memref.load %arg5[%swap3A_962] : memref<24xi32, #tpu.memory_space<smem>>
    memref.store %add3A_961, %arg5[%swap3A_962] : memref<24xi32, #tpu.memory_space<smem>>
    %gt3A_964 = arith.constant 3.840000e+03 : f32
    %gt3A_965 = arith.cmpf ogt, %add3A_272, %gt3A_964 : f32
    %convert_element_type3A_966 = arith.extui %gt3A_965 : i1 to i32
    %swap3A_967 = arith.constant 15 : index
    %swap3A_968 = memref.load %arg6[%swap3A_967] : memref<24xi32, #tpu.memory_space<smem>>
    memref.store %convert_element_type3A_966, %arg6[%swap3A_967] : memref<24xi32, #tpu.memory_space<smem>>
    %le3A_969 = arith.constant 4.096000e+03 : f32
    %le3A_970 = arith.cmpf ole, %add3A_195, %le3A_969 : f32
    %convert_element_type3A_971 = arith.extui %le3A_970 : i1 to i32
    %add3A_972 = arith.constant 0 : i32
    %add3A_973 = arith.addi %add3A_972, %convert_element_type3A_971 : i32
    %le3A_974 = arith.constant 4.096000e+03 : f32
    %le3A_975 = arith.cmpf ole, %add3A_206, %le3A_974 : f32
    %convert_element_type3A_976 = arith.extui %le3A_975 : i1 to i32
    %add3A_977 = arith.addi %add3A_973, %convert_element_type3A_976 : i32
    %le3A_978 = arith.constant 4.096000e+03 : f32
    %le3A_979 = arith.cmpf ole, %add3A_217, %le3A_978 : f32
    %convert_element_type3A_980 = arith.extui %le3A_979 : i1 to i32
    %add3A_981 = arith.addi %add3A_977, %convert_element_type3A_980 : i32
    %le3A_982 = arith.constant 4.096000e+03 : f32
    %le3A_983 = arith.cmpf ole, %add3A_228, %le3A_982 : f32
    %convert_element_type3A_984 = arith.extui %le3A_983 : i1 to i32
    %add3A_985 = arith.addi %add3A_981, %convert_element_type3A_984 : i32
    %le3A_986 = arith.constant 4.096000e+03 : f32
    %le3A_987 = arith.cmpf ole, %add3A_239, %le3A_986 : f32
    %convert_element_type3A_988 = arith.extui %le3A_987 : i1 to i32
    %add3A_989 = arith.addi %add3A_985, %convert_element_type3A_988 : i32
    %le3A_990 = arith.constant 4.096000e+03 : f32
    %le3A_991 = arith.cmpf ole, %add3A_250, %le3A_990 : f32
    %convert_element_type3A_992 = arith.extui %le3A_991 : i1 to i32
    %add3A_993 = arith.addi %add3A_989, %convert_element_type3A_992 : i32
    %le3A_994 = arith.constant 4.096000e+03 : f32
    %le3A_995 = arith.cmpf ole, %add3A_261, %le3A_994 : f32
    %convert_element_type3A_996 = arith.extui %le3A_995 : i1 to i32
    %add3A_997 = arith.addi %add3A_993, %convert_element_type3A_996 : i32
    %swap3A_998 = arith.constant 16 : index
    %swap3A_999 = memref.load %arg5[%swap3A_998] : memref<24xi32, #tpu.memory_space<smem>>
    memref.store %add3A_997, %arg5[%swap3A_998] : memref<24xi32, #tpu.memory_space<smem>>
    %gt3A_1000 = arith.constant 4.096000e+03 : f32
    %gt3A_1001 = arith.cmpf ogt, %add3A_272, %gt3A_1000 : f32
    %convert_element_type3A_1002 = arith.extui %gt3A_1001 : i1 to i32
    %swap3A_1003 = arith.constant 16 : index
    %swap3A_1004 = memref.load %arg6[%swap3A_1003] : memref<24xi32, #tpu.memory_space<smem>>
    memref.store %convert_element_type3A_1002, %arg6[%swap3A_1003] : memref<24xi32, #tpu.memory_space<smem>>
    %le3A_1005 = arith.constant 4.352000e+03 : f32
    %le3A_1006 = arith.cmpf ole, %add3A_195, %le3A_1005 : f32
    %convert_element_type3A_1007 = arith.extui %le3A_1006 : i1 to i32
    %add3A_1008 = arith.constant 0 : i32
    %add3A_1009 = arith.addi %add3A_1008, %convert_element_type3A_1007 : i32
    %le3A_1010 = arith.constant 4.352000e+03 : f32
    %le3A_1011 = arith.cmpf ole, %add3A_206, %le3A_1010 : f32
    %convert_element_type3A_1012 = arith.extui %le3A_1011 : i1 to i32
    %add3A_1013 = arith.addi %add3A_1009, %convert_element_type3A_1012 : i32
    %le3A_1014 = arith.constant 4.352000e+03 : f32
    %le3A_1015 = arith.cmpf ole, %add3A_217, %le3A_1014 : f32
    %convert_element_type3A_1016 = arith.extui %le3A_1015 : i1 to i32
    %add3A_1017 = arith.addi %add3A_1013, %convert_element_type3A_1016 : i32
    %le3A_1018 = arith.constant 4.352000e+03 : f32
    %le3A_1019 = arith.cmpf ole, %add3A_228, %le3A_1018 : f32
    %convert_element_type3A_1020 = arith.extui %le3A_1019 : i1 to i32
    %add3A_1021 = arith.addi %add3A_1017, %convert_element_type3A_1020 : i32
    %le3A_1022 = arith.constant 4.352000e+03 : f32
    %le3A_1023 = arith.cmpf ole, %add3A_239, %le3A_1022 : f32
    %convert_element_type3A_1024 = arith.extui %le3A_1023 : i1 to i32
    %add3A_1025 = arith.addi %add3A_1021, %convert_element_type3A_1024 : i32
    %le3A_1026 = arith.constant 4.352000e+03 : f32
    %le3A_1027 = arith.cmpf ole, %add3A_250, %le3A_1026 : f32
    %convert_element_type3A_1028 = arith.extui %le3A_1027 : i1 to i32
    %add3A_1029 = arith.addi %add3A_1025, %convert_element_type3A_1028 : i32
    %le3A_1030 = arith.constant 4.352000e+03 : f32
    %le3A_1031 = arith.cmpf ole, %add3A_261, %le3A_1030 : f32
    %convert_element_type3A_1032 = arith.extui %le3A_1031 : i1 to i32
    %add3A_1033 = arith.addi %add3A_1029, %convert_element_type3A_1032 : i32
    %swap3A_1034 = arith.constant 17 : index
    %swap3A_1035 = memref.load %arg5[%swap3A_1034] : memref<24xi32, #tpu.memory_space<smem>>
    memref.store %add3A_1033, %arg5[%swap3A_1034] : memref<24xi32, #tpu.memory_space<smem>>
    %gt3A_1036 = arith.constant 4.352000e+03 : f32
    %gt3A_1037 = arith.cmpf ogt, %add3A_272, %gt3A_1036 : f32
    %convert_element_type3A_1038 = arith.extui %gt3A_1037 : i1 to i32
    %swap3A_1039 = arith.constant 17 : index
    %swap3A_1040 = memref.load %arg6[%swap3A_1039] : memref<24xi32, #tpu.memory_space<smem>>
    memref.store %convert_element_type3A_1038, %arg6[%swap3A_1039] : memref<24xi32, #tpu.memory_space<smem>>
    %le3A_1041 = arith.constant 4.608000e+03 : f32
    %le3A_1042 = arith.cmpf ole, %add3A_195, %le3A_1041 : f32
    %convert_element_type3A_1043 = arith.extui %le3A_1042 : i1 to i32
    %add3A_1044 = arith.constant 0 : i32
    %add3A_1045 = arith.addi %add3A_1044, %convert_element_type3A_1043 : i32
    %le3A_1046 = arith.constant 4.608000e+03 : f32
    %le3A_1047 = arith.cmpf ole, %add3A_206, %le3A_1046 : f32
    %convert_element_type3A_1048 = arith.extui %le3A_1047 : i1 to i32
    %add3A_1049 = arith.addi %add3A_1045, %convert_element_type3A_1048 : i32
    %le3A_1050 = arith.constant 4.608000e+03 : f32
    %le3A_1051 = arith.cmpf ole, %add3A_217, %le3A_1050 : f32
    %convert_element_type3A_1052 = arith.extui %le3A_1051 : i1 to i32
    %add3A_1053 = arith.addi %add3A_1049, %convert_element_type3A_1052 : i32
    %le3A_1054 = arith.constant 4.608000e+03 : f32
    %le3A_1055 = arith.cmpf ole, %add3A_228, %le3A_1054 : f32
    %convert_element_type3A_1056 = arith.extui %le3A_1055 : i1 to i32
    %add3A_1057 = arith.addi %add3A_1053, %convert_element_type3A_1056 : i32
    %le3A_1058 = arith.constant 4.608000e+03 : f32
    %le3A_1059 = arith.cmpf ole, %add3A_239, %le3A_1058 : f32
    %convert_element_type3A_1060 = arith.extui %le3A_1059 : i1 to i32
    %add3A_1061 = arith.addi %add3A_1057, %convert_element_type3A_1060 : i32
    %le3A_1062 = arith.constant 4.608000e+03 : f32
    %le3A_1063 = arith.cmpf ole, %add3A_250, %le3A_1062 : f32
    %convert_element_type3A_1064 = arith.extui %le3A_1063 : i1 to i32
    %add3A_1065 = arith.addi %add3A_1061, %convert_element_type3A_1064 : i32
    %le3A_1066 = arith.constant 4.608000e+03 : f32
    %le3A_1067 = arith.cmpf ole, %add3A_261, %le3A_1066 : f32
    %convert_element_type3A_1068 = arith.extui %le3A_1067 : i1 to i32
    %add3A_1069 = arith.addi %add3A_1065, %convert_element_type3A_1068 : i32
    %swap3A_1070 = arith.constant 18 : index
    %swap3A_1071 = memref.load %arg5[%swap3A_1070] : memref<24xi32, #tpu.memory_space<smem>>
    memref.store %add3A_1069, %arg5[%swap3A_1070] : memref<24xi32, #tpu.memory_space<smem>>
    %gt3A_1072 = arith.constant 4.608000e+03 : f32
    %gt3A_1073 = arith.cmpf ogt, %add3A_272, %gt3A_1072 : f32
    %convert_element_type3A_1074 = arith.extui %gt3A_1073 : i1 to i32
    %swap3A_1075 = arith.constant 18 : index
    %swap3A_1076 = memref.load %arg6[%swap3A_1075] : memref<24xi32, #tpu.memory_space<smem>>
    memref.store %convert_element_type3A_1074, %arg6[%swap3A_1075] : memref<24xi32, #tpu.memory_space<smem>>
    %le3A_1077 = arith.constant 4.864000e+03 : f32
    %le3A_1078 = arith.cmpf ole, %add3A_195, %le3A_1077 : f32
    %convert_element_type3A_1079 = arith.extui %le3A_1078 : i1 to i32
    %add3A_1080 = arith.constant 0 : i32
    %add3A_1081 = arith.addi %add3A_1080, %convert_element_type3A_1079 : i32
    %le3A_1082 = arith.constant 4.864000e+03 : f32
    %le3A_1083 = arith.cmpf ole, %add3A_206, %le3A_1082 : f32
    %convert_element_type3A_1084 = arith.extui %le3A_1083 : i1 to i32
    %add3A_1085 = arith.addi %add3A_1081, %convert_element_type3A_1084 : i32
    %le3A_1086 = arith.constant 4.864000e+03 : f32
    %le3A_1087 = arith.cmpf ole, %add3A_217, %le3A_1086 : f32
    %convert_element_type3A_1088 = arith.extui %le3A_1087 : i1 to i32
    %add3A_1089 = arith.addi %add3A_1085, %convert_element_type3A_1088 : i32
    %le3A_1090 = arith.constant 4.864000e+03 : f32
    %le3A_1091 = arith.cmpf ole, %add3A_228, %le3A_1090 : f32
    %convert_element_type3A_1092 = arith.extui %le3A_1091 : i1 to i32
    %add3A_1093 = arith.addi %add3A_1089, %convert_element_type3A_1092 : i32
    %le3A_1094 = arith.constant 4.864000e+03 : f32
    %le3A_1095 = arith.cmpf ole, %add3A_239, %le3A_1094 : f32
    %convert_element_type3A_1096 = arith.extui %le3A_1095 : i1 to i32
    %add3A_1097 = arith.addi %add3A_1093, %convert_element_type3A_1096 : i32
    %le3A_1098 = arith.constant 4.864000e+03 : f32
    %le3A_1099 = arith.cmpf ole, %add3A_250, %le3A_1098 : f32
    %convert_element_type3A_1100 = arith.extui %le3A_1099 : i1 to i32
    %add3A_1101 = arith.addi %add3A_1097, %convert_element_type3A_1100 : i32
    %le3A_1102 = arith.constant 4.864000e+03 : f32
    %le3A_1103 = arith.cmpf ole, %add3A_261, %le3A_1102 : f32
    %convert_element_type3A_1104 = arith.extui %le3A_1103 : i1 to i32
    %add3A_1105 = arith.addi %add3A_1101, %convert_element_type3A_1104 : i32
    %swap3A_1106 = arith.constant 19 : index
    %swap3A_1107 = memref.load %arg5[%swap3A_1106] : memref<24xi32, #tpu.memory_space<smem>>
    memref.store %add3A_1105, %arg5[%swap3A_1106] : memref<24xi32, #tpu.memory_space<smem>>
    %gt3A_1108 = arith.constant 4.864000e+03 : f32
    %gt3A_1109 = arith.cmpf ogt, %add3A_272, %gt3A_1108 : f32
    %convert_element_type3A_1110 = arith.extui %gt3A_1109 : i1 to i32
    %swap3A_1111 = arith.constant 19 : index
    %swap3A_1112 = memref.load %arg6[%swap3A_1111] : memref<24xi32, #tpu.memory_space<smem>>
    memref.store %convert_element_type3A_1110, %arg6[%swap3A_1111] : memref<24xi32, #tpu.memory_space<smem>>
    %le3A_1113 = arith.constant 5.120000e+03 : f32
    %le3A_1114 = arith.cmpf ole, %add3A_195, %le3A_1113 : f32
    %convert_element_type3A_1115 = arith.extui %le3A_1114 : i1 to i32
    %add3A_1116 = arith.constant 0 : i32
    %add3A_1117 = arith.addi %add3A_1116, %convert_element_type3A_1115 : i32
    %le3A_1118 = arith.constant 5.120000e+03 : f32
    %le3A_1119 = arith.cmpf ole, %add3A_206, %le3A_1118 : f32
    %convert_element_type3A_1120 = arith.extui %le3A_1119 : i1 to i32
    %add3A_1121 = arith.addi %add3A_1117, %convert_element_type3A_1120 : i32
    %le3A_1122 = arith.constant 5.120000e+03 : f32
    %le3A_1123 = arith.cmpf ole, %add3A_217, %le3A_1122 : f32
    %convert_element_type3A_1124 = arith.extui %le3A_1123 : i1 to i32
    %add3A_1125 = arith.addi %add3A_1121, %convert_element_type3A_1124 : i32
    %le3A_1126 = arith.constant 5.120000e+03 : f32
    %le3A_1127 = arith.cmpf ole, %add3A_228, %le3A_1126 : f32
    %convert_element_type3A_1128 = arith.extui %le3A_1127 : i1 to i32
    %add3A_1129 = arith.addi %add3A_1125, %convert_element_type3A_1128 : i32
    %le3A_1130 = arith.constant 5.120000e+03 : f32
    %le3A_1131 = arith.cmpf ole, %add3A_239, %le3A_1130 : f32
    %convert_element_type3A_1132 = arith.extui %le3A_1131 : i1 to i32
    %add3A_1133 = arith.addi %add3A_1129, %convert_element_type3A_1132 : i32
    %le3A_1134 = arith.constant 5.120000e+03 : f32
    %le3A_1135 = arith.cmpf ole, %add3A_250, %le3A_1134 : f32
    %convert_element_type3A_1136 = arith.extui %le3A_1135 : i1 to i32
    %add3A_1137 = arith.addi %add3A_1133, %convert_element_type3A_1136 : i32
    %le3A_1138 = arith.constant 5.120000e+03 : f32
    %le3A_1139 = arith.cmpf ole, %add3A_261, %le3A_1138 : f32
    %convert_element_type3A_1140 = arith.extui %le3A_1139 : i1 to i32
    %add3A_1141 = arith.addi %add3A_1137, %convert_element_type3A_1140 : i32
    %swap3A_1142 = arith.constant 20 : index
    %swap3A_1143 = memref.load %arg5[%swap3A_1142] : memref<24xi32, #tpu.memory_space<smem>>
    memref.store %add3A_1141, %arg5[%swap3A_1142] : memref<24xi32, #tpu.memory_space<smem>>
    %gt3A_1144 = arith.constant 5.120000e+03 : f32
    %gt3A_1145 = arith.cmpf ogt, %add3A_272, %gt3A_1144 : f32
    %convert_element_type3A_1146 = arith.extui %gt3A_1145 : i1 to i32
    %swap3A_1147 = arith.constant 20 : index
    %swap3A_1148 = memref.load %arg6[%swap3A_1147] : memref<24xi32, #tpu.memory_space<smem>>
    memref.store %convert_element_type3A_1146, %arg6[%swap3A_1147] : memref<24xi32, #tpu.memory_space<smem>>
    %le3A_1149 = arith.constant 5.376000e+03 : f32
    %le3A_1150 = arith.cmpf ole, %add3A_195, %le3A_1149 : f32
    %convert_element_type3A_1151 = arith.extui %le3A_1150 : i1 to i32
    %add3A_1152 = arith.constant 0 : i32
    %add3A_1153 = arith.addi %add3A_1152, %convert_element_type3A_1151 : i32
    %le3A_1154 = arith.constant 5.376000e+03 : f32
    %le3A_1155 = arith.cmpf ole, %add3A_206, %le3A_1154 : f32
    %convert_element_type3A_1156 = arith.extui %le3A_1155 : i1 to i32
    %add3A_1157 = arith.addi %add3A_1153, %convert_element_type3A_1156 : i32
    %le3A_1158 = arith.constant 5.376000e+03 : f32
    %le3A_1159 = arith.cmpf ole, %add3A_217, %le3A_1158 : f32
    %convert_element_type3A_1160 = arith.extui %le3A_1159 : i1 to i32
    %add3A_1161 = arith.addi %add3A_1157, %convert_element_type3A_1160 : i32
    %le3A_1162 = arith.constant 5.376000e+03 : f32
    %le3A_1163 = arith.cmpf ole, %add3A_228, %le3A_1162 : f32
    %convert_element_type3A_1164 = arith.extui %le3A_1163 : i1 to i32
    %add3A_1165 = arith.addi %add3A_1161, %convert_element_type3A_1164 : i32
    %le3A_1166 = arith.constant 5.376000e+03 : f32
    %le3A_1167 = arith.cmpf ole, %add3A_239, %le3A_1166 : f32
    %convert_element_type3A_1168 = arith.extui %le3A_1167 : i1 to i32
    %add3A_1169 = arith.addi %add3A_1165, %convert_element_type3A_1168 : i32
    %le3A_1170 = arith.constant 5.376000e+03 : f32
    %le3A_1171 = arith.cmpf ole, %add3A_250, %le3A_1170 : f32
    %convert_element_type3A_1172 = arith.extui %le3A_1171 : i1 to i32
    %add3A_1173 = arith.addi %add3A_1169, %convert_element_type3A_1172 : i32
    %le3A_1174 = arith.constant 5.376000e+03 : f32
    %le3A_1175 = arith.cmpf ole, %add3A_261, %le3A_1174 : f32
    %convert_element_type3A_1176 = arith.extui %le3A_1175 : i1 to i32
    %add3A_1177 = arith.addi %add3A_1173, %convert_element_type3A_1176 : i32
    %swap3A_1178 = arith.constant 21 : index
    %swap3A_1179 = memref.load %arg5[%swap3A_1178] : memref<24xi32, #tpu.memory_space<smem>>
    memref.store %add3A_1177, %arg5[%swap3A_1178] : memref<24xi32, #tpu.memory_space<smem>>
    %gt3A_1180 = arith.constant 5.376000e+03 : f32
    %gt3A_1181 = arith.cmpf ogt, %add3A_272, %gt3A_1180 : f32
    %convert_element_type3A_1182 = arith.extui %gt3A_1181 : i1 to i32
    %swap3A_1183 = arith.constant 21 : index
    %swap3A_1184 = memref.load %arg6[%swap3A_1183] : memref<24xi32, #tpu.memory_space<smem>>
    memref.store %convert_element_type3A_1182, %arg6[%swap3A_1183] : memref<24xi32, #tpu.memory_space<smem>>
    %le3A_1185 = arith.constant 5.632000e+03 : f32
    %le3A_1186 = arith.cmpf ole, %add3A_195, %le3A_1185 : f32
    %convert_element_type3A_1187 = arith.extui %le3A_1186 : i1 to i32
    %add3A_1188 = arith.constant 0 : i32
    %add3A_1189 = arith.addi %add3A_1188, %convert_element_type3A_1187 : i32
    %le3A_1190 = arith.constant 5.632000e+03 : f32
    %le3A_1191 = arith.cmpf ole, %add3A_206, %le3A_1190 : f32
    %convert_element_type3A_1192 = arith.extui %le3A_1191 : i1 to i32
    %add3A_1193 = arith.addi %add3A_1189, %convert_element_type3A_1192 : i32
    %le3A_1194 = arith.constant 5.632000e+03 : f32
    %le3A_1195 = arith.cmpf ole, %add3A_217, %le3A_1194 : f32
    %convert_element_type3A_1196 = arith.extui %le3A_1195 : i1 to i32
    %add3A_1197 = arith.addi %add3A_1193, %convert_element_type3A_1196 : i32
    %le3A_1198 = arith.constant 5.632000e+03 : f32
    %le3A_1199 = arith.cmpf ole, %add3A_228, %le3A_1198 : f32
    %convert_element_type3A_1200 = arith.extui %le3A_1199 : i1 to i32
    %add3A_1201 = arith.addi %add3A_1197, %convert_element_type3A_1200 : i32
    %le3A_1202 = arith.constant 5.632000e+03 : f32
    %le3A_1203 = arith.cmpf ole, %add3A_239, %le3A_1202 : f32
    %convert_element_type3A_1204 = arith.extui %le3A_1203 : i1 to i32
    %add3A_1205 = arith.addi %add3A_1201, %convert_element_type3A_1204 : i32
    %le3A_1206 = arith.constant 5.632000e+03 : f32
    %le3A_1207 = arith.cmpf ole, %add3A_250, %le3A_1206 : f32
    %convert_element_type3A_1208 = arith.extui %le3A_1207 : i1 to i32
    %add3A_1209 = arith.addi %add3A_1205, %convert_element_type3A_1208 : i32
    %le3A_1210 = arith.constant 5.632000e+03 : f32
    %le3A_1211 = arith.cmpf ole, %add3A_261, %le3A_1210 : f32
    %convert_element_type3A_1212 = arith.extui %le3A_1211 : i1 to i32
    %add3A_1213 = arith.addi %add3A_1209, %convert_element_type3A_1212 : i32
    %swap3A_1214 = arith.constant 22 : index
    %swap3A_1215 = memref.load %arg5[%swap3A_1214] : memref<24xi32, #tpu.memory_space<smem>>
    memref.store %add3A_1213, %arg5[%swap3A_1214] : memref<24xi32, #tpu.memory_space<smem>>
    %gt3A_1216 = arith.constant 5.632000e+03 : f32
    %gt3A_1217 = arith.cmpf ogt, %add3A_272, %gt3A_1216 : f32
    %convert_element_type3A_1218 = arith.extui %gt3A_1217 : i1 to i32
    %swap3A_1219 = arith.constant 22 : index
    %swap3A_1220 = memref.load %arg6[%swap3A_1219] : memref<24xi32, #tpu.memory_space<smem>>
    memref.store %convert_element_type3A_1218, %arg6[%swap3A_1219] : memref<24xi32, #tpu.memory_space<smem>>
    %le3A_1221 = arith.constant 5.888000e+03 : f32
    %le3A_1222 = arith.cmpf ole, %add3A_195, %le3A_1221 : f32
    %convert_element_type3A_1223 = arith.extui %le3A_1222 : i1 to i32
    %add3A_1224 = arith.constant 0 : i32
    %add3A_1225 = arith.addi %add3A_1224, %convert_element_type3A_1223 : i32
    %le3A_1226 = arith.constant 5.888000e+03 : f32
    %le3A_1227 = arith.cmpf ole, %add3A_206, %le3A_1226 : f32
    %convert_element_type3A_1228 = arith.extui %le3A_1227 : i1 to i32
    %add3A_1229 = arith.addi %add3A_1225, %convert_element_type3A_1228 : i32
    %le3A_1230 = arith.constant 5.888000e+03 : f32
    %le3A_1231 = arith.cmpf ole, %add3A_217, %le3A_1230 : f32
    %convert_element_type3A_1232 = arith.extui %le3A_1231 : i1 to i32
    %add3A_1233 = arith.addi %add3A_1229, %convert_element_type3A_1232 : i32
    %le3A_1234 = arith.constant 5.888000e+03 : f32
    %le3A_1235 = arith.cmpf ole, %add3A_228, %le3A_1234 : f32
    %convert_element_type3A_1236 = arith.extui %le3A_1235 : i1 to i32
    %add3A_1237 = arith.addi %add3A_1233, %convert_element_type3A_1236 : i32
    %le3A_1238 = arith.constant 5.888000e+03 : f32
    %le3A_1239 = arith.cmpf ole, %add3A_239, %le3A_1238 : f32
    %convert_element_type3A_1240 = arith.extui %le3A_1239 : i1 to i32
    %add3A_1241 = arith.addi %add3A_1237, %convert_element_type3A_1240 : i32
    %le3A_1242 = arith.constant 5.888000e+03 : f32
    %le3A_1243 = arith.cmpf ole, %add3A_250, %le3A_1242 : f32
    %convert_element_type3A_1244 = arith.extui %le3A_1243 : i1 to i32
    %add3A_1245 = arith.addi %add3A_1241, %convert_element_type3A_1244 : i32
    %le3A_1246 = arith.constant 5.888000e+03 : f32
    %le3A_1247 = arith.cmpf ole, %add3A_261, %le3A_1246 : f32
    %convert_element_type3A_1248 = arith.extui %le3A_1247 : i1 to i32
    %add3A_1249 = arith.addi %add3A_1245, %convert_element_type3A_1248 : i32
    %swap3A_1250 = arith.constant 23 : index
    %swap3A_1251 = memref.load %arg5[%swap3A_1250] : memref<24xi32, #tpu.memory_space<smem>>
    memref.store %add3A_1249, %arg5[%swap3A_1250] : memref<24xi32, #tpu.memory_space<smem>>
    %gt3A_1252 = arith.constant 5.888000e+03 : f32
    %gt3A_1253 = arith.cmpf ogt, %add3A_272, %gt3A_1252 : f32
    %convert_element_type3A_1254 = arith.extui %gt3A_1253 : i1 to i32
    %swap3A_1255 = arith.constant 23 : index
    %swap3A_1256 = memref.load %arg6[%swap3A_1255] : memref<24xi32, #tpu.memory_space<smem>>
    memref.store %convert_element_type3A_1254, %arg6[%swap3A_1255] : memref<24xi32, #tpu.memory_space<smem>>
    return
  }
}

module attributes {stable_mosaic.version = 14 : i64} {
  func.func @_moe_body(%arg0: i32, %arg1: memref<24xi32, #tpu.memory_space<smem>>, %arg2: memref<24xi32, #tpu.memory_space<smem>>, %arg3: memref<256x768xf32, #tpu.memory_space<vmem>>, %arg4: memref<1x768x3072xf32, #tpu.memory_space<vmem>>, %arg5: memref<1x768x3072xf32, #tpu.memory_space<vmem>>, %arg6: memref<1x3072x768xf32, #tpu.memory_space<vmem>>, %arg7: memref<256x768xf32, #tpu.memory_space<vmem>>) attributes {dimension_semantics = [#tpu.dimension_semantics<arbitrary>], iteration_bounds = array<i64: 24>, scalar_prefetch = 2 : i64, scratch_operands = 0 : i64, tpu.core_type = #tpu.core_type<tc>, window_params = [{transform_indices = @transform_0, window_bounds = array<i64: 256, 768>}, {transform_indices = @transform_1, window_bounds = array<i64: 1, 768, 3072>}, {transform_indices = @transform_2, window_bounds = array<i64: 1, 768, 3072>}, {transform_indices = @transform_3, window_bounds = array<i64: 1, 3072, 768>}, {transform_indices = @transform_4, window_bounds = array<i64: 256, 768>}]} {
    %get3A = arith.index_cast %arg0 : i32 to index
    %get3A_0 = memref.load %arg2[%get3A] : memref<24xi32, #tpu.memory_space<smem>>
    %eq3A = arith.constant 1 : i32
    %eq3A_1 = arith.cmpi eq, %get3A_0, %eq3A : i32
    %convert_element_type3A = arith.extui %eq3A_1 : i1 to i32
    %cond3A = arith.constant 0 : i32
    %cond3A_2 = arith.cmpi ne, %convert_element_type3A, %cond3A : i32
    scf.if %cond3A_2 {
      %get3A_3 = arith.constant 0 : index
      %get3A_4 = arith.constant 0 : index
      %get3A_5 = vector.load %arg3[%get3A_3, %get3A_4] : memref<256x768xf32, #tpu.memory_space<vmem>>, vector<256x768xf32>
      %get3A_6 = arith.constant 0 : index
      %get3A_7 = arith.constant 0 : index
      %get3A_8 = arith.constant 0 : index
      %get3A_9 = vector.load %arg4[%get3A_6, %get3A_7, %get3A_8] : memref<1x768x3072xf32, #tpu.memory_space<vmem>>, vector<1x768x3072xf32>
      %get3A_10 = vector.shape_cast %get3A_9 : vector<1x768x3072xf32> to vector<768x3072xf32>
      %dot_general3A = arith.constant dense<0.000000e+00> : vector<256x3072xf32>
      %dot_general3A_11 = tpu.matmul %get3A_5, %get3A_10, %dot_general3A {dimension_numbers = #tpu.dot_dimension_numbers<[1], [0], [0], [1], [0, 0, 1, 1], [], []>, transpose_lhs_hint = false} : vector<256x768xf32>, vector<768x3072xf32>, vector<256x3072xf32> -> vector<256x3072xf32>
      %get3A_12 = arith.constant 0 : index
      %get3A_13 = arith.constant 0 : index
      %get3A_14 = arith.constant 0 : index
      %get3A_15 = vector.load %arg5[%get3A_12, %get3A_13, %get3A_14] : memref<1x768x3072xf32, #tpu.memory_space<vmem>>, vector<1x768x3072xf32>
      %get3A_16 = vector.shape_cast %get3A_15 : vector<1x768x3072xf32> to vector<768x3072xf32>
      %dot_general3A_17 = arith.constant dense<0.000000e+00> : vector<256x3072xf32>
      %dot_general3A_18 = tpu.matmul %get3A_5, %get3A_16, %dot_general3A_17 {dimension_numbers = #tpu.dot_dimension_numbers<[1], [0], [0], [1], [0, 0, 1, 1], [], []>, transpose_lhs_hint = false} : vector<256x768xf32>, vector<768x3072xf32>, vector<256x3072xf32> -> vector<256x3072xf32>
      %neg3A = arith.constant 0.000000e+00 : f32
      %neg3A_19 = vector.broadcast %neg3A : f32 to vector<256x3072xf32>
      %neg3A_20 = arith.subf %neg3A_19, %dot_general3A_11 : vector<256x3072xf32>
      %exp3A = math.exp %neg3A_20 : vector<256x3072xf32>
      %add3A = arith.constant 1.000000e+00 : f32
      %add3A_21 = vector.broadcast %add3A : f32 to vector<256x3072xf32>
      %add3A_22 = arith.addf %add3A_21, %exp3A : vector<256x3072xf32>
      %div3A = arith.divf %dot_general3A_11, %add3A_22 : vector<256x3072xf32>
      %mul3A = arith.mulf %div3A, %dot_general3A_18 : vector<256x3072xf32>
      %get3A_23 = arith.constant 0 : index
      %get3A_24 = arith.constant 0 : index
      %get3A_25 = arith.constant 0 : index
      %get3A_26 = vector.load %arg6[%get3A_23, %get3A_24, %get3A_25] : memref<1x3072x768xf32, #tpu.memory_space<vmem>>, vector<1x3072x768xf32>
      %get3A_27 = vector.shape_cast %get3A_26 : vector<1x3072x768xf32> to vector<3072x768xf32>
      %dot_general3A_28 = arith.constant dense<0.000000e+00> : vector<256x768xf32>
      %dot_general3A_29 = tpu.matmul %mul3A, %get3A_27, %dot_general3A_28 {dimension_numbers = #tpu.dot_dimension_numbers<[1], [0], [0], [1], [0, 0, 1, 1], [], []>, transpose_lhs_hint = false} : vector<256x3072xf32>, vector<3072x768xf32>, vector<256x768xf32> -> vector<256x768xf32>
      %swap3A = arith.constant 0 : index
      %swap3A_30 = arith.constant 0 : index
      %swap3A_31 = vector.load %arg7[%swap3A, %swap3A_30] : memref<256x768xf32, #tpu.memory_space<vmem>>, vector<256x768xf32>
      tpu.vector_store %arg7[%swap3A, %swap3A_30], %dot_general3A_29 {strides = array<i32>} : memref<256x768xf32, #tpu.memory_space<vmem>>, vector<256x768xf32>,
    } else {
    }
    return
  }
  func.func @transform_0(%arg0: i32, %arg1: memref<24xi32, #tpu.memory_space<smem>>, %arg2: memref<24xi32, #tpu.memory_space<smem>>) -> (i32, i32) {
    %c0_i32 = arith.constant 0 : i32
    %c0_i32_0 = arith.constant 0 : i32
    return %arg0, %c0_i32 : i32, i32
  }
  func.func @transform_1(%arg0: i32, %arg1: memref<24xi32, #tpu.memory_space<smem>>, %arg2: memref<24xi32, #tpu.memory_space<smem>>) -> (i32, i32, i32) {
    %get3A = arith.index_cast %arg0 : i32 to index
    %get3A_0 = memref.load %arg1[%get3A] : memref<24xi32, #tpu.memory_space<smem>>
    %c0_i32 = arith.constant 0 : i32
    %c0_i32_1 = arith.constant 0 : i32
    %c0_i32_2 = arith.constant 0 : i32
    return %get3A_0, %c0_i32, %c0_i32_1 : i32, i32, i32
  }
  func.func @transform_2(%arg0: i32, %arg1: memref<24xi32, #tpu.memory_space<smem>>, %arg2: memref<24xi32, #tpu.memory_space<smem>>) -> (i32, i32, i32) {
    %get3A = arith.index_cast %arg0 : i32 to index
    %get3A_0 = memref.load %arg1[%get3A] : memref<24xi32, #tpu.memory_space<smem>>
    %c0_i32 = arith.constant 0 : i32
    %c0_i32_1 = arith.constant 0 : i32
    %c0_i32_2 = arith.constant 0 : i32
    return %get3A_0, %c0_i32, %c0_i32_1 : i32, i32, i32
  }
  func.func @transform_3(%arg0: i32, %arg1: memref<24xi32, #tpu.memory_space<smem>>, %arg2: memref<24xi32, #tpu.memory_space<smem>>) -> (i32, i32, i32) {
    %get3A = arith.index_cast %arg0 : i32 to index
    %get3A_0 = memref.load %arg1[%get3A] : memref<24xi32, #tpu.memory_space<smem>>
    %c0_i32 = arith.constant 0 : i32
    %c0_i32_1 = arith.constant 0 : i32
    %c0_i32_2 = arith.constant 0 : i32
    return %get3A_0, %c0_i32, %c0_i32_1 : i32, i32, i32
  }
  func.func @transform_4(%arg0: i32, %arg1: memref<24xi32, #tpu.memory_space<smem>>, %arg2: memref<24xi32, #tpu.memory_space<smem>>) -> (i32, i32) {
    %c0_i32 = arith.constant 0 : i32
    %c0_i32_0 = arith.constant 0 : i32
    return %arg0, %c0_i32 : i32, i32
  }
}

module attributes {stable_mosaic.version = 14 : i64} {
  func.func @_combine_body(%arg0: i32, %arg1: memref<256x768xf32, #tpu.memory_space<vmem>>, %arg2: memref<256x768xf32, #tpu.memory_space<vmem>>, %arg3: memref<256x768xf32, #tpu.memory_space<vmem>>, %arg4: memref<256x128xf32, #tpu.memory_space<vmem>>, %arg5: memref<256x128xf32, #tpu.memory_space<vmem>>, %arg6: memref<256x768xf32, #tpu.memory_space<vmem>>) attributes {dimension_semantics = [#tpu.dimension_semantics<arbitrary>], iteration_bounds = array<i64: 8>, scalar_prefetch = 0 : i64, scratch_operands = 0 : i64, tpu.core_type = #tpu.core_type<tc>, window_params = [{transform_indices = @transform_0, window_bounds = array<i64: 256, 768>}, {transform_indices = @transform_1, window_bounds = array<i64: 256, 768>}, {transform_indices = @transform_2, window_bounds = array<i64: 256, 768>}, {transform_indices = @transform_3, window_bounds = array<i64: 256, 128>}, {transform_indices = @transform_4, window_bounds = array<i64: 256, 128>}, {transform_indices = @transform_5, window_bounds = array<i64: 256, 768>}]} {
    %get3A = arith.constant 0 : index
    %get3A_0 = arith.constant 0 : index
    %get3A_1 = vector.load %arg4[%get3A, %get3A_0] : memref<256x128xf32, #tpu.memory_space<vmem>>, vector<256x1xf32>
    %get3A_2 = arith.constant 0 : index
    %get3A_3 = arith.constant 0 : index
    %get3A_4 = vector.load %arg5[%get3A_2, %get3A_3] : memref<256x128xf32, #tpu.memory_space<vmem>>, vector<256x1xf32>
    %get3A_5 = arith.constant 0 : index
    %get3A_6 = arith.constant 0 : index
    %get3A_7 = vector.load %arg1[%get3A_5, %get3A_6] : memref<256x768xf32, #tpu.memory_space<vmem>>, vector<256x768xf32>
    %get3A_8 = arith.constant 0 : index
    %get3A_9 = arith.constant 0 : index
    %get3A_10 = vector.load %arg2[%get3A_8, %get3A_9] : memref<256x768xf32, #tpu.memory_space<vmem>>, vector<256x768xf32>
    %mul3A = vector.broadcast %get3A_1 : vector<256x1xf32> to vector<256x768xf32>
    %mul3A_11 = arith.mulf %mul3A, %get3A_10 : vector<256x768xf32>
    %add3A = arith.addf %get3A_7, %mul3A_11 : vector<256x768xf32>
    %get3A_12 = arith.constant 0 : index
    %get3A_13 = arith.constant 0 : index
    %get3A_14 = vector.load %arg3[%get3A_12, %get3A_13] : memref<256x768xf32, #tpu.memory_space<vmem>>, vector<256x768xf32>
    %mul3A_15 = vector.broadcast %get3A_4 : vector<256x1xf32> to vector<256x768xf32>
    %mul3A_16 = arith.mulf %mul3A_15, %get3A_14 : vector<256x768xf32>
    %add3A_17 = arith.addf %add3A, %mul3A_16 : vector<256x768xf32>
    %swap3A = arith.constant 0 : index
    %swap3A_18 = arith.constant 0 : index
    %swap3A_19 = vector.load %arg6[%swap3A, %swap3A_18] : memref<256x768xf32, #tpu.memory_space<vmem>>, vector<256x768xf32>
    tpu.vector_store %arg6[%swap3A, %swap3A_18], %add3A_17 {strides = array<i32>} : memref<256x768xf32, #tpu.memory_space<vmem>>, vector<256x768xf32>,
    return
  }
  func.func @transform_0(%arg0: i32) -> (i32, i32) {
    %c0_i32 = arith.constant 0 : i32
    %c0_i32_0 = arith.constant 0 : i32
    return %arg0, %c0_i32 : i32, i32
  }
  func.func @transform_1(%arg0: i32) -> (i32, i32) {
    %c0_i32 = arith.constant 0 : i32
    %c0_i32_0 = arith.constant 0 : i32
    return %arg0, %c0_i32 : i32, i32
  }
  func.func @transform_2(%arg0: i32) -> (i32, i32) {
    %c0_i32 = arith.constant 0 : i32
    %c0_i32_0 = arith.constant 0 : i32
    return %arg0, %c0_i32 : i32, i32
  }
  func.func @transform_3(%arg0: i32) -> (i32, i32) {
    %c0_i32 = arith.constant 0 : i32
    %c0_i32_0 = arith.constant 0 : i32
    return %arg0, %c0_i32 : i32, i32
  }
  func.func @transform_4(%arg0: i32) -> (i32, i32) {
    %c0_i32 = arith.constant 0 : i32
    %c0_i32_0 = arith.constant 0 : i32
    return %arg0, %c0_i32 : i32, i32
  }
  func.func @transform_5(%arg0: i32) -> (i32, i32) {
    %c0_i32 = arith.constant 0 : i32
    %c0_i32_0 = arith.constant 0 : i32
    return %arg0, %c0_i32 : i32, i32
  }
}

</mosaic_0001>

<sc_bundles>
// kernel: kernel.10.cloned.1.call-start
scs
__scs_entry_jumppad:
0x0: {  	(pc) =	sbr.rel $0x88, $3  }
0x1: {  	(tag) =	ssettag $0x0;
	lr =	simm.s32 $0x1  }
0x2: {  	[smem:$0x3F94] =	sst lr;
	_ =	strace $0xD0000000  }
0x3: {  	_ = 	snop  }
0x4: {  	_ = 	snop  }
0x5: {  	_ = 	snop  }
0x6: {  	_ = 	snop  }
0x7: {  	_ = 	snop  }
__scs_overlays_trampoline_lowered:
0x8: {  	[smem:$0x3FA3] =	sst s0  }
0x9: {  	[smem:$0x3FA4] =	sst s1  }
0xa: {  	[smem:$0x3FA5] =	sst s2  }
0xb: {  	[smem:$0x3FA6] =	sst s3  }
0xc: {  	[smem:$0x3FA7] =	sst s4  }
0xd: {  	[smem:$0x3FA8] =	sst s5  }
0xe: {  	[smem:$0x3FA9] =	sst s6  }
0xf: {  	[smem:$0x3FAA] =	sst s7  }
0x10: {  	[smem:$0x3FAB] =	sst s8  }
0x11: {  	[smem:$0x3FAC] =	sst s9;
	s0 =	simm.s32 @!p0 $0x0  }
0x12: {  	s1 =	sld [smem:$0x3F92];
	s0 =	simm.s32 @p0 $0x1  }
0x13: {  	[smem:$0x3FAD] =	sst s0;
	s0 =	simm.s32 @!p1 $0x0  }
0x14: {  	s2 =	sld [smem:$0x3F91];
	s0 =	simm.s32 @p1 $0x1  }
0x15: {  	[smem:$0x3FAE] =	sst s0;
	s0 =	simm.s32 @!p2 $0x0  }
0x16: {  	s3 =	sld [smem:$0x3FDB];
	s0 =	simm.s32 @p2 $0x1  }
0x17: {  	s4 =	simm.s32 $0x1BF5;
	[smem:$0x3FB0] =	sst s0  }
0x18: {  	s0 =	sld [smem:$0x3F93];
	_ =	swait.ge [sflag:s4], $0x0  }
0x19: {  	s7 =	sld [smem:$0x3F94]  }
0x1a: {  	s8 =	sadd.s32 $0xFFFFE003, lr  }
0x1b: {  	s9 =	sadd.s32 $0xFFFFFEF7, lr;
	s5 =	simm.s32 $0xFFFFFFFF;
	p2 =	slt.u32 s8, $0xFFFFF086  }
0x1c: {  	p1 =	slt.u32 s9, $0xF7A;
	s5 =	simm.s32 @!p2 $0x0  }
0x1d: {  	s5 =	simm.s32 @p1 $0x1;
	p0 =	seq.s32 s7, s2  }
0x1e: {  	s7 =	smul.u32 @!p0 $0xF7A, s2;
	p2 =	seq.s32 @!p0 s5, $0x0  }
0x1f: {  	s9 =	smul.u32 $0xF7A, s1;
	s8 =	simm.s32 @!p0 $0x1BF5;
	p2 =	por !p2, p0  }
0x20: {  	[sflag:s8] =	ssyncset.s32 @!p0 $0xFFFFF086;
	s6 =	sadd.s32 @!p0 s3, s7;
	s7 =	simm.s32 @!p0 $0x108  }
0x21: {  	s3 =	sadd.s32 s3, s9;
	s6 =	sadd.s32 @!p0 $0x88, s6;
	s7 =	simm.s32 @p2 $0x1082  }
0x22: {  	[simem:s7], [sflag:s8] =	dma.local @!p0 [hbm:s6], $0xF7A  }
0x23: {  	s9 =	sor.u32 $0xD0000000, s2;
	s6 =	simm.s32 $0x108;
	_ =	swait.ge @!p0 [sflag:s8], $0x0  }
0x24: {  	s3 =	sadd.s32 $0x88, s3;
	s6 =	simm.s32 @!p1 $0x1082;
	[sflag:s4] =	ssyncset.s32 $0xFFFFF086  }
0x25: {  	[simem:s6], [sflag:s4] =	dma.local [hbm:s3], $0xF7A  }
0x26: {  	[smem:$0x3F94] =	sst s1;
	(tag) =	ssettag s2;
	_ =	strace s9  }
0x27: {  	s1 =	sld [smem:$0x3FA4]  }
0x28: {  	s2 =	sld [smem:$0x3FA5]  }
0x29: {  	s4 =	sld [smem:$0x3FA7]  }
0x2a: {  	p0 =	seq.s32 s5, $0x0;
	s5 =	sld [smem:$0x3FA8]  }
0x2b: {  	s6 =	sld [smem:$0x3FA9]  }
0x2c: {  	s7 =	sld [smem:$0x3FAA]  }
0x2d: {  	s3 =	simm.s32 $0x108;
	s8 =	sld [smem:$0x3FAB]  }
0x2e: {  	s3 =	simm.s32 @!p0 $0x1082;
	s9 =	sld [smem:$0x3FAC]  }
0x2f: {  	lr =	sadd.s32 s0, s3;
	s0 =	sld [smem:$0x3FA3]  }
0x30: {  	s3 =	sld [smem:$0x3FA6]  }
0x31: {  	[smem:$0x3FAF] =	sst s10  }
0x32: {  	s10 =	sld [smem:$0x3FAD];
	_ =	sdelay $0x3  }
0x33: {  	p0 =	seq.s32 s10, $0x1;
	s10 =	sld [smem:$0x3FAF];
	_ =	sdelay $0x3  }
0x34: {  	[smem:$0x3FAF] =	sst s10  }
0x35: {  	s10 =	sld [smem:$0x3FAE];
	_ =	sdelay $0x3  }
0x36: {  	p1 =	seq.s32 s10, $0x1;
	s10 =	sld [smem:$0x3FAF];
	_ =	sdelay $0x3  }
0x37: {  	[smem:$0x3FAF] =	sst s10  }
0x38: {  	s10 =	sld [smem:$0x3FB0]  }
0x39: {  	_ = 	snop;
	(pc) =	sbr.ind lr, $3  }
0x3a: {  	_ = 	snop  }
0x3b: {  	_ = 	snop  }
0x3c: {  	p2 =	seq.s32 s10, $0x1;
	s10 =	sld [smem:$0x3FAF]  }
0x3d: {  	_ =	shalt  }
0x3e: {  	_ =	shalt  }
0x3f: {  	_ =	shalt  }
0x40: {  	_ =	shalt  }
0x41: {  	_ =	shalt  }
0x42: {  	_ =	shalt  }
0x43: {  	_ =	shalt  }
0x44: {  	_ =	shalt  }
0x45: {  	_ =	shalt  }
0x46: {  	_ =	shalt  }
0x47: {  	_ =	shalt  }
0x48: {  	_ =	shalt  }
0x49: {  	_ =	shalt  }
0x4a: {  	_ =	shalt  }
0x4b: {  	_ =	shalt  }
0x4c: {  	_ =	shalt  }
0x4d: {  	_ =	shalt  }
0x4e: {  	_ =	shalt  }
0x4f: {  	_ =	shalt  }
0x50: {  	_ =	shalt  }
0x51: {  	_ =	shalt  }
0x52: {  	_ =	shalt  }
0x53: {  	_ =	shalt  }
0x54: {  	_ =	shalt  }
0x55: {  	_ =	shalt  }
0x56: {  	_ =	shalt  }
0x57: {  	_ =	shalt  }
0x58: {  	_ =	shalt  }
0x59: {  	_ =	shalt  }
0x5a: {  	_ =	shalt  }
0x5b: {  	_ =	shalt  }
0x5c: {  	_ =	shalt  }
0x5d: {  	_ =	shalt  }
0x5e: {  	_ =	shalt  }
0x5f: {  	_ =	shalt  }
0x60: {  	_ =	shalt  }
0x61: {  	_ =	shalt  }
0x62: {  	_ =	shalt  }
0x63: {  	_ =	shalt  }
0x64: {  	_ =	shalt  }
0x65: {  	_ =	shalt  }
0x66: {  	_ =	shalt  }
0x67: {  	_ =	shalt  }
0x68: {  	_ =	shalt  }
0x69: {  	_ =	shalt  }
0x6a: {  	_ =	shalt  }
0x6b: {  	_ =	shalt  }
0x6c: {  	_ =	shalt  }
0x6d: {  	_ =	shalt  }
0x6e: {  	_ =	shalt  }
0x6f: {  	_ =	shalt  }
0x70: {  	_ =	shalt  }
0x71: {  	_ =	shalt  }
0x72: {  	_ =	shalt  }
0x73: {  	_ =	shalt  }
0x74: {  	_ =	shalt  }
0x75: {  	_ =	shalt  }
0x76: {  	_ =	shalt  }
0x77: {  	_ =	shalt  }
0x78: {  	_ =	shalt  }
0x79: {  	_ =	shalt  }
0x7a: {  	_ =	shalt  }
0x7b: {  	_ =	shalt  }
0x7c: {  	_ =	shalt  }
0x7d: {  	_ =	shalt  }
0x7e: {  	_ =	shalt  }
0x7f: {  	_ =	shalt  }
0x80: {  	_ =	shalt  }
0x81: {  	_ =	shalt  }
0x82: {  	_ =	shalt  }
0x83: {  	_ =	shalt  }
0x84: {  	_ =	shalt  }
0x85: {  	_ =	shalt  }
0x86: {  	_ =	shalt  }
0x87: {  	_ =	shalt  }
.Lfunc_end0:
.L_simem_size_0:
called_computation_lowered:
.L_overlay_start_0:
0x88: {  	s2 =	sld [smem:$0x3FD9]  }
0x89: {  	s3 =	sld [smem:$0x3FFE];
	_ =	sdelay $0x1  }
0x8a: {  	s1 =	srdreg.scid  }
0x8b: {  	s0 =	sand.u32 $0x1, s1  }
0x8c: {  	s16 =	sshll.u32 s0, $0xA;
	s2 =	sadd.s32 s3, s2  }
0x8d: {  	s2 =	sadd.s32 s2, s16  }
0x8e: {  	[smem:$0x3FBB] =	sst s2  }
0x8f: {  	_ = 	snop  }
0x90: {  	(tm) =	ssettm $0x1  }
0x91: {  	s17 =	sld [smem:$0x3FFB];
	_ =	sdelay $0x3  }
0x92: {  	_ =	strace s17  }
0x93: {  	s2 =	sld [smem:$0x3FFC];
	_ =	sdelay $0x3  }
0x94: {  	_ =	strace s2  }
0x95: {  	s2 =	sld [smem:$0x3FFD];
	_ =	sdelay $0x3  }
0x96: {  	_ =	strace s2  }
0x97: {  	_ =	strace $0x8FFFFFFF  }
0x98: {  	s18 =	sld [smem:$0x3FDB];
	_ =	sdelay $0x1  }
0x99: {  	s19 =	simm.s32 $_scs_section_size  }
0x9a: {  	s4 =	simm.s32 $_size__tile_overlayer_lowered;
	s5 =	simm.s32 $_tile_overlayer_lowered  }
0x9b: {  	s22 =	simm.s32 $0x1BFF;
	s21 =	sshll.u32 s5, $0x1;
	s2 =	sadd.s32 s19, s18  }
0x9c: {  	s6 =	simm.s32 $0x0;
	s20 =	sshll.u32 s4, $0x1;
	s4 =	sadd.s32 s21, s2  }
0x9d: {  	[timem:s6], [sflag:s22] =	dma.local [hbm:s4], s20  }
0x9e: {  	_ =	swait.ge [sflag:s22], s20  }
0x9f: {  	s3 =	ssub.s32 $0x0, s20;
	[sflag:s22] =	ssyncset.done $0x0  }
0xa0: {  	[sflag:s22] =	ssyncadd.s32 s3;
	_ =	sdelay $0x1  }
0xa1: {  	s23 =	simm.s32 $0x1B8B  }
0xa2: {  	_ =	swait.ge [sflag:s23], $0x1  }
0xa3: {  	[sflag:s23] =	ssyncset.done $0x0  }
0xa4: {  	s25 =	simm.s32 $0x1B8E;
	s24 =	sld [smem:$0x3FFE];
	[sflag:s23] =	ssyncadd.s32 $0xFFFFFFFF  }
0xa5: {  	s26 =	simm.s32 $execute0_lowered;
	[smem:$0x3FD2] =	sst s25  }
0xa6: {  	s4 =	sshll.u32 s26, $0x1;
	_ =	strace $0x80000046;
	[dreg:$0x1] =	wrdreg $0xFFFFFFFF  }
0xa7: {  	s28 =	simm.s32 $_size_execute0_lowered;
	s2 =	sadd.s32 s2, s4;
	[dreg:$0x0] =	wrdreg $0x0  }
0xa8: {  	s4 =	sshll.u32 s28, $0x1;
	[dreg:$0x2] =	wrdreg s2  }
0xa9: {  	[dreg:$0x3] =	wrdreg s4  }
0xaa: {  	[dreg:$0x4] =	wrdreg $0xC0  }
0xab: {  	_ =	task [dreg:s6], $0x5FFFF  }
0xac: {  	[dreg:$0x1] =	wrdreg $0xFFFFFFFF  }
0xad: {  	[dreg:$0x0] =	wrdreg $0x60  }
0xae: {  	[dreg:$0x2] =	wrdreg s24  }
0xaf: {  	[dreg:$0x3] =	wrdreg $0x9  }
0xb0: {  	_ =	task.clear_ibuf [dreg:s6], $0x4FFFF;
	_ =	strace $0x90000046  }
0xb1: {  	s29 =	simm.s32 $0x9;
	_ =	strace $0x80000048  }
0xb2: {  	_ =	swait.ge [sflag:s29], $0x1  }
0xb3: {  	[sflag:s29] =	ssyncadd.s32 $0xFFFFFFFF  }
0xb4: {  	_ =	strace $0x90000048  }
0xb5: {  	_ =	sfence  }
0xb6: {  	s30 =	sld [smem:$0x0];
	_ =	sdelay $0x2  }
0xb7: {  	s31 =	sshll.u32 s1, $0xD;
	s1 =	sshrl.u32 s1, $0x2  }
0xb8: {  	s3 =	sand.u32 $0x4000, s31;
	s1 =	sadd.s32 s1, s30  }
0xb9: {  	s0 =	sor.u32 s3, s0;
	s1 =	sshll.u32 s1, $0x11  }
0xba: {  	s0 =	sor.u32 s1, s0  }
0xbb: {  	s0 =	sadd.s32 $0x8F2B, s0  }
0xbc: {  	[sflag:s0] =	ssyncadd.remote.s32 $0x1  }
0xbd: {  	_ =	sfence.sel $0xFFFF  }
0xbe: {  	[dreg:$0x0] =	wrdreg $0xFFFFFFFF;
	(pc) =	sbr.abs _section_cstart, $3  }
0xbf: {  	[dreg:$0x1] =	wrdreg $0xFFFFFFFF  }
0xc0: {  	_ =	task.clear_ibuf [dreg:s6], $0x2FFFF;
	_ =	strace $0x9FFFFFFF  }
0xc1: {  	(tm) =	ssettm $0x7FFFFFFF  }
tec
execute0_lowered:
.L_overlay_start_1:
0x0: {  	(tag) =	ssettag $0x1  }
0x1: {  	s0 =	rddreg [dreg:$0x0]  }
0x2: {  	s1 =	srdreg.scid;
	s3 =	stileid.u32;
	s2 =	simm.s32 $0x0  }
0x3: {  	s26 =	simm.s32 $0x80;
	s15 =	simm.s32 $0x1;
	s18 =	simm.s32 $0x1100  }
0x4: {  	s19 =	simm.s32 $0x1900;
	s20 =	simm.s32 $0x2100;
	s21 =	simm.s32 $0x2900  }
0x5: {  	s22 =	simm.s32 $0x3100;
	s23 =	simm.s32 $0x3900;
	s24 =	simm.s32 $0x4100  }
0x6: {  	s28 =	simm.s32 $0x5900;
	s29 =	simm.s32 $0x6100;
	s30 =	simm.s32 $0x6900  }
0x7: {  	s31 =	simm.s32 $0x7100;
	s11 =	simm.s32 $0x8900;
	s12 =	simm.s32 $0x9100  }
0x8: {  	s13 =	simm.s32 $0x9900;
	s14 =	simm.s32 $0xA100;
	s10 =	simm.s32 $0xA900  }
0x9: {  	s1 =	sand.u32 $0x1, s1;
	s3 =	sshll.u32 s3, $0x5;
	[smem:$0x7FF] =	sst s2  }
0xa: {  	s7 =	sadd.s32 $0x44700, s0;
	s8 =	sadd.s32 $0x44800, s0;
	s4 =	sshll.u32 s1, $0x4  }
0xb: {  	_ =	strace $0x80000047;
	s1 =	ssub.s32 $0x2, s1;
	[dreg:$0x4] =	wrdreg s26  }
0xc: {  	s26 =	simm.s32 $0x5100;
	s3 =	sor.u32 s4, s3;
	s6 =	sshrl.u32 s1, $0x1  }
0xd: {  	s4 =	sadd.s32 s3, s0;
	s3 =	sadd.s32 $0x3A00, s0;
	s1 =	ssub.s32 s1, s6  }
0xe: {  	v2 =	vlaneseq.u32;
	s6 =	sadd.s32 $0x3C00, s0;
	s5 =	sadd.s32 $0x44200, s4;
	s25 =	sadd.s32 $0x44400, s4  }
0xf: {  	vm0 =	vmmov $0xffff;
	v1 =	vshrl.u32 v2, $0x3;
	s4 =	sadd.s32 $0x44600, s0;
	s9 =	smax.u32 s1, $0x1;
	[dreg:$0x2] =	wrdreg s5  }
0x10: {  	v0 =	vand.u32 $0x7, v2;
	v2 =	vor.u32 $0x8, v2;
	v1 =	vmul.u32 $0x8, v1;
	[dreg:$0x3] =	wrdreg s25;
	s5 =	sadd.s32 $0x3B00, s0;
	s25 =	simm.s32 $0x4900  }
.LBB2_1:
0x11: {  	s16 =	rddreg [dreg:$0x2];
	s0 =	simm.s32 $0x2  }
0x12: {  	[tilespmem:s2], [sflag:$0x2] =	stream.linear.gather [hbm4b:s16+s2], $0x80, $0x38;
	[tilespmem:$0x18100] =	vst v63  }
0x13: {  	_ =	swait.ge [sflag:s0], $0x80  }
0x14: {  	s1 =	rddreg [dreg:$0x3];
	[sflag:s0] =	ssyncset.done $0x0  }
0x15: {  	s17 =	rddreg [dreg:$0x4];
	[sflag:s0] =	ssyncadd.s32 $0xFFFFFF80  }
0x16: {  	[tilespmem:s17], [sflag:$0x2] =	stream.linear.gather [hbm4b:s1+s2], $0x80, $0x38;
	[tilespmem:$0x18100] =	vst v63  }
0x17: {  	_ =	swait.ge [sflag:s0], $0x80  }
0x18: {  	[sflag:s0] =	ssyncset.done $0x0  }
0x19: {  	[sflag:s0] =	ssyncadd.s32 $0xFFFFFF80  }
0x1a: {  	v3 =	vld [tilespmem:$0x0];
	_ =	sdelay $0x4  }
0x1b: {  	v4 =	vshrl.u32 v3, $0x3  }
0x1c: {  	v4 =	vmul.u32 $0x30, v4  }
0x1d: {  	v3 =	vand.u32 $0x7, v3  }
0x1e: {  	v3 =	vor.u32 v3, v4  }
0x1f: {  	v4 =	vperm.xlane v3, v0;
	_ =	sdelay $0x1  }
0x20: {  	v4 =	vadd.s32 v1, v4;
	_ =	sdelay $0x3  }
0x21: {  	s16 =	simm.s32 $0x100;
	v3 =	vperm.xlane v3, v2  }
0x22: {  	[tilespmem:s16], [sflag:$0x1] =	stream.indirect_vreg.gather [hbm4b:s3+s2], $0x80, v4, vm0, $0xb8;
	[tilespmem:$0x18100] =	vst v63  }
0x23: {  	s17 =	simm.s32 $0x900;
	v3 =	vadd.s32 v1, v3  }
0x24: {  	[tilespmem:s17], [sflag:$0x1] =	stream.indirect_vreg.gather [hbm4b:s5+s2], $0x80, v4, vm0, $0xb8;
	[tilespmem:$0x18100] =	vst v63  }
0x25: {  	_ = 	snop  }
0x26: {  	[tilespmem:s18], [sflag:$0x1] =	stream.indirect_vreg.gather [hbm4b:s6+s2], $0x80, v4, vm0, $0xb8;
	[tilespmem:$0x18100] =	vst v63  }
0x27: {  	_ = 	snop  }
0x28: {  	[tilespmem:s19], [sflag:$0x1] =	stream.indirect_vreg.gather [hbm4b:s3+s2], $0x80, v3, vm0, $0xb8;
	[tilespmem:$0x18100] =	vst v63  }
0x29: {  	_ = 	snop  }
0x2a: {  	[tilespmem:s20], [sflag:$0x1] =	stream.indirect_vreg.gather [hbm4b:s5+s2], $0x80, v3, vm0, $0xb8;
	[tilespmem:$0x18100] =	vst v63  }
0x2b: {  	_ = 	snop  }
0x2c: {  	[tilespmem:s21], [sflag:$0x1] =	stream.indirect_vreg.gather [hbm4b:s6+s2], $0x80, v3, vm0, $0xb8;
	[tilespmem:$0x18100] =	vst v63  }
0x2d: {  	v3 =	vld [tilespmem:$0x10];
	_ =	sdelay $0x4  }
0x2e: {  	v49 =	vshrl.u32 v3, $0x3  }
0x2f: {  	v4 =	vmul.u32 $0x30, v49  }
0x30: {  	v3 =	vand.u32 $0x7, v3  }
0x31: {  	v3 =	vor.u32 v3, v4  }
0x32: {  	v4 =	vperm.xlane v3, v0;
	_ =	sdelay $0x1  }
0x33: {  	v4 =	vadd.s32 v1, v4;
	_ =	sdelay $0x3  }
0x34: {  	v3 =	vperm.xlane v3, v2  }
0x35: {  	[tilespmem:s22], [sflag:$0x1] =	stream.indirect_vreg.gather [hbm4b:s3+s2], $0x80, v4, vm0, $0xb8;
	[tilespmem:$0x18100] =	vst v63  }
0x36: {  	v3 =	vadd.s32 v1, v3  }
0x37: {  	[tilespmem:s23], [sflag:$0x1] =	stream.indirect_vreg.gather [hbm4b:s5+s2], $0x80, v4, vm0, $0xb8;
	[tilespmem:$0x18100] =	vst v63  }
0x38: {  	_ = 	snop  }
0x39: {  	[tilespmem:s24], [sflag:$0x1] =	stream.indirect_vreg.gather [hbm4b:s6+s2], $0x80, v4, vm0, $0xb8;
	[tilespmem:$0x18100] =	vst v63  }
0x3a: {  	_ = 	snop  }
0x3b: {  	[tilespmem:s25], [sflag:$0x1] =	stream.indirect_vreg.gather [hbm4b:s3+s2], $0x80, v3, vm0, $0xb8;
	[tilespmem:$0x18100] =	vst v63  }
0x3c: {  	_ = 	snop  }
0x3d: {  	[tilespmem:s26], [sflag:$0x1] =	stream.indirect_vreg.gather [hbm4b:s5+s2], $0x80, v3, vm0, $0xb8;
	[tilespmem:$0x18100] =	vst v63  }
0x3e: {  	_ = 	snop  }
0x3f: {  	[tilespmem:s28], [sflag:$0x1] =	stream.indirect_vreg.gather [hbm4b:s6+s2], $0x80, v3, vm0, $0xb8;
	[tilespmem:$0x18100] =	vst v63  }
0x40: {  	v3 =	vld [tilespmem:$0x20];
	_ =	sdelay $0x4  }
0x41: {  	v50 =	vshrl.u32 v3, $0x3  }
0x42: {  	v4 =	vmul.u32 $0x30, v50  }
0x43: {  	v3 =	vand.u32 $0x7, v3  }
0x44: {  	v3 =	vor.u32 v3, v4  }
0x45: {  	v4 =	vperm.xlane v3, v0;
	_ =	sdelay $0x1  }
0x46: {  	v4 =	vadd.s32 v1, v4;
	_ =	sdelay $0x3  }
0x47: {  	v3 =	vperm.xlane v3, v2  }
0x48: {  	[tilespmem:s29], [sflag:$0x1] =	stream.indirect_vreg.gather [hbm4b:s3+s2], $0x80, v4, vm0, $0xb8;
	[tilespmem:$0x18100] =	vst v63  }
0x49: {  	v3 =	vadd.s32 v1, v3  }
0x4a: {  	[tilespmem:s30], [sflag:$0x1] =	stream.indirect_vreg.gather [hbm4b:s5+s2], $0x80, v4, vm0, $0xb8;
	[tilespmem:$0x18100] =	vst v63  }
0x4b: {  	_ = 	snop  }
0x4c: {  	[tilespmem:s31], [sflag:$0x1] =	stream.indirect_vreg.gather [hbm4b:s6+s2], $0x80, v4, vm0, $0xb8;
	[tilespmem:$0x18100] =	vst v63  }
0x4d: {  	s1 =	simm.s32 $0x7900  }
0x4e: {  	[tilespmem:s1], [sflag:$0x1] =	stream.indirect_vreg.gather [hbm4b:s3+s2], $0x80, v3, vm0, $0xb8;
	[tilespmem:$0x18100] =	vst v63  }
0x4f: {  	s1 =	simm.s32 $0x8100  }
0x50: {  	[tilespmem:s1], [sflag:$0x1] =	stream.indirect_vreg.gather [hbm4b:s5+s2], $0x80, v3, vm0, $0xb8;
	[tilespmem:$0x18100] =	vst v63  }
0x51: {  	_ = 	snop  }
0x52: {  	[tilespmem:s11], [sflag:$0x1] =	stream.indirect_vreg.gather [hbm4b:s6+s2], $0x80, v3, vm0, $0xb8;
	[tilespmem:$0x18100] =	vst v63  }
0x53: {  	v3 =	vld [tilespmem:$0x30];
	_ =	sdelay $0x4  }
0x54: {  	v51 =	vshrl.u32 v3, $0x3  }
0x55: {  	v4 =	vmul.u32 $0x30, v51  }
0x56: {  	v3 =	vand.u32 $0x7, v3  }
0x57: {  	v3 =	vor.u32 v3, v4  }
0x58: {  	v4 =	vperm.xlane v3, v0;
	_ =	sdelay $0x1  }
0x59: {  	v4 =	vadd.s32 v1, v4;
	_ =	sdelay $0x3  }
0x5a: {  	v3 =	vperm.xlane v3, v2  }
0x5b: {  	[tilespmem:s12], [sflag:$0x1] =	stream.indirect_vreg.gather [hbm4b:s3+s2], $0x80, v4, vm0, $0xb8;
	[tilespmem:$0x18100] =	vst v63  }
0x5c: {  	v3 =	vadd.s32 v1, v3  }
0x5d: {  	[tilespmem:s13], [sflag:$0x1] =	stream.indirect_vreg.gather [hbm4b:s5+s2], $0x80, v4, vm0, $0xb8;
	[tilespmem:$0x18100] =	vst v63  }
0x5e: {  	_ = 	snop  }
0x5f: {  	[tilespmem:s14], [sflag:$0x1] =	stream.indirect_vreg.gather [hbm4b:s6+s2], $0x80, v4, vm0, $0xb8;
	[tilespmem:$0x18100] =	vst v63  }
0x60: {  	_ = 	snop  }
0x61: {  	[tilespmem:s10], [sflag:$0x1] =	stream.indirect_vreg.gather [hbm4b:s3+s2], $0x80, v3, vm0, $0xb8;
	[tilespmem:$0x18100] =	vst v63  }
0x62: {  	s0 =	simm.s32 $0xB100  }
0x63: {  	[tilespmem:s0], [sflag:$0x1] =	stream.indirect_vreg.gather [hbm4b:s5+s2], $0x80, v3, vm0, $0xb8;
	[tilespmem:$0x18100] =	vst v63  }
0x64: {  	s0 =	simm.s32 $0xB900  }
0x65: {  	[tilespmem:s0], [sflag:$0x1] =	stream.indirect_vreg.gather [hbm4b:s6+s2], $0x80, v3, vm0, $0xb8;
	[tilespmem:$0x18100] =	vst v63  }
0x66: {  	v3 =	vld [tilespmem:$0x40];
	_ =	sdelay $0x4  }
0x67: {  	v52 =	vshrl.u32 v3, $0x3  }
0x68: {  	v4 =	vmul.u32 $0x30, v52  }
0x69: {  	v3 =	vand.u32 $0x7, v3  }
0x6a: {  	v3 =	vor.u32 v3, v4  }
0x6b: {  	v4 =	vperm.xlane v3, v0;
	_ =	sdelay $0x1  }
0x6c: {  	v4 =	vadd.s32 v1, v4;
	_ =	sdelay $0x3  }
0x6d: {  	s0 =	simm.s32 $0xC100;
	v3 =	vperm.xlane v3, v2  }
0x6e: {  	[tilespmem:s0], [sflag:$0x1] =	stream.indirect_vreg.gather [hbm4b:s3+s2], $0x80, v4, vm0, $0xb8;
	[tilespmem:$0x18100] =	vst v63  }
0x6f: {  	v3 =	vadd.s32 v1, v3;
	s0 =	simm.s32 $0xC900  }
0x70: {  	[tilespmem:s0], [sflag:$0x1] =	stream.indirect_vreg.gather [hbm4b:s5+s2], $0x80, v4, vm0, $0xb8;
	[tilespmem:$0x18100] =	vst v63  }
0x71: {  	s0 =	simm.s32 $0xD100  }
0x72: {  	[tilespmem:s0], [sflag:$0x1] =	stream.indirect_vreg.gather [hbm4b:s6+s2], $0x80, v4, vm0, $0xb8;
	[tilespmem:$0x18100] =	vst v63  }
0x73: {  	s0 =	simm.s32 $0xD900  }
0x74: {  	[tilespmem:s0], [sflag:$0x1] =	stream.indirect_vreg.gather [hbm4b:s3+s2], $0x80, v3, vm0, $0xb8;
	[tilespmem:$0x18100] =	vst v63  }
0x75: {  	s0 =	simm.s32 $0xE100  }
0x76: {  	[tilespmem:s0], [sflag:$0x1] =	stream.indirect_vreg.gather [hbm4b:s5+s2], $0x80, v3, vm0, $0xb8;
	[tilespmem:$0x18100] =	vst v63  }
0x77: {  	s0 =	simm.s32 $0xE900  }
0x78: {  	[tilespmem:s0], [sflag:$0x1] =	stream.indirect_vreg.gather [hbm4b:s6+s2], $0x80, v3, vm0, $0xb8;
	[tilespmem:$0x18100] =	vst v63  }
0x79: {  	v3 =	vld [tilespmem:$0x50];
	_ =	sdelay $0x4  }
0x7a: {  	v53 =	vshrl.u32 v3, $0x3  }
0x7b: {  	v4 =	vmul.u32 $0x30, v53  }
0x7c: {  	v3 =	vand.u32 $0x7, v3  }
0x7d: {  	v3 =	vor.u32 v3, v4  }
0x7e: {  	v4 =	vperm.xlane v3, v0;
	_ =	sdelay $0x1  }
0x7f: {  	v4 =	vadd.s32 v1, v4;
	_ =	sdelay $0x3  }
0x80: {  	s0 =	simm.s32 $0xF100;
	v3 =	vperm.xlane v3, v2  }
0x81: {  	[tilespmem:s0], [sflag:$0x1] =	stream.indirect_vreg.gather [hbm4b:s3+s2], $0x80, v4, vm0, $0xb8;
	[tilespmem:$0x18100] =	vst v63  }
0x82: {  	v3 =	vadd.s32 v1, v3;
	s0 =	simm.s32 $0xF900  }
0x83: {  	[tilespmem:s0], [sflag:$0x1] =	stream.indirect_vreg.gather [hbm4b:s5+s2], $0x80, v4, vm0, $0xb8;
	[tilespmem:$0x18100] =	vst v63  }
0x84: {  	s0 =	simm.s32 $0x10100  }
0x85: {  	[tilespmem:s0], [sflag:$0x1] =	stream.indirect_vreg.gather [hbm4b:s6+s2], $0x80, v4, vm0, $0xb8;
	[tilespmem:$0x18100] =	vst v63  }
0x86: {  	s0 =	simm.s32 $0x10900  }
0x87: {  	[tilespmem:s0], [sflag:$0x1] =	stream.indirect_vreg.gather [hbm4b:s3+s2], $0x80, v3, vm0, $0xb8;
	[tilespmem:$0x18100] =	vst v63  }
0x88: {  	s0 =	simm.s32 $0x11100  }
0x89: {  	[tilespmem:s0], [sflag:$0x1] =	stream.indirect_vreg.gather [hbm4b:s5+s2], $0x80, v3, vm0, $0xb8;
	[tilespmem:$0x18100] =	vst v63  }
0x8a: {  	s0 =	simm.s32 $0x11900  }
0x8b: {  	[tilespmem:s0], [sflag:$0x1] =	stream.indirect_vreg.gather [hbm4b:s6+s2], $0x80, v3, vm0, $0xb8;
	[tilespmem:$0x18100] =	vst v63  }
0x8c: {  	v3 =	vld [tilespmem:$0x60];
	_ =	sdelay $0x4  }
0x8d: {  	v54 =	vshrl.u32 v3, $0x3  }
0x8e: {  	v4 =	vmul.u32 $0x30, v54  }
0x8f: {  	v3 =	vand.u32 $0x7, v3  }
0x90: {  	v3 =	vor.u32 v3, v4  }
0x91: {  	v4 =	vperm.xlane v3, v0;
	_ =	sdelay $0x1  }
0x92: {  	v4 =	vadd.s32 v1, v4;
	_ =	sdelay $0x3  }
0x93: {  	s0 =	simm.s32 $0x12100;
	v3 =	vperm.xlane v3, v2  }
0x94: {  	[tilespmem:s0], [sflag:$0x1] =	stream.indirect_vreg.gather [hbm4b:s3+s2], $0x80, v4, vm0, $0xb8;
	[tilespmem:$0x18100] =	vst v63  }
0x95: {  	v3 =	vadd.s32 v1, v3;
	s0 =	simm.s32 $0x12900  }
0x96: {  	[tilespmem:s0], [sflag:$0x1] =	stream.indirect_vreg.gather [hbm4b:s5+s2], $0x80, v4, vm0, $0xb8;
	[tilespmem:$0x18100] =	vst v63  }
0x97: {  	s0 =	simm.s32 $0x13100  }
0x98: {  	[tilespmem:s0], [sflag:$0x1] =	stream.indirect_vreg.gather [hbm4b:s6+s2], $0x80, v4, vm0, $0xb8;
	[tilespmem:$0x18100] =	vst v63  }
0x99: {  	s0 =	simm.s32 $0x13900  }
0x9a: {  	[tilespmem:s0], [sflag:$0x1] =	stream.indirect_vreg.gather [hbm4b:s3+s2], $0x80, v3, vm0, $0xb8;
	[tilespmem:$0x18100] =	vst v63  }
0x9b: {  	s0 =	simm.s32 $0x14100  }
0x9c: {  	[tilespmem:s0], [sflag:$0x1] =	stream.indirect_vreg.gather [hbm4b:s5+s2], $0x80, v3, vm0, $0xb8;
	[tilespmem:$0x18100] =	vst v63  }
0x9d: {  	s0 =	simm.s32 $0x14900  }
0x9e: {  	[tilespmem:s0], [sflag:$0x1] =	stream.indirect_vreg.gather [hbm4b:s6+s2], $0x80, v3, vm0, $0xb8;
	[tilespmem:$0x18100] =	vst v63  }
0x9f: {  	v3 =	vld [tilespmem:$0x70];
	_ =	sdelay $0x4  }
0xa0: {  	v55 =	vshrl.u32 v3, $0x3  }
0xa1: {  	v4 =	vmul.u32 $0x30, v55  }
0xa2: {  	v3 =	vand.u32 $0x7, v3  }
0xa3: {  	v3 =	vor.u32 v3, v4  }
0xa4: {  	v4 =	vperm.xlane v3, v0;
	_ =	sdelay $0x1  }
0xa5: {  	v4 =	vadd.s32 v1, v4;
	_ =	sdelay $0x3  }
0xa6: {  	s0 =	simm.s32 $0x15100;
	v3 =	vperm.xlane v3, v2  }
0xa7: {  	[tilespmem:s0], [sflag:$0x1] =	stream.indirect_vreg.gather [hbm4b:s3+s2], $0x80, v4, vm0, $0xb8;
	[tilespmem:$0x18100] =	vst v63  }
0xa8: {  	v3 =	vadd.s32 v1, v3;
	s0 =	simm.s32 $0x15900  }
0xa9: {  	[tilespmem:s0], [sflag:$0x1] =	stream.indirect_vreg.gather [hbm4b:s5+s2], $0x80, v4, vm0, $0xb8;
	[tilespmem:$0x18100] =	vst v63  }
0xaa: {  	s0 =	simm.s32 $0x16100  }
0xab: {  	[tilespmem:s0], [sflag:$0x1] =	stream.indirect_vreg.gather [hbm4b:s6+s2], $0x80, v4, vm0, $0xb8;
	[tilespmem:$0x18100] =	vst v63  }
0xac: {  	s0 =	simm.s32 $0x16900  }
0xad: {  	[tilespmem:s0], [sflag:$0x1] =	stream.indirect_vreg.gather [hbm4b:s3+s2], $0x80, v3, vm0, $0xb8;
	[tilespmem:$0x18100] =	vst v63  }
0xae: {  	s0 =	simm.s32 $0x17100  }
0xaf: {  	[tilespmem:s0], [sflag:$0x1] =	stream.indirect_vreg.gather [hbm4b:s5+s2], $0x80, v3, vm0, $0xb8;
	[tilespmem:$0x18100] =	vst v63  }
0xb0: {  	s0 =	simm.s32 $0x17900  }
0xb1: {  	[tilespmem:s0], [sflag:$0x1] =	stream.indirect_vreg.gather [hbm4b:s6+s2], $0x80, v3, vm0, $0xb8;
	[tilespmem:$0x18100] =	vst v63  }
0xb2: {  	_ =	swait.ge [sflag:s15], $0x18000  }
0xb3: {  	[sflag:s15] =	ssyncset.done $0x0  }
0xb4: {  	[sflag:s15] =	ssyncadd.s32 $0xFFFE8000  }
0xb5: {  	v3 =	vld [tilespmem:$0x80];
	_ =	sdelay $0x4  }
0xb6: {  	v56 =	vshrl.u32 v3, $0x3  }
0xb7: {  	v4 =	vmul.u32 $0x30, v56  }
0xb8: {  	v3 =	vand.u32 $0x7, v3  }
0xb9: {  	v3 =	vor.u32 v3, v4  }
0xba: {  	v4 =	vperm.xlane v3, v0;
	_ =	sdelay $0x1  }
0xbb: {  	v4 =	vadd.s32 v1, v4;
	_ =	sdelay $0x3  }
0xbc: {  	v3 =	vperm.xlane v3, v2  }
0xbd: {  	[hbm4b:s4+s2] =	stream.indirect_vreg.scatter [tilespmem:s16], [sflag:$0x1], $0x80, v4, vm0, $0xb8;
	[tilespmem:$0x18100] =	vst v63  }
0xbe: {  	v3 =	vadd.s32 v1, v3  }
0xbf: {  	[hbm4b:s7+s2] =	stream.indirect_vreg.scatter [tilespmem:s17], [sflag:$0x1], $0x80, v4, vm0, $0xb8;
	[tilespmem:$0x18100] =	vst v63  }
0xc0: {  	_ = 	snop  }
0xc1: {  	[hbm4b:s8+s2] =	stream.indirect_vreg.scatter [tilespmem:s18], [sflag:$0x1], $0x80, v4, vm0, $0xb8;
	[tilespmem:$0x18100] =	vst v63  }
0xc2: {  	_ = 	snop  }
0xc3: {  	[hbm4b:s4+s2] =	stream.indirect_vreg.scatter [tilespmem:s19], [sflag:$0x1], $0x80, v3, vm0, $0xb8;
	[tilespmem:$0x18100] =	vst v63  }
0xc4: {  	_ = 	snop  }
0xc5: {  	[hbm4b:s7+s2] =	stream.indirect_vreg.scatter [tilespmem:s20], [sflag:$0x1], $0x80, v3, vm0, $0xb8;
	[tilespmem:$0x18100] =	vst v63  }
0xc6: {  	_ = 	snop  }
0xc7: {  	[hbm4b:s8+s2] =	stream.indirect_vreg.scatter [tilespmem:s21], [sflag:$0x1], $0x80, v3, vm0, $0xb8;
	[tilespmem:$0x18100] =	vst v63  }
0xc8: {  	v3 =	vld [tilespmem:$0x90];
	_ =	sdelay $0x4  }
0xc9: {  	v57 =	vshrl.u32 v3, $0x3  }
0xca: {  	v4 =	vmul.u32 $0x30, v57  }
0xcb: {  	v3 =	vand.u32 $0x7, v3  }
0xcc: {  	v3 =	vor.u32 v3, v4  }
0xcd: {  	v4 =	vperm.xlane v3, v0;
	_ =	sdelay $0x1  }
0xce: {  	v4 =	vadd.s32 v1, v4;
	_ =	sdelay $0x3  }
0xcf: {  	v3 =	vperm.xlane v3, v2  }
0xd0: {  	[hbm4b:s4+s2] =	stream.indirect_vreg.scatter [tilespmem:s22], [sflag:$0x1], $0x80, v4, vm0, $0xb8;
	[tilespmem:$0x18100] =	vst v63  }
0xd1: {  	v3 =	vadd.s32 v1, v3  }
0xd2: {  	[hbm4b:s7+s2] =	stream.indirect_vreg.scatter [tilespmem:s23], [sflag:$0x1], $0x80, v4, vm0, $0xb8;
	[tilespmem:$0x18100] =	vst v63  }
0xd3: {  	_ = 	snop  }
0xd4: {  	[hbm4b:s8+s2] =	stream.indirect_vreg.scatter [tilespmem:s24], [sflag:$0x1], $0x80, v4, vm0, $0xb8;
	[tilespmem:$0x18100] =	vst v63  }
0xd5: {  	_ = 	snop  }
0xd6: {  	[hbm4b:s4+s2] =	stream.indirect_vreg.scatter [tilespmem:s25], [sflag:$0x1], $0x80, v3, vm0, $0xb8;
	[tilespmem:$0x18100] =	vst v63  }
0xd7: {  	_ = 	snop  }
0xd8: {  	[hbm4b:s7+s2] =	stream.indirect_vreg.scatter [tilespmem:s26], [sflag:$0x1], $0x80, v3, vm0, $0xb8;
	[tilespmem:$0x18100] =	vst v63  }
0xd9: {  	_ = 	snop  }
0xda: {  	[hbm4b:s8+s2] =	stream.indirect_vreg.scatter [tilespmem:s28], [sflag:$0x1], $0x80, v3, vm0, $0xb8;
	[tilespmem:$0x18100] =	vst v63  }
0xdb: {  	v3 =	vld [tilespmem:$0xA0];
	_ =	sdelay $0x4  }
0xdc: {  	v58 =	vshrl.u32 v3, $0x3  }
0xdd: {  	v4 =	vmul.u32 $0x30, v58  }
0xde: {  	v3 =	vand.u32 $0x7, v3  }
0xdf: {  	v3 =	vor.u32 v3, v4  }
0xe0: {  	v4 =	vperm.xlane v3, v0;
	_ =	sdelay $0x1  }
0xe1: {  	v4 =	vadd.s32 v1, v4;
	_ =	sdelay $0x3  }
0xe2: {  	v3 =	vperm.xlane v3, v2  }
0xe3: {  	[hbm4b:s4+s2] =	stream.indirect_vreg.scatter [tilespmem:s29], [sflag:$0x1], $0x80, v4, vm0, $0xb8;
	[tilespmem:$0x18100] =	vst v63  }
0xe4: {  	v3 =	vadd.s32 v1, v3  }
0xe5: {  	[hbm4b:s7+s2] =	stream.indirect_vreg.scatter [tilespmem:s30], [sflag:$0x1], $0x80, v4, vm0, $0xb8;
	[tilespmem:$0x18100] =	vst v63  }
0xe6: {  	_ = 	snop  }
0xe7: {  	[hbm4b:s8+s2] =	stream.indirect_vreg.scatter [tilespmem:s31], [sflag:$0x1], $0x80, v4, vm0, $0xb8;
	[tilespmem:$0x18100] =	vst v63  }
0xe8: {  	s17 =	simm.s32 $0x7900  }
0xe9: {  	[hbm4b:s4+s2] =	stream.indirect_vreg.scatter [tilespmem:s17], [sflag:$0x1], $0x80, v3, vm0, $0xb8;
	[tilespmem:$0x18100] =	vst v63  }
0xea: {  	_ = 	snop  }
0xeb: {  	[hbm4b:s7+s2] =	stream.indirect_vreg.scatter [tilespmem:s1], [sflag:$0x1], $0x80, v3, vm0, $0xb8;
	[tilespmem:$0x18100] =	vst v63  }
0xec: {  	_ = 	snop  }
0xed: {  	[hbm4b:s8+s2] =	stream.indirect_vreg.scatter [tilespmem:s11], [sflag:$0x1], $0x80, v3, vm0, $0xb8;
	[tilespmem:$0x18100] =	vst v63  }
0xee: {  	v3 =	vld [tilespmem:$0xB0];
	_ =	sdelay $0x4  }
0xef: {  	v59 =	vshrl.u32 v3, $0x3  }
0xf0: {  	v4 =	vmul.u32 $0x30, v59  }
0xf1: {  	v3 =	vand.u32 $0x7, v3  }
0xf2: {  	v3 =	vor.u32 v3, v4  }
0xf3: {  	v4 =	vperm.xlane v3, v0;
	_ =	sdelay $0x1  }
0xf4: {  	v4 =	vadd.s32 v1, v4;
	_ =	sdelay $0x3  }
0xf5: {  	v3 =	vperm.xlane v3, v2  }
0xf6: {  	[hbm4b:s4+s2] =	stream.indirect_vreg.scatter [tilespmem:s12], [sflag:$0x1], $0x80, v4, vm0, $0xb8;
	[tilespmem:$0x18100] =	vst v63  }
0xf7: {  	v3 =	vadd.s32 v1, v3  }
0xf8: {  	[hbm4b:s7+s2] =	stream.indirect_vreg.scatter [tilespmem:s13], [sflag:$0x1], $0x80, v4, vm0, $0xb8;
	[tilespmem:$0x18100] =	vst v63  }
0xf9: {  	_ = 	snop  }
0xfa: {  	[hbm4b:s8+s2] =	stream.indirect_vreg.scatter [tilespmem:s14], [sflag:$0x1], $0x80, v4, vm0, $0xb8;
	[tilespmem:$0x18100] =	vst v63  }
0xfb: {  	_ = 	snop  }
0xfc: {  	[hbm4b:s4+s2] =	stream.indirect_vreg.scatter [tilespmem:s10], [sflag:$0x1], $0x80, v3, vm0, $0xb8;
	[tilespmem:$0x18100] =	vst v63  }
0xfd: {  	s17 =	simm.s32 $0xB100  }
0xfe: {  	[hbm4b:s7+s2] =	stream.indirect_vreg.scatter [tilespmem:s17], [sflag:$0x1], $0x80, v3, vm0, $0xb8;
	[tilespmem:$0x18100] =	vst v63  }
0xff: {  	s16 =	simm.s32 $0xB900  }
0x100: {  	[hbm4b:s8+s2] =	stream.indirect_vreg.scatter [tilespmem:s16], [sflag:$0x1], $0x80, v3, vm0, $0xb8;
	[tilespmem:$0x18100] =	vst v63  }
0x101: {  	v3 =	vld [tilespmem:$0xC0];
	_ =	sdelay $0x4  }
0x102: {  	v60 =	vshrl.u32 v3, $0x3  }
0x103: {  	v4 =	vmul.u32 $0x30, v60  }
0x104: {  	v3 =	vand.u32 $0x7, v3  }
0x105: {  	v3 =	vor.u32 v3, v4  }
0x106: {  	v4 =	vperm.xlane v3, v0;
	_ =	sdelay $0x1  }
0x107: {  	v4 =	vadd.s32 v1, v4;
	_ =	sdelay $0x3  }
0x108: {  	s17 =	simm.s32 $0xC100;
	v3 =	vperm.xlane v3, v2  }
0x109: {  	[hbm4b:s4+s2] =	stream.indirect_vreg.scatter [tilespmem:s17], [sflag:$0x1], $0x80, v4, vm0, $0xb8;
	[tilespmem:$0x18100] =	vst v63  }
0x10a: {  	s16 =	simm.s32 $0xC900;
	v3 =	vadd.s32 v1, v3  }
0x10b: {  	[hbm4b:s7+s2] =	stream.indirect_vreg.scatter [tilespmem:s16], [sflag:$0x1], $0x80, v4, vm0, $0xb8;
	[tilespmem:$0x18100] =	vst v63  }
0x10c: {  	s17 =	simm.s32 $0xD100  }
0x10d: {  	[hbm4b:s8+s2] =	stream.indirect_vreg.scatter [tilespmem:s17], [sflag:$0x1], $0x80, v4, vm0, $0xb8;
	[tilespmem:$0x18100] =	vst v63  }
0x10e: {  	s16 =	simm.s32 $0xD900  }
0x10f: {  	[hbm4b:s4+s2] =	stream.indirect_vreg.scatter [tilespmem:s16], [sflag:$0x1], $0x80, v3, vm0, $0xb8;
	[tilespmem:$0x18100] =	vst v63  }
0x110: {  	s17 =	simm.s32 $0xE100  }
0x111: {  	[hbm4b:s7+s2] =	stream.indirect_vreg.scatter [tilespmem:s17], [sflag:$0x1], $0x80, v3, vm0, $0xb8;
	[tilespmem:$0x18100] =	vst v63  }
0x112: {  	s16 =	simm.s32 $0xE900  }
0x113: {  	[hbm4b:s8+s2] =	stream.indirect_vreg.scatter [tilespmem:s16], [sflag:$0x1], $0x80, v3, vm0, $0xb8;
	[tilespmem:$0x18100] =	vst v63  }
0x114: {  	v3 =	vld [tilespmem:$0xD0];
	_ =	sdelay $0x4  }
0x115: {  	v61 =	vshrl.u32 v3, $0x3  }
0x116: {  	v4 =	vmul.u32 $0x30, v61  }
0x117: {  	v3 =	vand.u32 $0x7, v3  }
0x118: {  	v3 =	vor.u32 v3, v4  }
0x119: {  	v4 =	vperm.xlane v3, v0;
	_ =	sdelay $0x1  }
0x11a: {  	v4 =	vadd.s32 v1, v4;
	_ =	sdelay $0x3  }
0x11b: {  	s17 =	simm.s32 $0xF100;
	v3 =	vperm.xlane v3, v2  }
0x11c: {  	[hbm4b:s4+s2] =	stream.indirect_vreg.scatter [tilespmem:s17], [sflag:$0x1], $0x80, v4, vm0, $0xb8;
	[tilespmem:$0x18100] =	vst v63  }
0x11d: {  	s16 =	simm.s32 $0xF900;
	v3 =	vadd.s32 v1, v3  }
0x11e: {  	[hbm4b:s7+s2] =	stream.indirect_vreg.scatter [tilespmem:s16], [sflag:$0x1], $0x80, v4, vm0, $0xb8;
	[tilespmem:$0x18100] =	vst v63  }
0x11f: {  	s17 =	simm.s32 $0x10100  }
0x120: {  	[hbm4b:s8+s2] =	stream.indirect_vreg.scatter [tilespmem:s17], [sflag:$0x1], $0x80, v4, vm0, $0xb8;
	[tilespmem:$0x18100] =	vst v63  }
0x121: {  	s16 =	simm.s32 $0x10900  }
0x122: {  	[hbm4b:s4+s2] =	stream.indirect_vreg.scatter [tilespmem:s16], [sflag:$0x1], $0x80, v3, vm0, $0xb8;
	[tilespmem:$0x18100] =	vst v63  }
0x123: {  	s17 =	simm.s32 $0x11100  }
0x124: {  	[hbm4b:s7+s2] =	stream.indirect_vreg.scatter [tilespmem:s17], [sflag:$0x1], $0x80, v3, vm0, $0xb8;
	[tilespmem:$0x18100] =	vst v63  }
0x125: {  	s16 =	simm.s32 $0x11900  }
0x126: {  	[hbm4b:s8+s2] =	stream.indirect_vreg.scatter [tilespmem:s16], [sflag:$0x1], $0x80, v3, vm0, $0xb8;
	[tilespmem:$0x18100] =	vst v63  }
0x127: {  	v3 =	vld [tilespmem:$0xE0];
	_ =	sdelay $0x4  }
0x128: {  	v62 =	vshrl.u32 v3, $0x3  }
0x129: {  	v4 =	vmul.u32 $0x30, v62  }
0x12a: {  	v3 =	vand.u32 $0x7, v3  }
0x12b: {  	v3 =	vor.u32 v3, v4  }
0x12c: {  	v4 =	vperm.xlane v3, v0;
	_ =	sdelay $0x1  }
0x12d: {  	v4 =	vadd.s32 v1, v4;
	_ =	sdelay $0x3  }
0x12e: {  	s17 =	simm.s32 $0x12100;
	v3 =	vperm.xlane v3, v2  }
0x12f: {  	[hbm4b:s4+s2] =	stream.indirect_vreg.scatter [tilespmem:s17], [sflag:$0x1], $0x80, v4, vm0, $0xb8;
	[tilespmem:$0x18100] =	vst v63  }
0x130: {  	s16 =	simm.s32 $0x12900;
	v3 =	vadd.s32 v1, v3  }
0x131: {  	[hbm4b:s7+s2] =	stream.indirect_vreg.scatter [tilespmem:s16], [sflag:$0x1], $0x80, v4, vm0, $0xb8;
	[tilespmem:$0x18100] =	vst v63  }
0x132: {  	s17 =	simm.s32 $0x13100  }
0x133: {  	[hbm4b:s8+s2] =	stream.indirect_vreg.scatter [tilespmem:s17], [sflag:$0x1], $0x80, v4, vm0, $0xb8;
	[tilespmem:$0x18100] =	vst v63  }
0x134: {  	s16 =	simm.s32 $0x13900  }
0x135: {  	[hbm4b:s4+s2] =	stream.indirect_vreg.scatter [tilespmem:s16], [sflag:$0x1], $0x80, v3, vm0, $0xb8;
	[tilespmem:$0x18100] =	vst v63  }
0x136: {  	s17 =	simm.s32 $0x14100  }
0x137: {  	[hbm4b:s7+s2] =	stream.indirect_vreg.scatter [tilespmem:s17], [sflag:$0x1], $0x80, v3, vm0, $0xb8;
	[tilespmem:$0x18100] =	vst v63  }
0x138: {  	s16 =	simm.s32 $0x14900  }
0x139: {  	[hbm4b:s8+s2] =	stream.indirect_vreg.scatter [tilespmem:s16], [sflag:$0x1], $0x80, v3, vm0, $0xb8;
	[tilespmem:$0x18100] =	vst v63  }
0x13a: {  	v3 =	vld [tilespmem:$0xF0];
	_ =	sdelay $0x4  }
0x13b: {  	v63 =	vshrl.u32 v3, $0x3  }
0x13c: {  	v4 =	vmul.u32 $0x30, v63  }
0x13d: {  	v3 =	vand.u32 $0x7, v3  }
0x13e: {  	v3 =	vor.u32 v3, v4  }
0x13f: {  	v4 =	vperm.xlane v3, v0;
	_ =	sdelay $0x1  }
0x140: {  	v4 =	vadd.s32 v1, v4;
	_ =	sdelay $0x3  }
0x141: {  	s17 =	simm.s32 $0x15100;
	v3 =	vperm.xlane v3, v2  }
0x142: {  	[hbm4b:s4+s2] =	stream.indirect_vreg.scatter [tilespmem:s17], [sflag:$0x1], $0x80, v4, vm0, $0xb8;
	[tilespmem:$0x18100] =	vst v63  }
0x143: {  	s16 =	simm.s32 $0x15900;
	v3 =	vadd.s32 v1, v3  }
0x144: {  	[hbm4b:s7+s2] =	stream.indirect_vreg.scatter [tilespmem:s16], [sflag:$0x1], $0x80, v4, vm0, $0xb8;
	[tilespmem:$0x18100] =	vst v63  }
0x145: {  	s17 =	simm.s32 $0x16100  }
0x146: {  	[hbm4b:s8+s2] =	stream.indirect_vreg.scatter [tilespmem:s17], [sflag:$0x1], $0x80, v4, vm0, $0xb8;
	[tilespmem:$0x18100] =	vst v63  }
0x147: {  	s16 =	simm.s32 $0x16900  }
0x148: {  	[hbm4b:s4+s2] =	stream.indirect_vreg.scatter [tilespmem:s16], [sflag:$0x1], $0x80, v3, vm0, $0xb8;
	[tilespmem:$0x18100] =	vst v63  }
0x149: {  	p0 =	sne.s32 s9, $0x1;
	s17 =	simm.s32 $0x17100  }
0x14a: {  	[hbm4b:s7+s2] =	stream.indirect_vreg.scatter [tilespmem:s17], [sflag:$0x1], $0x80, v3, vm0, $0xb8;
	[tilespmem:$0x18100] =	vst v63  }
.Ltmp0:
0x14b: {  	_ = 	snop;
	(pc) =	sbr.rel @p0 .LBB2_1-.Ltmp0, $4  }
0x14c: {  	[hbm4b:s8+s2] =	stream.indirect_vreg.scatter [tilespmem:s0], [sflag:$0x1], $0x80, v3, vm0, $0xb8;
	[tilespmem:$0x18100] =	vst v63  }
0x14d: {  	_ =	swait.ge [sflag:s15], $0x18000  }
0x14e: {  	[sflag:s15] =	ssyncset.done $0x0  }
0x14f: {  	s9 =	sadd.s32 $0xFFFFFFFF, s9;
	[sflag:s15] =	ssyncadd.s32 $0xFFFE8000  }
0x150: {  	_ =	sfence.sel $0x180000  }
0x151: {  	[bflag:$0x0] =	sbarrier.arrive $0xFFFF  }
0x152: {  	_ =	strace $0x90000047  }
0x153: {  	s0 =	stileid.u32;
	[bflag:$0x2] =	sbarrier.arrive $0xFFFF  }
0x154: {  	p0 =	sne.s32 s0, $0x0;
	s0 =	rddreg [dreg:$0x1]  }
0x155: {  	s0 =	sadd.s32 @!p0 $0x100000, s0  }
0x156: {  	[sflag:s0] =	ssyncadd.tile.s32 @!p0 $0x1;
	_ =	shalt  }
.Lfunc_end2:
_tile_overlayer_lowered:
.L_overlay_start_2:
0x157: {  	(tag) =	ssettag $0x2  }
0x158: {  	s0 =	rddreg [dreg:$0x0];
	s2 =	stileid.u32  }
0x159: {  	s1 =	rddreg [dreg:$0x1];
	p0 =	sne.s32 s2, $0x0  }
0x15a: {  	s3 =	rddreg [dreg:$0x2];
	[bflag:$0x3] =	sbarrier.arrive $0xFFFF;
	s2 =	simm.s32 @!p0 $0x1C02  }
0x15b: {  	[timem:s3], [sflag:s2] =	dma.local @!p0 [hbm:s0], s1  }
0x15c: {  	s0 =	simm.s32 @!p0 $0x2  }
0x15d: {  	_ =	swait.ge @!p0 [sflag:s0], s1  }
0x15e: {  	s1 =	ssub.s32 @!p0 $0x0, s1;
	[sflag:s0] =	ssyncset.done @!p0 $0x0  }
0x15f: {  	[sflag:s0] =	ssyncadd.s32 @!p0 s1  }
0x160: {  	[bflag:$0x3] =	sbarrier.arrive $0xFFFF  }
0x161: {  	_ =	shalt  }

// kernel: kernel.13.cloned.1.call-start
scs
__scs_entry_jumppad:
0x0: {  	(pc) =	sbr.rel $0x88, $3  }
0x1: {  	(tag) =	ssettag $0x0;
	lr =	simm.s32 $0x1  }
0x2: {  	[smem:$0x3F94] =	sst lr;
	_ =	strace $0xD0000000  }
0x3: {  	_ = 	snop  }
0x4: {  	_ = 	snop  }
0x5: {  	_ = 	snop  }
0x6: {  	_ = 	snop  }
0x7: {  	_ = 	snop  }
__scs_overlays_trampoline_lowered:
0x8: {  	[smem:$0x3FA3] =	sst s0  }
0x9: {  	[smem:$0x3FA4] =	sst s1  }
0xa: {  	[smem:$0x3FA5] =	sst s2  }
0xb: {  	[smem:$0x3FA6] =	sst s3  }
0xc: {  	[smem:$0x3FA7] =	sst s4  }
0xd: {  	[smem:$0x3FA8] =	sst s5  }
0xe: {  	[smem:$0x3FA9] =	sst s6  }
0xf: {  	[smem:$0x3FAA] =	sst s7  }
0x10: {  	[smem:$0x3FAB] =	sst s8  }
0x11: {  	[smem:$0x3FAC] =	sst s9;
	s0 =	simm.s32 @!p0 $0x0  }
0x12: {  	s1 =	sld [smem:$0x3F92];
	s0 =	simm.s32 @p0 $0x1  }
0x13: {  	[smem:$0x3FAD] =	sst s0;
	s0 =	simm.s32 @!p1 $0x0  }
0x14: {  	s2 =	sld [smem:$0x3F91];
	s0 =	simm.s32 @p1 $0x1  }
0x15: {  	[smem:$0x3FAE] =	sst s0;
	s0 =	simm.s32 @!p2 $0x0  }
0x16: {  	s3 =	sld [smem:$0x3FDB];
	s0 =	simm.s32 @p2 $0x1  }
0x17: {  	s4 =	simm.s32 $0x1BF5;
	[smem:$0x3FB0] =	sst s0  }
0x18: {  	s0 =	sld [smem:$0x3F93];
	_ =	swait.ge [sflag:s4], $0x0  }
0x19: {  	s7 =	sld [smem:$0x3F94]  }
0x1a: {  	s8 =	sadd.s32 $0xFFFFE003, lr  }
0x1b: {  	s9 =	sadd.s32 $0xFFFFFEF7, lr;
	s5 =	simm.s32 $0xFFFFFFFF;
	p2 =	slt.u32 s8, $0xFFFFF086  }
0x1c: {  	p1 =	slt.u32 s9, $0xF7A;
	s5 =	simm.s32 @!p2 $0x0  }
0x1d: {  	s5 =	simm.s32 @p1 $0x1;
	p0 =	seq.s32 s7, s2  }
0x1e: {  	s7 =	smul.u32 @!p0 $0xF7A, s2;
	p2 =	seq.s32 @!p0 s5, $0x0  }
0x1f: {  	s9 =	smul.u32 $0xF7A, s1;
	s8 =	simm.s32 @!p0 $0x1BF5;
	p2 =	por !p2, p0  }
0x20: {  	[sflag:s8] =	ssyncset.s32 @!p0 $0xFFFFF086;
	s6 =	sadd.s32 @!p0 s3, s7;
	s7 =	simm.s32 @!p0 $0x108  }
0x21: {  	s3 =	sadd.s32 s3, s9;
	s6 =	sadd.s32 @!p0 $0x88, s6;
	s7 =	simm.s32 @p2 $0x1082  }
0x22: {  	[simem:s7], [sflag:s8] =	dma.local @!p0 [hbm:s6], $0xF7A  }
0x23: {  	s9 =	sor.u32 $0xD0000000, s2;
	s6 =	simm.s32 $0x108;
	_ =	swait.ge @!p0 [sflag:s8], $0x0  }
0x24: {  	s3 =	sadd.s32 $0x88, s3;
	s6 =	simm.s32 @!p1 $0x1082;
	[sflag:s4] =	ssyncset.s32 $0xFFFFF086  }
0x25: {  	[simem:s6], [sflag:s4] =	dma.local [hbm:s3], $0xF7A  }
0x26: {  	[smem:$0x3F94] =	sst s1;
	(tag) =	ssettag s2;
	_ =	strace s9  }
0x27: {  	s1 =	sld [smem:$0x3FA4]  }
0x28: {  	s2 =	sld [smem:$0x3FA5]  }
0x29: {  	s4 =	sld [smem:$0x3FA7]  }
0x2a: {  	p0 =	seq.s32 s5, $0x0;
	s5 =	sld [smem:$0x3FA8]  }
0x2b: {  	s6 =	sld [smem:$0x3FA9]  }
0x2c: {  	s7 =	sld [smem:$0x3FAA]  }
0x2d: {  	s3 =	simm.s32 $0x108;
	s8 =	sld [smem:$0x3FAB]  }
0x2e: {  	s3 =	simm.s32 @!p0 $0x1082;
	s9 =	sld [smem:$0x3FAC]  }
0x2f: {  	lr =	sadd.s32 s0, s3;
	s0 =	sld [smem:$0x3FA3]  }
0x30: {  	s3 =	sld [smem:$0x3FA6]  }
0x31: {  	[smem:$0x3FAF] =	sst s10  }
0x32: {  	s10 =	sld [smem:$0x3FAD];
	_ =	sdelay $0x3  }
0x33: {  	p0 =	seq.s32 s10, $0x1;
	s10 =	sld [smem:$0x3FAF];
	_ =	sdelay $0x3  }
0x34: {  	[smem:$0x3FAF] =	sst s10  }
0x35: {  	s10 =	sld [smem:$0x3FAE];
	_ =	sdelay $0x3  }
0x36: {  	p1 =	seq.s32 s10, $0x1;
	s10 =	sld [smem:$0x3FAF];
	_ =	sdelay $0x3  }
0x37: {  	[smem:$0x3FAF] =	sst s10  }
0x38: {  	s10 =	sld [smem:$0x3FB0]  }
0x39: {  	_ = 	snop;
	(pc) =	sbr.ind lr, $3  }
0x3a: {  	_ = 	snop  }
0x3b: {  	_ = 	snop  }
0x3c: {  	p2 =	seq.s32 s10, $0x1;
	s10 =	sld [smem:$0x3FAF]  }
0x3d: {  	_ =	shalt  }
0x3e: {  	_ =	shalt  }
0x3f: {  	_ =	shalt  }
0x40: {  	_ =	shalt  }
0x41: {  	_ =	shalt  }
0x42: {  	_ =	shalt  }
0x43: {  	_ =	shalt  }
0x44: {  	_ =	shalt  }
0x45: {  	_ =	shalt  }
0x46: {  	_ =	shalt  }
0x47: {  	_ =	shalt  }
0x48: {  	_ =	shalt  }
0x49: {  	_ =	shalt  }
0x4a: {  	_ =	shalt  }
0x4b: {  	_ =	shalt  }
0x4c: {  	_ =	shalt  }
0x4d: {  	_ =	shalt  }
0x4e: {  	_ =	shalt  }
0x4f: {  	_ =	shalt  }
0x50: {  	_ =	shalt  }
0x51: {  	_ =	shalt  }
0x52: {  	_ =	shalt  }
0x53: {  	_ =	shalt  }
0x54: {  	_ =	shalt  }
0x55: {  	_ =	shalt  }
0x56: {  	_ =	shalt  }
0x57: {  	_ =	shalt  }
0x58: {  	_ =	shalt  }
0x59: {  	_ =	shalt  }
0x5a: {  	_ =	shalt  }
0x5b: {  	_ =	shalt  }
0x5c: {  	_ =	shalt  }
0x5d: {  	_ =	shalt  }
0x5e: {  	_ =	shalt  }
0x5f: {  	_ =	shalt  }
0x60: {  	_ =	shalt  }
0x61: {  	_ =	shalt  }
0x62: {  	_ =	shalt  }
0x63: {  	_ =	shalt  }
0x64: {  	_ =	shalt  }
0x65: {  	_ =	shalt  }
0x66: {  	_ =	shalt  }
0x67: {  	_ =	shalt  }
0x68: {  	_ =	shalt  }
0x69: {  	_ =	shalt  }
0x6a: {  	_ =	shalt  }
0x6b: {  	_ =	shalt  }
0x6c: {  	_ =	shalt  }
0x6d: {  	_ =	shalt  }
0x6e: {  	_ =	shalt  }
0x6f: {  	_ =	shalt  }
0x70: {  	_ =	shalt  }
0x71: {  	_ =	shalt  }
0x72: {  	_ =	shalt  }
0x73: {  	_ =	shalt  }
0x74: {  	_ =	shalt  }
0x75: {  	_ =	shalt  }
0x76: {  	_ =	shalt  }
0x77: {  	_ =	shalt  }
0x78: {  	_ =	shalt  }
0x79: {  	_ =	shalt  }
0x7a: {  	_ =	shalt  }
0x7b: {  	_ =	shalt  }
0x7c: {  	_ =	shalt  }
0x7d: {  	_ =	shalt  }
0x7e: {  	_ =	shalt  }
0x7f: {  	_ =	shalt  }
0x80: {  	_ =	shalt  }
0x81: {  	_ =	shalt  }
0x82: {  	_ =	shalt  }
0x83: {  	_ =	shalt  }
0x84: {  	_ =	shalt  }
0x85: {  	_ =	shalt  }
0x86: {  	_ =	shalt  }
0x87: {  	_ =	shalt  }
.Lfunc_end0:
.L_simem_size_0:
called_computation.1_lowered:
.L_overlay_start_0:
0x88: {  	s2 =	sld [smem:$0x3FD9]  }
0x89: {  	s3 =	sld [smem:$0x3FFE];
	_ =	sdelay $0x1  }
0x8a: {  	s1 =	srdreg.scid  }
0x8b: {  	s0 =	sand.u32 $0x1, s1  }
0x8c: {  	s16 =	sshll.u32 s0, $0xA;
	s2 =	sadd.s32 s3, s2  }
0x8d: {  	s2 =	sadd.s32 s2, s16  }
0x8e: {  	[smem:$0x3FBB] =	sst s2  }
0x8f: {  	_ = 	snop  }
0x90: {  	(tm) =	ssettm $0x1  }
0x91: {  	s17 =	sld [smem:$0x3FFB];
	_ =	sdelay $0x3  }
0x92: {  	_ =	strace s17  }
0x93: {  	s2 =	sld [smem:$0x3FFC];
	_ =	sdelay $0x3  }
0x94: {  	_ =	strace s2  }
0x95: {  	s2 =	sld [smem:$0x3FFD];
	_ =	sdelay $0x3  }
0x96: {  	_ =	strace s2  }
0x97: {  	_ =	strace $0x8FFFFFFF  }
0x98: {  	s18 =	sld [smem:$0x3FDB];
	_ =	sdelay $0x1  }
0x99: {  	s19 =	simm.s32 $_scs_section_size  }
0x9a: {  	s4 =	simm.s32 $_size__tile_overlayer_lowered;
	s5 =	simm.s32 $_tile_overlayer_lowered  }
0x9b: {  	s22 =	simm.s32 $0x1BFF;
	s21 =	sshll.u32 s5, $0x1;
	s2 =	sadd.s32 s19, s18  }
0x9c: {  	s6 =	simm.s32 $0x0;
	s20 =	sshll.u32 s4, $0x1;
	s4 =	sadd.s32 s21, s2  }
0x9d: {  	[timem:s6], [sflag:s22] =	dma.local [hbm:s4], s20  }
0x9e: {  	_ =	swait.ge [sflag:s22], s20  }
0x9f: {  	s3 =	ssub.s32 $0x0, s20;
	[sflag:s22] =	ssyncset.done $0x0  }
0xa0: {  	[sflag:s22] =	ssyncadd.s32 s3;
	_ =	sdelay $0x1  }
0xa1: {  	s23 =	simm.s32 $0x1B8B  }
0xa2: {  	_ =	swait.ge [sflag:s23], $0x1  }
0xa3: {  	[sflag:s23] =	ssyncset.done $0x0  }
0xa4: {  	s25 =	simm.s32 $0x1B8E;
	s24 =	sld [smem:$0x3FFE];
	[sflag:s23] =	ssyncadd.s32 $0xFFFFFFFF  }
0xa5: {  	s26 =	simm.s32 $execute0_lowered;
	[smem:$0x3FD2] =	sst s25  }
0xa6: {  	s4 =	sshll.u32 s26, $0x1;
	_ =	strace $0x80000049;
	[dreg:$0x1] =	wrdreg $0xFFFFFFFF  }
0xa7: {  	s28 =	simm.s32 $_size_execute0_lowered;
	s2 =	sadd.s32 s2, s4;
	[dreg:$0x0] =	wrdreg $0x0  }
0xa8: {  	s4 =	sshll.u32 s28, $0x1;
	[dreg:$0x2] =	wrdreg s2  }
0xa9: {  	[dreg:$0x3] =	wrdreg s4  }
0xaa: {  	[dreg:$0x4] =	wrdreg $0xC0  }
0xab: {  	_ =	task [dreg:s6], $0x5FFFF  }
0xac: {  	[dreg:$0x1] =	wrdreg $0xFFFFFFFF  }
0xad: {  	[dreg:$0x0] =	wrdreg $0x60  }
0xae: {  	[dreg:$0x2] =	wrdreg s24  }
0xaf: {  	[dreg:$0x3] =	wrdreg $0x9  }
0xb0: {  	_ =	task.clear_ibuf [dreg:s6], $0x4FFFF;
	_ =	strace $0x90000049  }
0xb1: {  	s29 =	simm.s32 $0x9;
	_ =	strace $0x8000004B  }
0xb2: {  	_ =	swait.ge [sflag:s29], $0x1  }
0xb3: {  	[sflag:s29] =	ssyncadd.s32 $0xFFFFFFFF  }
0xb4: {  	_ =	strace $0x9000004B  }
0xb5: {  	_ =	sfence  }
0xb6: {  	s30 =	sld [smem:$0x0];
	_ =	sdelay $0x2  }
0xb7: {  	s31 =	sshll.u32 s1, $0xD;
	s1 =	sshrl.u32 s1, $0x2  }
0xb8: {  	s3 =	sand.u32 $0x4000, s31;
	s1 =	sadd.s32 s1, s30  }
0xb9: {  	s0 =	sor.u32 s3, s0;
	s1 =	sshll.u32 s1, $0x11  }
0xba: {  	s0 =	sor.u32 s1, s0  }
0xbb: {  	s0 =	sadd.s32 $0x8F2B, s0  }
0xbc: {  	[sflag:s0] =	ssyncadd.remote.s32 $0x1  }
0xbd: {  	_ =	sfence.sel $0xFFFF  }
0xbe: {  	[dreg:$0x0] =	wrdreg $0xFFFFFFFF;
	(pc) =	sbr.abs _section_cstart, $3  }
0xbf: {  	[dreg:$0x1] =	wrdreg $0xFFFFFFFF  }
0xc0: {  	_ =	task.clear_ibuf [dreg:s6], $0x2FFFF;
	_ =	strace $0x9FFFFFFF  }
0xc1: {  	(tm) =	ssettm $0x7FFFFFFF  }
tec
execute0_lowered:
.L_overlay_start_1:
0x0: {  	(tag) =	ssettag $0x1  }
0x1: {  	s0 =	srdreg.scid  }
0x2: {  	s2 =	stileid.u32;
	s1 =	rddreg [dreg:$0x0];
	s10 =	simm.s32 $0x880  }
0x3: {  	s11 =	simm.s32 $0x1080;
	s12 =	simm.s32 $0x1880;
	s13 =	simm.s32 $0x2080  }
0x4: {  	s14 =	simm.s32 $0x2880;
	s15 =	simm.s32 $0x3080;
	s16 =	simm.s32 $0x3880  }
0x5: {  	s17 =	simm.s32 $0x4080;
	s18 =	simm.s32 $0x4880;
	s19 =	simm.s32 $0x5080  }
0x6: {  	s20 =	simm.s32 $0x5880;
	s21 =	simm.s32 $0x6080;
	s22 =	simm.s32 $0x6880  }
0x7: {  	s23 =	simm.s32 $0x7080;
	s24 =	simm.s32 $0x7880;
	s28 =	simm.s32 $0x9080  }
0x8: {  	s29 =	simm.s32 $0x9880;
	s30 =	simm.s32 $0xA080;
	s31 =	simm.s32 $0xA880  }
0x9: {  	s0 =	sand.u32 $0x1, s0;
	s3 =	sshll.u32 s2, $0x4;
	s2 =	simm.s32 $0x0  }
0xa: {  	s4 =	sshll.u32 s0, $0x3;
	[smem:$0x7FF] =	sst s2;
	s0 =	ssub.s32 $0x2, s0  }
0xb: {  	s3 =	sor.u32 s4, s3;
	_ =	strace $0x8000004A;
	s7 =	sshrl.u32 s0, $0x1  }
0xc: {  	s4 =	smul.u32 $0x300, s3;
	s5 =	sadd.s32 s3, s1;
	s3 =	sadd.s32 $0xD4600, s1  }
0xd: {  	s0 =	ssub.s32 s0, s7;
	s7 =	simm.s32 $0x2;
	s6 =	sadd.s32 $0x43A00, s5  }
0xe: {  	s5 =	sadd.s32 $0x43C00, s5;
	s4 =	sadd.s32 s4, s1;
	[dreg:$0x2] =	wrdreg s6  }
0xf: {  	[dreg:$0x4] =	wrdreg s5;
	s5 =	sadd.s32 $0xD4800, s1;
	s6 =	smax.u32 s0, $0x1  }
0x10: {  	v2 =	vlaneseq.u32;
	s0 =	simm.s32 $0x1;
	s25 =	sadd.s32 $0x3A00, s4;
	s26 =	sadd.s32 $0x43E00, s4  }
0x11: {  	vm0 =	vmmov $0xffff;
	v1 =	vshrl.u32 v2, $0x3;
	s4 =	sadd.s32 $0xD4700, s1;
	s1 =	simm.s32 $0x80;
	[dreg:$0x3] =	wrdreg s25  }
0x12: {  	v0 =	vand.u32 $0x7, v2;
	v2 =	vor.u32 $0x8, v2;
	v1 =	vmul.u32 $0x8, v1;
	[dreg:$0x5] =	wrdreg s26;
	s25 =	simm.s32 $0x8080;
	s26 =	simm.s32 $0x8880  }
.LBB2_1:
0x13: {  	s9 =	rddreg [dreg:$0x2]  }
0x14: {  	[tilespmem:s2], [sflag:$0x2] =	stream.linear.gather [hbm4b:s9+s2], $0x40, $0x38;
	[tilespmem:$0xC080] =	vst v63  }
0x15: {  	_ =	swait.ge [sflag:s7], $0x40  }
0x16: {  	[sflag:s7] =	ssyncset.done $0x0  }
0x17: {  	[sflag:s7] =	ssyncadd.s32 $0xFFFFFFC0  }
0x18: {  	v3 =	vld [tilespmem:$0x0];
	_ =	sdelay $0x4  }
0x19: {  	v4 =	vshrl.u32 v3, $0x3  }
0x1a: {  	v4 =	vmul.u32 $0x30, v4  }
0x1b: {  	v3 =	vand.u32 $0x7, v3  }
0x1c: {  	v3 =	vor.u32 v3, v4  }
0x1d: {  	v4 =	vperm.xlane v3, v0;
	_ =	sdelay $0x1  }
0x1e: {  	v4 =	vadd.s32 v1, v4;
	_ =	sdelay $0x3  }
0x1f: {  	v3 =	vperm.xlane v3, v2  }
0x20: {  	[tilespmem:s1], [sflag:$0x1] =	stream.indirect_vreg.gather [hbm4b:s3+s2], $0x80, v4, vm0, $0xb8;
	[tilespmem:$0xC080] =	vst v63  }
0x21: {  	v3 =	vadd.s32 v1, v3  }
0x22: {  	[tilespmem:s10], [sflag:$0x1] =	stream.indirect_vreg.gather [hbm4b:s4+s2], $0x80, v4, vm0, $0xb8;
	[tilespmem:$0xC080] =	vst v63  }
0x23: {  	_ = 	snop  }
0x24: {  	[tilespmem:s11], [sflag:$0x1] =	stream.indirect_vreg.gather [hbm4b:s5+s2], $0x80, v4, vm0, $0xb8;
	[tilespmem:$0xC080] =	vst v63  }
0x25: {  	_ = 	snop  }
0x26: {  	[tilespmem:s12], [sflag:$0x1] =	stream.indirect_vreg.gather [hbm4b:s3+s2], $0x80, v3, vm0, $0xb8;
	[tilespmem:$0xC080] =	vst v63  }
0x27: {  	_ = 	snop  }
0x28: {  	[tilespmem:s13], [sflag:$0x1] =	stream.indirect_vreg.gather [hbm4b:s4+s2], $0x80, v3, vm0, $0xb8;
	[tilespmem:$0xC080] =	vst v63  }
0x29: {  	_ = 	snop  }
0x2a: {  	[tilespmem:s14], [sflag:$0x1] =	stream.indirect_vreg.gather [hbm4b:s5+s2], $0x80, v3, vm0, $0xb8;
	[tilespmem:$0xC080] =	vst v63  }
0x2b: {  	v3 =	vld [tilespmem:$0x10];
	_ =	sdelay $0x4  }
0x2c: {  	v57 =	vshrl.u32 v3, $0x3  }
0x2d: {  	v4 =	vmul.u32 $0x30, v57  }
0x2e: {  	v3 =	vand.u32 $0x7, v3  }
0x2f: {  	v3 =	vor.u32 v3, v4  }
0x30: {  	v4 =	vperm.xlane v3, v0;
	_ =	sdelay $0x1  }
0x31: {  	v4 =	vadd.s32 v1, v4;
	_ =	sdelay $0x3  }
0x32: {  	v3 =	vperm.xlane v3, v2  }
0x33: {  	[tilespmem:s15], [sflag:$0x1] =	stream.indirect_vreg.gather [hbm4b:s3+s2], $0x80, v4, vm0, $0xb8;
	[tilespmem:$0xC080] =	vst v63  }
0x34: {  	v3 =	vadd.s32 v1, v3  }
0x35: {  	[tilespmem:s16], [sflag:$0x1] =	stream.indirect_vreg.gather [hbm4b:s4+s2], $0x80, v4, vm0, $0xb8;
	[tilespmem:$0xC080] =	vst v63  }
0x36: {  	_ = 	snop  }
0x37: {  	[tilespmem:s17], [sflag:$0x1] =	stream.indirect_vreg.gather [hbm4b:s5+s2], $0x80, v4, vm0, $0xb8;
	[tilespmem:$0xC080] =	vst v63  }
0x38: {  	_ = 	snop  }
0x39: {  	[tilespmem:s18], [sflag:$0x1] =	stream.indirect_vreg.gather [hbm4b:s3+s2], $0x80, v3, vm0, $0xb8;
	[tilespmem:$0xC080] =	vst v63  }
0x3a: {  	_ = 	snop  }
0x3b: {  	[tilespmem:s19], [sflag:$0x1] =	stream.indirect_vreg.gather [hbm4b:s4+s2], $0x80, v3, vm0, $0xb8;
	[tilespmem:$0xC080] =	vst v63  }
0x3c: {  	_ = 	snop  }
0x3d: {  	[tilespmem:s20], [sflag:$0x1] =	stream.indirect_vreg.gather [hbm4b:s5+s2], $0x80, v3, vm0, $0xb8;
	[tilespmem:$0xC080] =	vst v63  }
0x3e: {  	v3 =	vld [tilespmem:$0x20];
	_ =	sdelay $0x4  }
0x3f: {  	v58 =	vshrl.u32 v3, $0x3  }
0x40: {  	v4 =	vmul.u32 $0x30, v58  }
0x41: {  	v3 =	vand.u32 $0x7, v3  }
0x42: {  	v3 =	vor.u32 v3, v4  }
0x43: {  	v4 =	vperm.xlane v3, v0;
	_ =	sdelay $0x1  }
0x44: {  	v4 =	vadd.s32 v1, v4;
	_ =	sdelay $0x3  }
0x45: {  	v3 =	vperm.xlane v3, v2  }
0x46: {  	[tilespmem:s21], [sflag:$0x1] =	stream.indirect_vreg.gather [hbm4b:s3+s2], $0x80, v4, vm0, $0xb8;
	[tilespmem:$0xC080] =	vst v63  }
0x47: {  	v3 =	vadd.s32 v1, v3  }
0x48: {  	[tilespmem:s22], [sflag:$0x1] =	stream.indirect_vreg.gather [hbm4b:s4+s2], $0x80, v4, vm0, $0xb8;
	[tilespmem:$0xC080] =	vst v63  }
0x49: {  	_ = 	snop  }
0x4a: {  	[tilespmem:s23], [sflag:$0x1] =	stream.indirect_vreg.gather [hbm4b:s5+s2], $0x80, v4, vm0, $0xb8;
	[tilespmem:$0xC080] =	vst v63  }
0x4b: {  	_ = 	snop  }
0x4c: {  	[tilespmem:s24], [sflag:$0x1] =	stream.indirect_vreg.gather [hbm4b:s3+s2], $0x80, v3, vm0, $0xb8;
	[tilespmem:$0xC080] =	vst v63  }
0x4d: {  	_ = 	snop  }
0x4e: {  	[tilespmem:s25], [sflag:$0x1] =	stream.indirect_vreg.gather [hbm4b:s4+s2], $0x80, v3, vm0, $0xb8;
	[tilespmem:$0xC080] =	vst v63  }
0x4f: {  	_ = 	snop  }
0x50: {  	[tilespmem:s26], [sflag:$0x1] =	stream.indirect_vreg.gather [hbm4b:s5+s2], $0x80, v3, vm0, $0xb8;
	[tilespmem:$0xC080] =	vst v63  }
0x51: {  	v3 =	vld [tilespmem:$0x30];
	_ =	sdelay $0x4  }
0x52: {  	v59 =	vshrl.u32 v3, $0x3  }
0x53: {  	v4 =	vmul.u32 $0x30, v59  }
0x54: {  	v3 =	vand.u32 $0x7, v3  }
0x55: {  	v3 =	vor.u32 v3, v4  }
0x56: {  	v4 =	vperm.xlane v3, v0;
	_ =	sdelay $0x1  }
0x57: {  	v4 =	vadd.s32 v1, v4;
	_ =	sdelay $0x3  }
0x58: {  	v3 =	vperm.xlane v3, v2  }
0x59: {  	[tilespmem:s28], [sflag:$0x1] =	stream.indirect_vreg.gather [hbm4b:s3+s2], $0x80, v4, vm0, $0xb8;
	[tilespmem:$0xC080] =	vst v63  }
0x5a: {  	v3 =	vadd.s32 v1, v3  }
0x5b: {  	[tilespmem:s29], [sflag:$0x1] =	stream.indirect_vreg.gather [hbm4b:s4+s2], $0x80, v4, vm0, $0xb8;
	[tilespmem:$0xC080] =	vst v63  }
0x5c: {  	_ = 	snop  }
0x5d: {  	[tilespmem:s30], [sflag:$0x1] =	stream.indirect_vreg.gather [hbm4b:s5+s2], $0x80, v4, vm0, $0xb8;
	[tilespmem:$0xC080] =	vst v63  }
0x5e: {  	_ = 	snop  }
0x5f: {  	[tilespmem:s31], [sflag:$0x1] =	stream.indirect_vreg.gather [hbm4b:s3+s2], $0x80, v3, vm0, $0xb8;
	[tilespmem:$0xC080] =	vst v63  }
0x60: {  	s8 =	simm.s32 $0xB080  }
0x61: {  	[tilespmem:s8], [sflag:$0x1] =	stream.indirect_vreg.gather [hbm4b:s4+s2], $0x80, v3, vm0, $0xb8;
	[tilespmem:$0xC080] =	vst v63  }
0x62: {  	s8 =	simm.s32 $0xB880  }
0x63: {  	[tilespmem:s8], [sflag:$0x1] =	stream.indirect_vreg.gather [hbm4b:s5+s2], $0x80, v3, vm0, $0xb8;
	[tilespmem:$0xC080] =	vst v63  }
0x64: {  	_ =	swait.ge [sflag:s0], $0xC000  }
0x65: {  	[sflag:s0] =	ssyncset.done $0x0  }
0x66: {  	s9 =	rddreg [dreg:$0x3];
	[sflag:s0] =	ssyncadd.s32 $0xFFFF4000  }
0x67: {  	[hbm4b:s9+s2] =	stream.linear.scatter [tilespmem:s1], [sflag:$0x2], $0xC000, $0x38;
	[tilespmem:$0xC080] =	vst v63  }
0x68: {  	_ =	swait.ge [sflag:s7], $0xC000  }
0x69: {  	[sflag:s7] =	ssyncset.done $0x0  }
0x6a: {  	s9 =	rddreg [dreg:$0x4];
	[sflag:s7] =	ssyncadd.s32 $0xFFFF4000  }
0x6b: {  	[tilespmem:s2], [sflag:$0x2] =	stream.linear.gather [hbm4b:s9+s2], $0x40, $0x38;
	[tilespmem:$0xC080] =	vst v63  }
0x6c: {  	_ =	swait.ge [sflag:s7], $0x40  }
0x6d: {  	[sflag:s7] =	ssyncset.done $0x0  }
0x6e: {  	[sflag:s7] =	ssyncadd.s32 $0xFFFFFFC0  }
0x6f: {  	v3 =	vld [tilespmem:$0x0];
	_ =	sdelay $0x4  }
0x70: {  	v60 =	vshrl.u32 v3, $0x3  }
0x71: {  	v4 =	vmul.u32 $0x30, v60  }
0x72: {  	v3 =	vand.u32 $0x7, v3  }
0x73: {  	v3 =	vor.u32 v3, v4  }
0x74: {  	v4 =	vperm.xlane v3, v0;
	_ =	sdelay $0x1  }
0x75: {  	v4 =	vadd.s32 v1, v4;
	_ =	sdelay $0x3  }
0x76: {  	v3 =	vperm.xlane v3, v2  }
0x77: {  	[tilespmem:s1], [sflag:$0x1] =	stream.indirect_vreg.gather [hbm4b:s3+s2], $0x80, v4, vm0, $0xb8;
	[tilespmem:$0xC080] =	vst v63  }
0x78: {  	v3 =	vadd.s32 v1, v3  }
0x79: {  	[tilespmem:s10], [sflag:$0x1] =	stream.indirect_vreg.gather [hbm4b:s4+s2], $0x80, v4, vm0, $0xb8;
	[tilespmem:$0xC080] =	vst v63  }
0x7a: {  	_ = 	snop  }
0x7b: {  	[tilespmem:s11], [sflag:$0x1] =	stream.indirect_vreg.gather [hbm4b:s5+s2], $0x80, v4, vm0, $0xb8;
	[tilespmem:$0xC080] =	vst v63  }
0x7c: {  	_ = 	snop  }
0x7d: {  	[tilespmem:s12], [sflag:$0x1] =	stream.indirect_vreg.gather [hbm4b:s3+s2], $0x80, v3, vm0, $0xb8;
	[tilespmem:$0xC080] =	vst v63  }
0x7e: {  	_ = 	snop  }
0x7f: {  	[tilespmem:s13], [sflag:$0x1] =	stream.indirect_vreg.gather [hbm4b:s4+s2], $0x80, v3, vm0, $0xb8;
	[tilespmem:$0xC080] =	vst v63  }
0x80: {  	_ = 	snop  }
0x81: {  	[tilespmem:s14], [sflag:$0x1] =	stream.indirect_vreg.gather [hbm4b:s5+s2], $0x80, v3, vm0, $0xb8;
	[tilespmem:$0xC080] =	vst v63  }
0x82: {  	v3 =	vld [tilespmem:$0x10];
	_ =	sdelay $0x4  }
0x83: {  	v61 =	vshrl.u32 v3, $0x3  }
0x84: {  	v4 =	vmul.u32 $0x30, v61  }
0x85: {  	v3 =	vand.u32 $0x7, v3  }
0x86: {  	v3 =	vor.u32 v3, v4  }
0x87: {  	v4 =	vperm.xlane v3, v0;
	_ =	sdelay $0x1  }
0x88: {  	v4 =	vadd.s32 v1, v4;
	_ =	sdelay $0x3  }
0x89: {  	v3 =	vperm.xlane v3, v2  }
0x8a: {  	[tilespmem:s15], [sflag:$0x1] =	stream.indirect_vreg.gather [hbm4b:s3+s2], $0x80, v4, vm0, $0xb8;
	[tilespmem:$0xC080] =	vst v63  }
0x8b: {  	v3 =	vadd.s32 v1, v3  }
0x8c: {  	[tilespmem:s16], [sflag:$0x1] =	stream.indirect_vreg.gather [hbm4b:s4+s2], $0x80, v4, vm0, $0xb8;
	[tilespmem:$0xC080] =	vst v63  }
0x8d: {  	_ = 	snop  }
0x8e: {  	[tilespmem:s17], [sflag:$0x1] =	stream.indirect_vreg.gather [hbm4b:s5+s2], $0x80, v4, vm0, $0xb8;
	[tilespmem:$0xC080] =	vst v63  }
0x8f: {  	_ = 	snop  }
0x90: {  	[tilespmem:s18], [sflag:$0x1] =	stream.indirect_vreg.gather [hbm4b:s3+s2], $0x80, v3, vm0, $0xb8;
	[tilespmem:$0xC080] =	vst v63  }
0x91: {  	_ = 	snop  }
0x92: {  	[tilespmem:s19], [sflag:$0x1] =	stream.indirect_vreg.gather [hbm4b:s4+s2], $0x80, v3, vm0, $0xb8;
	[tilespmem:$0xC080] =	vst v63  }
0x93: {  	_ = 	snop  }
0x94: {  	[tilespmem:s20], [sflag:$0x1] =	stream.indirect_vreg.gather [hbm4b:s5+s2], $0x80, v3, vm0, $0xb8;
	[tilespmem:$0xC080] =	vst v63  }
0x95: {  	v3 =	vld [tilespmem:$0x20];
	_ =	sdelay $0x4  }
0x96: {  	v62 =	vshrl.u32 v3, $0x3  }
0x97: {  	v4 =	vmul.u32 $0x30, v62  }
0x98: {  	v3 =	vand.u32 $0x7, v3  }
0x99: {  	v3 =	vor.u32 v3, v4  }
0x9a: {  	v4 =	vperm.xlane v3, v0;
	_ =	sdelay $0x1  }
0x9b: {  	v4 =	vadd.s32 v1, v4;
	_ =	sdelay $0x3  }
0x9c: {  	v3 =	vperm.xlane v3, v2  }
0x9d: {  	[tilespmem:s21], [sflag:$0x1] =	stream.indirect_vreg.gather [hbm4b:s3+s2], $0x80, v4, vm0, $0xb8;
	[tilespmem:$0xC080] =	vst v63  }
0x9e: {  	v3 =	vadd.s32 v1, v3  }
0x9f: {  	[tilespmem:s22], [sflag:$0x1] =	stream.indirect_vreg.gather [hbm4b:s4+s2], $0x80, v4, vm0, $0xb8;
	[tilespmem:$0xC080] =	vst v63  }
0xa0: {  	_ = 	snop  }
0xa1: {  	[tilespmem:s23], [sflag:$0x1] =	stream.indirect_vreg.gather [hbm4b:s5+s2], $0x80, v4, vm0, $0xb8;
	[tilespmem:$0xC080] =	vst v63  }
0xa2: {  	_ = 	snop  }
0xa3: {  	[tilespmem:s24], [sflag:$0x1] =	stream.indirect_vreg.gather [hbm4b:s3+s2], $0x80, v3, vm0, $0xb8;
	[tilespmem:$0xC080] =	vst v63  }
0xa4: {  	_ = 	snop  }
0xa5: {  	[tilespmem:s25], [sflag:$0x1] =	stream.indirect_vreg.gather [hbm4b:s4+s2], $0x80, v3, vm0, $0xb8;
	[tilespmem:$0xC080] =	vst v63  }
0xa6: {  	_ = 	snop  }
0xa7: {  	[tilespmem:s26], [sflag:$0x1] =	stream.indirect_vreg.gather [hbm4b:s5+s2], $0x80, v3, vm0, $0xb8;
	[tilespmem:$0xC080] =	vst v63  }
0xa8: {  	v3 =	vld [tilespmem:$0x30];
	_ =	sdelay $0x4  }
0xa9: {  	v63 =	vshrl.u32 v3, $0x3  }
0xaa: {  	v4 =	vmul.u32 $0x30, v63  }
0xab: {  	v3 =	vand.u32 $0x7, v3  }
0xac: {  	v3 =	vor.u32 v3, v4  }
0xad: {  	v4 =	vperm.xlane v3, v0;
	_ =	sdelay $0x1  }
0xae: {  	v4 =	vadd.s32 v1, v4;
	_ =	sdelay $0x3  }
0xaf: {  	v3 =	vperm.xlane v3, v2  }
0xb0: {  	[tilespmem:s28], [sflag:$0x1] =	stream.indirect_vreg.gather [hbm4b:s3+s2], $0x80, v4, vm0, $0xb8;
	[tilespmem:$0xC080] =	vst v63  }
0xb1: {  	v3 =	vadd.s32 v1, v3  }
0xb2: {  	[tilespmem:s29], [sflag:$0x1] =	stream.indirect_vreg.gather [hbm4b:s4+s2], $0x80, v4, vm0, $0xb8;
	[tilespmem:$0xC080] =	vst v63  }
0xb3: {  	_ = 	snop  }
0xb4: {  	[tilespmem:s30], [sflag:$0x1] =	stream.indirect_vreg.gather [hbm4b:s5+s2], $0x80, v4, vm0, $0xb8;
	[tilespmem:$0xC080] =	vst v63  }
0xb5: {  	_ = 	snop  }
0xb6: {  	[tilespmem:s31], [sflag:$0x1] =	stream.indirect_vreg.gather [hbm4b:s3+s2], $0x80, v3, vm0, $0xb8;
	[tilespmem:$0xC080] =	vst v63  }
0xb7: {  	s9 =	simm.s32 $0xB080  }
0xb8: {  	[tilespmem:s9], [sflag:$0x1] =	stream.indirect_vreg.gather [hbm4b:s4+s2], $0x80, v3, vm0, $0xb8;
	[tilespmem:$0xC080] =	vst v63  }
0xb9: {  	_ = 	snop  }
0xba: {  	[tilespmem:s8], [sflag:$0x1] =	stream.indirect_vreg.gather [hbm4b:s5+s2], $0x80, v3, vm0, $0xb8;
	[tilespmem:$0xC080] =	vst v63  }
0xbb: {  	_ =	swait.ge [sflag:s0], $0xC000  }
0xbc: {  	p0 =	sne.s32 s6, $0x1;
	[sflag:s0] =	ssyncset.done $0x0  }
.Ltmp0:
0xbd: {  	s8 =	rddreg [dreg:$0x5];
	[sflag:s0] =	ssyncadd.s32 $0xFFFF4000;
	(pc) =	sbr.rel @p0 .LBB2_1-.Ltmp0, $4  }
0xbe: {  	[hbm4b:s8+s2] =	stream.linear.scatter [tilespmem:s1], [sflag:$0x2], $0xC000, $0x38;
	[tilespmem:$0xC080] =	vst v63  }
0xbf: {  	_ =	swait.ge [sflag:s7], $0xC000  }
0xc0: {  	[sflag:s7] =	ssyncset.done $0x0  }
0xc1: {  	s6 =	sadd.s32 $0xFFFFFFFF, s6;
	[sflag:s7] =	ssyncadd.s32 $0xFFFF4000  }
0xc2: {  	_ =	sfence.sel $0x180000  }
0xc3: {  	[bflag:$0x0] =	sbarrier.arrive $0xFFFF  }
0xc4: {  	_ =	strace $0x9000004A  }
0xc5: {  	s0 =	stileid.u32;
	[bflag:$0x2] =	sbarrier.arrive $0xFFFF  }
0xc6: {  	p0 =	sne.s32 s0, $0x0;
	s0 =	rddreg [dreg:$0x1]  }
0xc7: {  	s0 =	sadd.s32 @!p0 $0x100000, s0  }
0xc8: {  	[sflag:s0] =	ssyncadd.tile.s32 @!p0 $0x1;
	_ =	shalt  }
.Lfunc_end2:
_tile_overlayer_lowered:
.L_overlay_start_2:
0xc9: {  	(tag) =	ssettag $0x2  }
0xca: {  	s0 =	rddreg [dreg:$0x0];
	s2 =	stileid.u32  }
0xcb: {  	s1 =	rddreg [dreg:$0x1];
	p0 =	sne.s32 s2, $0x0  }
0xcc: {  	s3 =	rddreg [dreg:$0x2];
	[bflag:$0x3] =	sbarrier.arrive $0xFFFF;
	s2 =	simm.s32 @!p0 $0x1C02  }
0xcd: {  	[timem:s3], [sflag:s2] =	dma.local @!p0 [hbm:s0], s1  }
0xce: {  	s0 =	simm.s32 @!p0 $0x2  }
0xcf: {  	_ =	swait.ge @!p0 [sflag:s0], s1  }
0xd0: {  	s1 =	ssub.s32 @!p0 $0x0, s1;
	[sflag:s0] =	ssyncset.done @!p0 $0x0  }
0xd1: {  	[sflag:s0] =	ssyncadd.s32 @!p0 s1  }
0xd2: {  	[bflag:$0x3] =	sbarrier.arrive $0xFFFF  }
0xd3: {  	_ =	shalt  }

</sc_bundles>
